<compile_context>
chip_gen: v7x
topology: tpu7x:2x2x1
jax: 0.10.2.dev20260603
libtpu: 0.0.44.dev20260713+nightly
codegen_flags: <defaults>
</compile_context>

<pallas_src>
import jax
import jax.numpy as jnp
from jax import lax
from jax.experimental import pallas as pl
from jax.experimental.pallas import tpu as pltpu
from jax.experimental.pallas import tpu_sc as plsc

N = 10000
D = 128
NP = 10240
E = 320000
EP = 327680
K = 128
NBLKS = EP // K
TBLK = NBLKS // 16
CHK = 16
NCHK = TBLK // CHK
RPT = NP // 16

_MESH = plsc.VectorSubcoreMesh(core_axis_name="c", subcore_axis_name="s")


def _deg_body(dst_hbm, out_hbm, dst_sl, ones_v, zrow_v, dacc, sem_d):
  c = lax.axis_index("c")
  s = lax.axis_index("s")
  w = c * 16 + s
  for j in range(K // 16):
    ones_v[pl.ds(j * 16, 16)] = jnp.ones((16,), jnp.float32)
  def zfill(i, _):
    zrow_v[pl.ds(i * 16, 16)] = jnp.zeros((16,), jnp.float32)
    return _
  lax.fori_loop(0, RPT // 16, zfill, None)
  pltpu.sync_copy(zrow_v, dacc.at[pl.ds(s * RPT, RPT)])
  pltpu.sync_copy(dst_hbm.at[pl.ds(w * TBLK, TBLK)], dst_sl)
  plsc.subcore_barrier()
  def blk4(g, _):
    for q in range(4):
      pltpu.async_copy(ones_v, dacc.at[dst_sl.at[4 * g + q]], sem_d,
                       add=True)
    for q in range(4):
      pltpu.make_async_copy(ones_v, dacc.at[dst_sl.at[4 * g + q]],
                            sem_d).wait()
    return _
  lax.fori_loop(0, TBLK // 4, blk4, None)
  plsc.subcore_barrier()
  pltpu.sync_copy(dacc.at[pl.ds(s * RPT, RPT)], out_hbm.at[w])


_deg = pl.kernel(
    _deg_body,
    out_type=jax.ShapeDtypeStruct((32, RPT), jnp.float32),
    mesh=_MESH,
    scratch_types=[
        pltpu.VMEM((TBLK, K), jnp.int32),
        pltpu.VMEM((K,), jnp.float32),
        pltpu.VMEM((RPT,), jnp.float32),
        pltpu.VMEM_SHARED((NP,), jnp.float32),
        pltpu.SemaphoreType.DMA,
    ],
)


def _agg_body(hs_hbm, src_hbm, dst_hbm, out_hbm,
              src_sl, dst_sl, rows_a, rows_b, acc,
              sem_a, sem_b, sem_ss, sem_sd):
  c = lax.axis_index("c")
  s = lax.axis_index("s")
  w = c * 16 + s
  base = w * TBLK

  def slab_issue(ck, p):
    pltpu.async_copy(src_hbm.at[pl.ds(base + ck * CHK, CHK)],
                     src_sl.at[p], sem_ss)
    pltpu.async_copy(dst_hbm.at[pl.ds(base + ck * CHK, CHK)],
                     dst_sl.at[p], sem_sd)

  def slab_wait(ck, p):
    pltpu.make_async_copy(src_hbm.at[pl.ds(base + ck * CHK, CHK)],
                          src_sl.at[p], sem_ss).wait()
    pltpu.make_async_copy(dst_hbm.at[pl.ds(base + ck * CHK, CHK)],
                          dst_sl.at[p], sem_sd).wait()

  slab_issue(0, 0)
  slab_issue(1, 1)
  def zfill(i, _):
    for j in range(D // 16):
      rows_a[i, pl.ds(j * 16, 16)] = jnp.zeros((16,), jnp.float32)
    return _
  lax.fori_loop(0, K, zfill, None)
  def zcp(i, _):
    pltpu.async_copy(rows_a, acc.at[pl.ds(s * RPT + i * K, K)], sem_b)
    return _
  lax.fori_loop(0, RPT // K, zcp, None)
  def zwait(i, _):
    pltpu.make_async_copy(rows_a, acc.at[pl.ds(s * RPT + i * K, K)],
                          sem_b).wait()
    return _
  lax.fori_loop(0, RPT // K, zwait, None)
  plsc.subcore_barrier()

  slab_wait(0, 0)
  pltpu.async_copy(hs_hbm.at[src_sl.at[0, 0]], rows_a, sem_a)
  def chunk(ck, _):
    p = ck % 2
    pn = (ck + 1) % 2
    def pair(j, _2):
      e = 2 * j
      pltpu.async_copy(hs_hbm.at[src_sl.at[p, e + 1]], rows_b, sem_b)
      pltpu.make_async_copy(hs_hbm.at[src_sl.at[p, e]], rows_a, sem_a).wait()
      pltpu.sync_copy(rows_a, acc.at[dst_sl.at[p, e]], add=True)
      pltpu.async_copy(hs_hbm.at[src_sl.at[p, e + 2]], rows_a, sem_a)
      pltpu.make_async_copy(hs_hbm.at[src_sl.at[p, e + 1]], rows_b,
                            sem_b).wait()
      pltpu.sync_copy(rows_b, acc.at[dst_sl.at[p, e + 1]], add=True)
      return _2
    lax.fori_loop(0, CHK // 2 - 1, pair, None)
    @pl.when(ck + 1 < NCHK)
    def _wait_next_slab():
      slab_wait(ck + 1, pn)
    pltpu.async_copy(hs_hbm.at[src_sl.at[p, CHK - 1]], rows_b, sem_b)
    pltpu.make_async_copy(hs_hbm.at[src_sl.at[p, CHK - 2]], rows_a,
                          sem_a).wait()
    pltpu.sync_copy(rows_a, acc.at[dst_sl.at[p, CHK - 2]], add=True)
    @pl.when(ck + 1 < NCHK)
    def _cross_gather():
      pltpu.async_copy(hs_hbm.at[src_sl.at[pn, 0]], rows_a, sem_a)
    pltpu.make_async_copy(hs_hbm.at[src_sl.at[p, CHK - 1]], rows_b,
                          sem_b).wait()
    pltpu.sync_copy(rows_b, acc.at[dst_sl.at[p, CHK - 1]], add=True)
    @pl.when(ck + 2 < NCHK)
    def _issue_next_slab():
      slab_issue(ck + 2, p)
    return _
  lax.fori_loop(0, NCHK, chunk, None)
  plsc.subcore_barrier()
  pltpu.sync_copy(acc.at[pl.ds(s * RPT, RPT)], out_hbm.at[w])


_agg = pl.kernel(
    _agg_body,
    out_type=jax.ShapeDtypeStruct((32, RPT, D), jnp.float32),
    mesh=_MESH,
    scratch_types=[
        pltpu.VMEM((2, CHK, K), jnp.int32),
        pltpu.VMEM((2, CHK, K), jnp.int32),
        pltpu.VMEM((K, D), jnp.float32),
        pltpu.VMEM((K, D), jnp.float32),
        pltpu.VMEM_SHARED((NP, D), jnp.float32),
        pltpu.SemaphoreType.DMA,
        pltpu.SemaphoreType.DMA,
        pltpu.SemaphoreType.DMA,
        pltpu.SemaphoreType.DMA,
    ],
)


BM = 2048


def _mm2_body(x_ref, w_ref, degp_ref, rmask_ref, o_ref, dv_ref):
  dv0 = lax.rsqrt(degp_ref[0] + 1.0) * rmask_ref[...]
  dv1 = lax.rsqrt(degp_ref[1] + 1.0) * rmask_ref[...]
  dv_ref[0] = dv0
  dv_ref[1] = dv1
  h = jnp.dot(x_ref[...], w_ref[...], preferred_element_type=jnp.float32)
  o_ref[0] = dv0 * h[:, :D]
  o_ref[1] = dv1 * h[:, D:]


_mm2 = pl.pallas_call(
    _mm2_body,
    grid=(NP // BM,),
    in_specs=[
        pl.BlockSpec((BM, D), lambda i: (i, 0)),
        pl.BlockSpec((D, 2 * D), lambda i: (0, 0)),
        pl.BlockSpec((2, BM, 1), lambda i: (0, i, 0)),
        pl.BlockSpec((BM, 1), lambda i: (i, 0)),
    ],
    out_specs=[
        pl.BlockSpec((2, BM, D), lambda i: (0, i, 0)),
        pl.BlockSpec((2, BM, 1), lambda i: (0, i, 0)),
    ],
    out_shape=[
        jax.ShapeDtypeStruct((2, NP, D), jnp.float32),
        jax.ShapeDtypeStruct((2, NP, 1), jnp.float32),
    ],
)


def _mid_body(p_ref, hs_ref, b_ref, dv_ref, w_ref, o_ref):
  t1 = jnp.maximum(
      dv_ref[0] * (p_ref[0] + hs_ref[0]) + b_ref[0], 0.0)
  o_ref[0] = dv_ref[0] * jnp.dot(
      t1, w_ref[0], preferred_element_type=jnp.float32)
  t2 = jnp.maximum(
      dv_ref[1] * (p_ref[1] + hs_ref[1]) + b_ref[1], 0.0)
  o_ref[1] = dv_ref[1] * jnp.dot(
      t2, w_ref[1], preferred_element_type=jnp.float32)


_mid = pl.pallas_call(
    _mid_body,
    grid=(NP // BM,),
    in_specs=[
        pl.BlockSpec((2, BM, D), lambda i: (0, i, 0)),
        pl.BlockSpec((2, BM, D), lambda i: (0, i, 0)),
        pl.BlockSpec((2, 1, D), lambda i: (0, 0, 0)),
        pl.BlockSpec((2, BM, 1), lambda i: (0, i, 0)),
        pl.BlockSpec((2, D, D), lambda i: (0, 0, 0)),
    ],
    out_specs=pl.BlockSpec((2, BM, D), lambda i: (0, i, 0)),
    out_shape=jax.ShapeDtypeStruct((2, NP, D), jnp.float32),
)


BF = 2000


def _fin_body(p_ref, hs_ref, b_ref, dv_ref, o_ref):
  t1 = jnp.maximum(
      dv_ref[0] * (p_ref[0] + hs_ref[0]) + b_ref[0], 0.0)
  t2 = jnp.maximum(
      dv_ref[1] * (p_ref[1] + hs_ref[1]) + b_ref[1], 0.0)
  o_ref[...] = jnp.concatenate([t1, t2], axis=1)


_fin = pl.pallas_call(
    _fin_body,
    grid=(N // BF,),
    in_specs=[
        pl.BlockSpec((2, BF, D), lambda i: (0, i, 0)),
        pl.BlockSpec((2, BF, D), lambda i: (0, i, 0)),
        pl.BlockSpec((2, 1, D), lambda i: (0, 0, 0)),
        pl.BlockSpec((2, BF, 1), lambda i: (0, i, 0)),
    ],
    out_specs=pl.BlockSpec((BF, 2 * D), lambda i: (i, 0)),
    out_shape=jax.ShapeDtypeStruct((N, 2 * D), jnp.float32),
)


def _prep_edges(ei, src_off):
  src = ei[0].astype(jnp.int32)
  dst = ei[1].astype(jnp.int32)
  pad = N + jnp.arange(EP - E, dtype=jnp.int32) % (NP - N)
  src2 = jnp.concatenate([src + src_off, pad + src_off]).reshape(NBLKS, K)
  dst2 = jnp.concatenate([dst, pad]).reshape(NBLKS, K)
  return src2, dst2


def kernel(x, edge_index, edge_index_cross, W1, b1, W2, b2,
           Wc1, bc1, Wc2, bc2):
  f32 = jnp.float32
  xp = jnp.zeros((NP, D), f32).at[:N].set(x.astype(f32))
  s1, t1 = _prep_edges(edge_index, 0)
  s2, t2 = _prep_edges(edge_index_cross, NP)
  scat = jnp.concatenate([s1, s2], axis=0)
  tcat = jnp.concatenate([t1, t2], axis=0)

  degp = _deg(tcat).reshape(2, NP, 1)
  rmask = (jnp.arange(NP) < N).astype(f32).reshape(NP, 1)

  Wcat = jnp.concatenate([W1.astype(f32), Wc1.astype(f32)], axis=1)
  hs1, dv = _mm2(xp, Wcat, degp, rmask)

  p1 = _agg(hs1.reshape(2 * NP, D), scat, tcat).reshape(2, NP, D)

  bcat1 = jnp.stack([b1.reshape(1, D), bc1.reshape(1, D)]).astype(f32)
  bcat2 = jnp.stack([b2.reshape(1, D), bc2.reshape(1, D)]).astype(f32)
  W2cat = jnp.stack([W2.astype(f32), Wc2.astype(f32)])

  hs2 = _mid(p1, hs1, bcat1, dv, W2cat)

  p2 = _agg(hs2.reshape(2 * NP, D), scat, tcat).reshape(2, NP, D)

  return _fin(p2, hs2, bcat2, dv)

# --- scband reference (transcript-rebuilt; emitter-appended) ---
"""Pipeline reference for scband-dual-gcn-71871982731541 (READ-ONLY COPY).

The authoritative reference and input builder live on the scoring server;
editing this copy changes nothing except your own understanding.
"""

import jax, jax.numpy as jnp
import numpy as np

N_NODES = 10000
D_IN = 128
D_HID = 128
D_OUT = 128
N_EDGES = 320000


def gcn_conv(x, W, b, src, dst, n_nodes):
    # PyG GCNConv: add self loops, symmetric normalization D^-1/2 A D^-1/2, linear, bias
    loop = jnp.arange(n_nodes, dtype=src.dtype)
    src_f = jnp.concatenate([src, loop])
    dst_f = jnp.concatenate([dst, loop])
    deg = jnp.zeros((n_nodes,), dtype=x.dtype).at[dst_f].add(1.0)
    dinv = jnp.where(deg > 0, 1.0 / jnp.sqrt(deg), 0.0)
    norm = dinv[src_f] * dinv[dst_f]
    h = x @ W
    out = jnp.zeros((n_nodes, W.shape[1]), dtype=x.dtype).at[dst_f].add(norm[:, None] * h[src_f])
    return out + b


def setup_inputs(seed: int = 0) -> dict:
    key = jax.random.key(seed)
    ks = jax.random.split(key, 12)
    x = jax.random.normal(ks[0], (N_NODES, D_IN), dtype=jnp.float32)
    edge_index = jax.random.randint(ks[1], (2, N_EDGES), 0, N_NODES, dtype=jnp.int64)
    edge_index_cross = jax.random.randint(ks[2], (2, N_EDGES), 0, N_NODES, dtype=jnp.int64)
    def glorot(k, fan_in, fan_out):
        lim = jnp.sqrt(6.0 / (fan_in + fan_out))
        return jax.random.uniform(k, (fan_in, fan_out), dtype=jnp.float32, minval=-lim, maxval=lim)
    W1 = glorot(ks[3], D_IN, D_HID)
    b1 = jnp.zeros((D_HID,), dtype=jnp.float32)
    W2 = glorot(ks[4], D_HID, D_OUT)
    b2 = jnp.zeros((D_OUT,), dtype=jnp.float32)
    Wc1 = glorot(ks[5], D_IN, D_HID)
    bc1 = jnp.zeros((D_HID,), dtype=jnp.float32)
    Wc2 = glorot(ks[6], D_HID, D_OUT)
    bc2 = jnp.zeros((D_OUT,), dtype=jnp.float32)
    return {
        'x': x, 'edge_index': edge_index, 'edge_index_cross': edge_index_cross,
        'W1': W1, 'b1': b1, 'W2': W2, 'b2': b2,
        'Wc1': Wc1, 'bc1': bc1, 'Wc2': Wc2, 'bc2': bc2,
    }


def reference(x, edge_index, edge_index_cross, W1, b1, W2, b2, Wc1, bc1, Wc2, bc2):
    n = x.shape[0]
    src, dst = edge_index[0], edge_index[1]
    csrc, cdst = edge_index_cross[0], edge_index_cross[1]
    # branch 1: primary edges (dropout is identity in eval mode)
    x1 = gcn_conv(x, W1, b1, src, dst, n)
    x1 = jax.nn.relu(x1)
    x1 = gcn_conv(x1, W2, b2, src, dst, n)
    x1 = jax.nn.relu(x1)
    # branch 2: cross edges
    x2 = gcn_conv(x, Wc1, bc1, csrc, cdst, n)
    x2 = jax.nn.relu(x2)
    x2 = gcn_conv(x2, Wc2, bc2, csrc, cdst, n)
    x2 = jax.nn.relu(x2)
    return jnp.concatenate([x1, x2], axis=-1)

if __name__ == "__main__":
    import jax
    _d = setup_inputs()
    print(jax.jit(kernel)(*tuple(_d.values())))

</pallas_src>

<mosaic_0001>
#map = affine_map<(d0, d1) -> (0, 0)>
module attributes {stable_mosaic.version = 14 : i64} {
  func.func @_deg_body(%arg0: i32, %arg1: i32, %arg2: memref<5120x128xi32, #tpu.memory_space<hbm>>, %arg3: memref<32x640xf32, #tpu.memory_space<hbm>>, %arg4: memref<160x128xi32, #tpu.memory_space<vmem>>, %arg5: memref<128xf32, #tpu.memory_space<vmem>>, %arg6: memref<640xf32, #tpu.memory_space<vmem>>, %arg7: memref<10240xf32, #tpu.memory_space<vmem_shared>>, %arg8: memref<!tpu.dma_semaphore, #tpu.memory_space<semaphore_mem>>) attributes {dimension_semantics = [#tpu.dimension_semantics<core_parallel>, #tpu.dimension_semantics<subcore_parallel>], iteration_bounds = array<i64: 2, 16>, scalar_prefetch = 0 : i64, scratch_operands = 5 : i64, tpu.core_type = #tpu.core_type<sc_vector_subcore>, window_params = [{transform_indices = #map}, {transform_indices = #map}]} {
    %mul3A = arith.constant 16 : i32
    %mul3A_0 = arith.muli %arg0, %mul3A : i32
    %add3A = arith.addi %mul3A_0, %arg1 : i32
    %broadcast_in_dim3A = arith.constant 1.000000e+00 : f32
    %broadcast_in_dim3A_1 = vector.broadcast %broadcast_in_dim3A : f32 to vector<16xf32>
    %swap3A = arith.constant 0 : index
    %swap3A_2 = tpu.vector_load %arg5[%swap3A] {strides = array<i32>} : memref<128xf32, #tpu.memory_space<vmem>>, vector<16xf32>,
    %swap3A_3 = vector.shape_cast %swap3A_2 : vector<16xf32> to vector<16xf32>
    %swap3A_4 = vector.shape_cast %broadcast_in_dim3A_1 : vector<16xf32> to vector<16xf32>
    tpu.vector_store %arg5[%swap3A], %swap3A_4 {strides = array<i32>} : memref<128xf32, #tpu.memory_space<vmem>>, vector<16xf32>,
    %broadcast_in_dim3A_5 = arith.constant 1.000000e+00 : f32
    %broadcast_in_dim3A_6 = vector.broadcast %broadcast_in_dim3A_5 : f32 to vector<16xf32>
    %swap3A_7 = arith.constant 16 : index
    %swap3A_8 = tpu.vector_load %arg5[%swap3A_7] {strides = array<i32>} : memref<128xf32, #tpu.memory_space<vmem>>, vector<16xf32>,
    %swap3A_9 = vector.shape_cast %swap3A_8 : vector<16xf32> to vector<16xf32>
    %swap3A_10 = vector.shape_cast %broadcast_in_dim3A_6 : vector<16xf32> to vector<16xf32>
    tpu.vector_store %arg5[%swap3A_7], %swap3A_10 {strides = array<i32>} : memref<128xf32, #tpu.memory_space<vmem>>, vector<16xf32>,
    %broadcast_in_dim3A_11 = arith.constant 1.000000e+00 : f32
    %broadcast_in_dim3A_12 = vector.broadcast %broadcast_in_dim3A_11 : f32 to vector<16xf32>
    %swap3A_13 = arith.constant 32 : index
    %swap3A_14 = tpu.vector_load %arg5[%swap3A_13] {strides = array<i32>} : memref<128xf32, #tpu.memory_space<vmem>>, vector<16xf32>,
    %swap3A_15 = vector.shape_cast %swap3A_14 : vector<16xf32> to vector<16xf32>
    %swap3A_16 = vector.shape_cast %broadcast_in_dim3A_12 : vector<16xf32> to vector<16xf32>
    tpu.vector_store %arg5[%swap3A_13], %swap3A_16 {strides = array<i32>} : memref<128xf32, #tpu.memory_space<vmem>>, vector<16xf32>,
    %broadcast_in_dim3A_17 = arith.constant 1.000000e+00 : f32
    %broadcast_in_dim3A_18 = vector.broadcast %broadcast_in_dim3A_17 : f32 to vector<16xf32>
    %swap3A_19 = arith.constant 48 : index
    %swap3A_20 = tpu.vector_load %arg5[%swap3A_19] {strides = array<i32>} : memref<128xf32, #tpu.memory_space<vmem>>, vector<16xf32>,
    %swap3A_21 = vector.shape_cast %swap3A_20 : vector<16xf32> to vector<16xf32>
    %swap3A_22 = vector.shape_cast %broadcast_in_dim3A_18 : vector<16xf32> to vector<16xf32>
    tpu.vector_store %arg5[%swap3A_19], %swap3A_22 {strides = array<i32>} : memref<128xf32, #tpu.memory_space<vmem>>, vector<16xf32>,
    %broadcast_in_dim3A_23 = arith.constant 1.000000e+00 : f32
    %broadcast_in_dim3A_24 = vector.broadcast %broadcast_in_dim3A_23 : f32 to vector<16xf32>
    %swap3A_25 = arith.constant 64 : index
    %swap3A_26 = tpu.vector_load %arg5[%swap3A_25] {strides = array<i32>} : memref<128xf32, #tpu.memory_space<vmem>>, vector<16xf32>,
    %swap3A_27 = vector.shape_cast %swap3A_26 : vector<16xf32> to vector<16xf32>
    %swap3A_28 = vector.shape_cast %broadcast_in_dim3A_24 : vector<16xf32> to vector<16xf32>
    tpu.vector_store %arg5[%swap3A_25], %swap3A_28 {strides = array<i32>} : memref<128xf32, #tpu.memory_space<vmem>>, vector<16xf32>,
    %broadcast_in_dim3A_29 = arith.constant 1.000000e+00 : f32
    %broadcast_in_dim3A_30 = vector.broadcast %broadcast_in_dim3A_29 : f32 to vector<16xf32>
    %swap3A_31 = arith.constant 80 : index
    %swap3A_32 = tpu.vector_load %arg5[%swap3A_31] {strides = array<i32>} : memref<128xf32, #tpu.memory_space<vmem>>, vector<16xf32>,
    %swap3A_33 = vector.shape_cast %swap3A_32 : vector<16xf32> to vector<16xf32>
    %swap3A_34 = vector.shape_cast %broadcast_in_dim3A_30 : vector<16xf32> to vector<16xf32>
    tpu.vector_store %arg5[%swap3A_31], %swap3A_34 {strides = array<i32>} : memref<128xf32, #tpu.memory_space<vmem>>, vector<16xf32>,
    %broadcast_in_dim3A_35 = arith.constant 1.000000e+00 : f32
    %broadcast_in_dim3A_36 = vector.broadcast %broadcast_in_dim3A_35 : f32 to vector<16xf32>
    %swap3A_37 = arith.constant 96 : index
    %swap3A_38 = tpu.vector_load %arg5[%swap3A_37] {strides = array<i32>} : memref<128xf32, #tpu.memory_space<vmem>>, vector<16xf32>,
    %swap3A_39 = vector.shape_cast %swap3A_38 : vector<16xf32> to vector<16xf32>
    %swap3A_40 = vector.shape_cast %broadcast_in_dim3A_36 : vector<16xf32> to vector<16xf32>
    tpu.vector_store %arg5[%swap3A_37], %swap3A_40 {strides = array<i32>} : memref<128xf32, #tpu.memory_space<vmem>>, vector<16xf32>,
    %broadcast_in_dim3A_41 = arith.constant 1.000000e+00 : f32
    %broadcast_in_dim3A_42 = vector.broadcast %broadcast_in_dim3A_41 : f32 to vector<16xf32>
    %swap3A_43 = arith.constant 112 : index
    %swap3A_44 = tpu.vector_load %arg5[%swap3A_43] {strides = array<i32>} : memref<128xf32, #tpu.memory_space<vmem>>, vector<16xf32>,
    %swap3A_45 = vector.shape_cast %swap3A_44 : vector<16xf32> to vector<16xf32>
    %swap3A_46 = vector.shape_cast %broadcast_in_dim3A_42 : vector<16xf32> to vector<16xf32>
    tpu.vector_store %arg5[%swap3A_43], %swap3A_46 {strides = array<i32>} : memref<128xf32, #tpu.memory_space<vmem>>, vector<16xf32>,
    %scan3A = arith.constant 0 : i32
    %scan3A_47 = arith.constant 40 : i32
    %scan3A_48 = arith.addi %scan3A, %scan3A_47 : i32
    %scan3A_49 = arith.constant 1 : i32
    scf.for %scan3A_63 = %scan3A to %scan3A_48 step %scan3A_49  : i32 {
      %broadcast_in_dim3A_64 = arith.constant 0.000000e+00 : f32
      %broadcast_in_dim3A_65 = vector.broadcast %broadcast_in_dim3A_64 : f32 to vector<16xf32>
      %mul3A_66 = arith.constant 16 : i32
      %mul3A_67 = arith.muli %scan3A_63, %mul3A_66 : i32
      %swap3A_68 = arith.index_cast %mul3A_67 : i32 to index
      %swap3A_69 = tpu.vector_load %arg6[%swap3A_68] {strides = array<i32>} : memref<640xf32, #tpu.memory_space<vmem>>, vector<16xf32>,
      %swap3A_70 = vector.shape_cast %swap3A_69 : vector<16xf32> to vector<16xf32>
      %swap3A_71 = vector.shape_cast %broadcast_in_dim3A_65 : vector<16xf32> to vector<16xf32>
      tpu.vector_store %arg6[%swap3A_68], %swap3A_71 {strides = array<i32>} : memref<640xf32, #tpu.memory_space<vmem>>, vector<16xf32>,
    }
    %scan3A_50 = arith.constant 40 : i32
    %mul3A_51 = arith.constant 640 : i32
    %mul3A_52 = arith.muli %arg1, %mul3A_51 : i32
    "tpu.region"() ({
      %run_scoped3A = tpu.sem_alloc : memref<!tpu.dma_semaphore, #tpu.memory_space<semaphore_mem>>
      %dma_start3A = tpu.memref_slice %arg7[%mul3A_52] : memref<10240xf32, #tpu.memory_space<vmem_shared>> -> memref<640xf32, #tpu.memory_space<vmem_shared>>
      %dma_start3A_63 = tpu.memref_slice %arg7[%mul3A_52] : memref<10240xf32, #tpu.memory_space<vmem_shared>> -> memref<640xf32, #tpu.memory_space<vmem_shared>>
      tpu.enqueue_dma source(%arg6 : memref<640xf32, #tpu.memory_space<vmem>>) target(%dma_start3A_63 : memref<640xf32, #tpu.memory_space<vmem_shared>>) target_semaphore(%run_scoped3A : memref<!tpu.dma_semaphore, #tpu.memory_space<semaphore_mem>>)
      %dma_wait3A = tpu.memref_slice %arg7[%mul3A_52] : memref<10240xf32, #tpu.memory_space<vmem_shared>> -> memref<640xf32, #tpu.memory_space<vmem_shared>>
      %dma_wait3A_64 = tpu.memref_slice %arg7[%mul3A_52] : memref<10240xf32, #tpu.memory_space<vmem_shared>> -> memref<640xf32, #tpu.memory_space<vmem_shared>>
      tpu.wait_dma2 semaphore(%run_scoped3A : memref<!tpu.dma_semaphore, #tpu.memory_space<semaphore_mem>>) src(%arg6 : memref<640xf32, #tpu.memory_space<vmem>>) dst(%dma_wait3A_64 : memref<640xf32, #tpu.memory_space<vmem_shared>>)
      tpu.yield
    }) : () -> ()
    %mul3A_53 = arith.constant 160 : i32
    %mul3A_54 = arith.muli %add3A, %mul3A_53 : i32
    "tpu.region"() ({
      %run_scoped3A = tpu.sem_alloc : memref<!tpu.dma_semaphore, #tpu.memory_space<semaphore_mem>>
      %dma_start3A = arith.constant 0 : i32
      %dma_start3A_63 = tpu.memref_slice %arg2[%mul3A_54, %dma_start3A] : memref<5120x128xi32, #tpu.memory_space<hbm>> -> memref<160x128xi32, #tpu.memory_space<hbm>>
      %dma_start3A_64 = arith.constant 0 : i32
      %dma_start3A_65 = tpu.memref_slice %arg2[%mul3A_54, %dma_start3A_64] : memref<5120x128xi32, #tpu.memory_space<hbm>> -> memref<160x128xi32, #tpu.memory_space<hbm>>
      tpu.enqueue_dma source(%dma_start3A_65 : memref<160x128xi32, #tpu.memory_space<hbm>>) target(%arg4 : memref<160x128xi32, #tpu.memory_space<vmem>>) target_semaphore(%run_scoped3A : memref<!tpu.dma_semaphore, #tpu.memory_space<semaphore_mem>>)
      %dma_wait3A = arith.constant 0 : i32
      %dma_wait3A_66 = tpu.memref_slice %arg2[%mul3A_54, %dma_wait3A] : memref<5120x128xi32, #tpu.memory_space<hbm>> -> memref<160x128xi32, #tpu.memory_space<hbm>>
      %dma_wait3A_67 = arith.constant 0 : i32
      %dma_wait3A_68 = tpu.memref_slice %arg2[%mul3A_54, %dma_wait3A_67] : memref<5120x128xi32, #tpu.memory_space<hbm>> -> memref<160x128xi32, #tpu.memory_space<hbm>>
      tpu.wait_dma2 semaphore(%run_scoped3A : memref<!tpu.dma_semaphore, #tpu.memory_space<semaphore_mem>>) src(%dma_wait3A_68 : memref<160x128xi32, #tpu.memory_space<hbm>>) dst(%arg4 : memref<160x128xi32, #tpu.memory_space<vmem>>)
      tpu.yield
    }) : () -> ()
    %barrier3A = arith.constant 0 : index
    tpu.barrier barrier_id(%barrier3A)
    %scan3A_55 = arith.constant 0 : i32
    %scan3A_56 = arith.constant 40 : i32
    %scan3A_57 = arith.addi %scan3A_55, %scan3A_56 : i32
    %scan3A_58 = arith.constant 1 : i32
    scf.for %scan3A_63 = %scan3A_55 to %scan3A_57 step %scan3A_58  : i32 {
      %mul3A_64 = arith.constant 4 : i32
      %mul3A_65 = arith.muli %mul3A_64, %scan3A_63 : i32
      %add3A_66 = arith.constant 0 : i32
      %add3A_67 = arith.addi %mul3A_65, %add3A_66 : i32
      %dma_start3A = arith.constant 0 : i32
      %dma_start3A_68 = tpu.memref_slice %arg4[%add3A_67, %dma_start3A] : memref<160x128xi32, #tpu.memory_space<vmem>> -> memref<1x128xi32, #tpu.memory_space<vmem>>
      %dma_start3A_69 = tpu.memref_squeeze %dma_start3A_68 : memref<1x128xi32, #tpu.memory_space<vmem>> -> memref<128xi32, #tpu.memory_space<vmem>>
      %dma_start3A_70 = arith.constant 0 : i32
      %dma_start3A_71 = tpu.memref_slice %arg7[%dma_start3A_70] : memref<10240xf32, #tpu.memory_space<vmem_shared>> -> memref<10240xf32, #tpu.memory_space<vmem_shared>>
      tpu.enqueue_indirect_dma source(%arg5 : memref<128xf32, #tpu.memory_space<vmem>>) target(%dma_start3A_71 : memref<10240xf32, #tpu.memory_space<vmem_shared>>) offsets(%dma_start3A_69 : memref<128xi32, #tpu.memory_space<vmem>>) semaphore(%arg8 : memref<!tpu.dma_semaphore, #tpu.memory_space<semaphore_mem>>) {add = true}
      %mul3A_72 = arith.constant 4 : i32
      %mul3A_73 = arith.muli %mul3A_72, %scan3A_63 : i32
      %add3A_74 = arith.constant 1 : i32
      %add3A_75 = arith.addi %mul3A_73, %add3A_74 : i32
      %dma_start3A_76 = arith.constant 0 : i32
      %dma_start3A_77 = tpu.memref_slice %arg4[%add3A_75, %dma_start3A_76] : memref<160x128xi32, #tpu.memory_space<vmem>> -> memref<1x128xi32, #tpu.memory_space<vmem>>
      %dma_start3A_78 = tpu.memref_squeeze %dma_start3A_77 : memref<1x128xi32, #tpu.memory_space<vmem>> -> memref<128xi32, #tpu.memory_space<vmem>>
      %dma_start3A_79 = arith.constant 0 : i32
      %dma_start3A_80 = tpu.memref_slice %arg7[%dma_start3A_79] : memref<10240xf32, #tpu.memory_space<vmem_shared>> -> memref<10240xf32, #tpu.memory_space<vmem_shared>>
      tpu.enqueue_indirect_dma source(%arg5 : memref<128xf32, #tpu.memory_space<vmem>>) target(%dma_start3A_80 : memref<10240xf32, #tpu.memory_space<vmem_shared>>) offsets(%dma_start3A_78 : memref<128xi32, #tpu.memory_space<vmem>>) semaphore(%arg8 : memref<!tpu.dma_semaphore, #tpu.memory_space<semaphore_mem>>) {add = true}
      %mul3A_81 = arith.constant 4 : i32
      %mul3A_82 = arith.muli %mul3A_81, %scan3A_63 : i32
      %add3A_83 = arith.constant 2 : i32
      %add3A_84 = arith.addi %mul3A_82, %add3A_83 : i32
      %dma_start3A_85 = arith.constant 0 : i32
      %dma_start3A_86 = tpu.memref_slice %arg4[%add3A_84, %dma_start3A_85] : memref<160x128xi32, #tpu.memory_space<vmem>> -> memref<1x128xi32, #tpu.memory_space<vmem>>
      %dma_start3A_87 = tpu.memref_squeeze %dma_start3A_86 : memref<1x128xi32, #tpu.memory_space<vmem>> -> memref<128xi32, #tpu.memory_space<vmem>>
      %dma_start3A_88 = arith.constant 0 : i32
      %dma_start3A_89 = tpu.memref_slice %arg7[%dma_start3A_88] : memref<10240xf32, #tpu.memory_space<vmem_shared>> -> memref<10240xf32, #tpu.memory_space<vmem_shared>>
      tpu.enqueue_indirect_dma source(%arg5 : memref<128xf32, #tpu.memory_space<vmem>>) target(%dma_start3A_89 : memref<10240xf32, #tpu.memory_space<vmem_shared>>) offsets(%dma_start3A_87 : memref<128xi32, #tpu.memory_space<vmem>>) semaphore(%arg8 : memref<!tpu.dma_semaphore, #tpu.memory_space<semaphore_mem>>) {add = true}
      %mul3A_90 = arith.constant 4 : i32
      %mul3A_91 = arith.muli %mul3A_90, %scan3A_63 : i32
      %add3A_92 = arith.constant 3 : i32
      %add3A_93 = arith.addi %mul3A_91, %add3A_92 : i32
      %dma_start3A_94 = arith.constant 0 : i32
      %dma_start3A_95 = tpu.memref_slice %arg4[%add3A_93, %dma_start3A_94] : memref<160x128xi32, #tpu.memory_space<vmem>> -> memref<1x128xi32, #tpu.memory_space<vmem>>
      %dma_start3A_96 = tpu.memref_squeeze %dma_start3A_95 : memref<1x128xi32, #tpu.memory_space<vmem>> -> memref<128xi32, #tpu.memory_space<vmem>>
      %dma_start3A_97 = arith.constant 0 : i32
      %dma_start3A_98 = tpu.memref_slice %arg7[%dma_start3A_97] : memref<10240xf32, #tpu.memory_space<vmem_shared>> -> memref<10240xf32, #tpu.memory_space<vmem_shared>>
      tpu.enqueue_indirect_dma source(%arg5 : memref<128xf32, #tpu.memory_space<vmem>>) target(%dma_start3A_98 : memref<10240xf32, #tpu.memory_space<vmem_shared>>) offsets(%dma_start3A_96 : memref<128xi32, #tpu.memory_space<vmem>>) semaphore(%arg8 : memref<!tpu.dma_semaphore, #tpu.memory_space<semaphore_mem>>) {add = true}
      %mul3A_99 = arith.constant 4 : i32
      %mul3A_100 = arith.muli %mul3A_99, %scan3A_63 : i32
      %add3A_101 = arith.constant 0 : i32
      %add3A_102 = arith.addi %mul3A_100, %add3A_101 : i32
      %dma_wait3A = arith.constant 0 : i32
      %dma_wait3A_103 = tpu.memref_slice %arg4[%add3A_102, %dma_wait3A] : memref<160x128xi32, #tpu.memory_space<vmem>> -> memref<1x128xi32, #tpu.memory_space<vmem>>
      %dma_wait3A_104 = tpu.memref_squeeze %dma_wait3A_103 : memref<1x128xi32, #tpu.memory_space<vmem>> -> memref<128xi32, #tpu.memory_space<vmem>>
      %dma_wait3A_105 = arith.constant 0 : i32
      %dma_wait3A_106 = tpu.memref_slice %arg7[%dma_wait3A_105] : memref<10240xf32, #tpu.memory_space<vmem_shared>> -> memref<10240xf32, #tpu.memory_space<vmem_shared>>
      tpu.wait_indirect_dma semaphore(%arg8 : memref<!tpu.dma_semaphore, #tpu.memory_space<semaphore_mem>>) src(%arg5 : memref<128xf32, #tpu.memory_space<vmem>>) dst(%dma_wait3A_106 : memref<10240xf32, #tpu.memory_space<vmem_shared>>)
      %mul3A_107 = arith.constant 4 : i32
      %mul3A_108 = arith.muli %mul3A_107, %scan3A_63 : i32
      %add3A_109 = arith.constant 1 : i32
      %add3A_110 = arith.addi %mul3A_108, %add3A_109 : i32
      %dma_wait3A_111 = arith.constant 0 : i32
      %dma_wait3A_112 = tpu.memref_slice %arg4[%add3A_110, %dma_wait3A_111] : memref<160x128xi32, #tpu.memory_space<vmem>> -> memref<1x128xi32, #tpu.memory_space<vmem>>
      %dma_wait3A_113 = tpu.memref_squeeze %dma_wait3A_112 : memref<1x128xi32, #tpu.memory_space<vmem>> -> memref<128xi32, #tpu.memory_space<vmem>>
      %dma_wait3A_114 = arith.constant 0 : i32
      %dma_wait3A_115 = tpu.memref_slice %arg7[%dma_wait3A_114] : memref<10240xf32, #tpu.memory_space<vmem_shared>> -> memref<10240xf32, #tpu.memory_space<vmem_shared>>
      tpu.wait_indirect_dma semaphore(%arg8 : memref<!tpu.dma_semaphore, #tpu.memory_space<semaphore_mem>>) src(%arg5 : memref<128xf32, #tpu.memory_space<vmem>>) dst(%dma_wait3A_115 : memref<10240xf32, #tpu.memory_space<vmem_shared>>)
      %mul3A_116 = arith.constant 4 : i32
      %mul3A_117 = arith.muli %mul3A_116, %scan3A_63 : i32
      %add3A_118 = arith.constant 2 : i32
      %add3A_119 = arith.addi %mul3A_117, %add3A_118 : i32
      %dma_wait3A_120 = arith.constant 0 : i32
      %dma_wait3A_121 = tpu.memref_slice %arg4[%add3A_119, %dma_wait3A_120] : memref<160x128xi32, #tpu.memory_space<vmem>> -> memref<1x128xi32, #tpu.memory_space<vmem>>
      %dma_wait3A_122 = tpu.memref_squeeze %dma_wait3A_121 : memref<1x128xi32, #tpu.memory_space<vmem>> -> memref<128xi32, #tpu.memory_space<vmem>>
      %dma_wait3A_123 = arith.constant 0 : i32
      %dma_wait3A_124 = tpu.memref_slice %arg7[%dma_wait3A_123] : memref<10240xf32, #tpu.memory_space<vmem_shared>> -> memref<10240xf32, #tpu.memory_space<vmem_shared>>
      tpu.wait_indirect_dma semaphore(%arg8 : memref<!tpu.dma_semaphore, #tpu.memory_space<semaphore_mem>>) src(%arg5 : memref<128xf32, #tpu.memory_space<vmem>>) dst(%dma_wait3A_124 : memref<10240xf32, #tpu.memory_space<vmem_shared>>)
      %mul3A_125 = arith.constant 4 : i32
      %mul3A_126 = arith.muli %mul3A_125, %scan3A_63 : i32
      %add3A_127 = arith.constant 3 : i32
      %add3A_128 = arith.addi %mul3A_126, %add3A_127 : i32
      %dma_wait3A_129 = arith.constant 0 : i32
      %dma_wait3A_130 = tpu.memref_slice %arg4[%add3A_128, %dma_wait3A_129] : memref<160x128xi32, #tpu.memory_space<vmem>> -> memref<1x128xi32, #tpu.memory_space<vmem>>
      %dma_wait3A_131 = tpu.memref_squeeze %dma_wait3A_130 : memref<1x128xi32, #tpu.memory_space<vmem>> -> memref<128xi32, #tpu.memory_space<vmem>>
      %dma_wait3A_132 = arith.constant 0 : i32
      %dma_wait3A_133 = tpu.memref_slice %arg7[%dma_wait3A_132] : memref<10240xf32, #tpu.memory_space<vmem_shared>> -> memref<10240xf32, #tpu.memory_space<vmem_shared>>
      tpu.wait_indirect_dma semaphore(%arg8 : memref<!tpu.dma_semaphore, #tpu.memory_space<semaphore_mem>>) src(%arg5 : memref<128xf32, #tpu.memory_space<vmem>>) dst(%dma_wait3A_133 : memref<10240xf32, #tpu.memory_space<vmem_shared>>)
    }
    %scan3A_59 = arith.constant 40 : i32
    %barrier3A_60 = arith.constant 0 : index
    tpu.barrier barrier_id(%barrier3A_60)
    %mul3A_61 = arith.constant 640 : i32
    %mul3A_62 = arith.muli %arg1, %mul3A_61 : i32
    "tpu.region"() ({
      %run_scoped3A = tpu.sem_alloc : memref<!tpu.dma_semaphore, #tpu.memory_space<semaphore_mem>>
      %dma_start3A = arith.constant 0 : i32
      %dma_start3A_63 = tpu.memref_slice %arg3[%add3A, %dma_start3A] : memref<32x640xf32, #tpu.memory_space<hbm>> -> memref<1x640xf32, #tpu.memory_space<hbm>>
      %dma_start3A_64 = tpu.memref_squeeze %dma_start3A_63 : memref<1x640xf32, #tpu.memory_space<hbm>> -> memref<640xf32, #tpu.memory_space<hbm>>
      %dma_start3A_65 = tpu.memref_slice %arg7[%mul3A_62] : memref<10240xf32, #tpu.memory_space<vmem_shared>> -> memref<640xf32, #tpu.memory_space<vmem_shared>>
      tpu.enqueue_dma source(%dma_start3A_65 : memref<640xf32, #tpu.memory_space<vmem_shared>>) target(%dma_start3A_64 : memref<640xf32, #tpu.memory_space<hbm>>) target_semaphore(%run_scoped3A : memref<!tpu.dma_semaphore, #tpu.memory_space<semaphore_mem>>)
      %dma_wait3A = arith.constant 0 : i32
      %dma_wait3A_66 = tpu.memref_slice %arg3[%add3A, %dma_wait3A] : memref<32x640xf32, #tpu.memory_space<hbm>> -> memref<1x640xf32, #tpu.memory_space<hbm>>
      %dma_wait3A_67 = tpu.memref_squeeze %dma_wait3A_66 : memref<1x640xf32, #tpu.memory_space<hbm>> -> memref<640xf32, #tpu.memory_space<hbm>>
      %dma_wait3A_68 = tpu.memref_slice %arg7[%mul3A_62] : memref<10240xf32, #tpu.memory_space<vmem_shared>> -> memref<640xf32, #tpu.memory_space<vmem_shared>>
      tpu.wait_dma2 semaphore(%run_scoped3A : memref<!tpu.dma_semaphore, #tpu.memory_space<semaphore_mem>>) src(%dma_wait3A_68 : memref<640xf32, #tpu.memory_space<vmem_shared>>) dst(%dma_wait3A_67 : memref<640xf32, #tpu.memory_space<hbm>>)
      tpu.yield
    }) : () -> ()
    return
  }
}

#map = affine_map<(d0, d1) -> (0, 0)>
#map1 = affine_map<(d0, d1) -> (0, 0, 0)>
module attributes {stable_mosaic.version = 14 : i64} {
  func.func @_agg_body(%arg0: i32, %arg1: i32, %arg2: memref<20480x128xf32, #tpu.memory_space<hbm>>, %arg3: memref<5120x128xi32, #tpu.memory_space<hbm>>, %arg4: memref<5120x128xi32, #tpu.memory_space<hbm>>, %arg5: memref<32x640x128xf32, #tpu.memory_space<hbm>>, %arg6: memref<2x16x128xi32, #tpu.memory_space<vmem>>, %arg7: memref<2x16x128xi32, #tpu.memory_space<vmem>>, %arg8: memref<128x128xf32, #tpu.memory_space<vmem>>, %arg9: memref<128x128xf32, #tpu.memory_space<vmem>>, %arg10: memref<10240x128xf32, #tpu.memory_space<vmem_shared>>, %arg11: memref<!tpu.dma_semaphore, #tpu.memory_space<semaphore_mem>>, %arg12: memref<!tpu.dma_semaphore, #tpu.memory_space<semaphore_mem>>, %arg13: memref<!tpu.dma_semaphore, #tpu.memory_space<semaphore_mem>>, %arg14: memref<!tpu.dma_semaphore, #tpu.memory_space<semaphore_mem>>) attributes {dimension_semantics = [#tpu.dimension_semantics<core_parallel>, #tpu.dimension_semantics<subcore_parallel>], iteration_bounds = array<i64: 2, 16>, scalar_prefetch = 0 : i64, scratch_operands = 9 : i64, tpu.core_type = #tpu.core_type<sc_vector_subcore>, window_params = [{transform_indices = #map}, {transform_indices = #map}, {transform_indices = #map}, {transform_indices = #map1}]} {
    %mul3A = arith.constant 16 : i32
    %mul3A_0 = arith.muli %arg0, %mul3A : i32
    %add3A = arith.addi %mul3A_0, %arg1 : i32
    %mul3A_1 = arith.constant 160 : i32
    %mul3A_2 = arith.muli %add3A, %mul3A_1 : i32
    %add3A_3 = arith.constant 0 : i32
    %add3A_4 = arith.addi %mul3A_2, %add3A_3 : i32
    %dma_start3A = arith.constant 0 : i32
    %dma_start3A_5 = arith.constant 0 : i32
    %dma_start3A_6 = arith.constant 0 : i32
    %dma_start3A_7 = tpu.memref_slice %arg6[%dma_start3A, %dma_start3A_5, %dma_start3A_6] : memref<2x16x128xi32, #tpu.memory_space<vmem>> -> memref<1x16x128xi32, #tpu.memory_space<vmem>>
    %dma_start3A_8 = tpu.memref_squeeze %dma_start3A_7 : memref<1x16x128xi32, #tpu.memory_space<vmem>> -> memref<16x128xi32, #tpu.memory_space<vmem>>
    %dma_start3A_9 = arith.constant 0 : i32
    %dma_start3A_10 = tpu.memref_slice %arg3[%add3A_4, %dma_start3A_9] : memref<5120x128xi32, #tpu.memory_space<hbm>> -> memref<16x128xi32, #tpu.memory_space<hbm>>
    %dma_start3A_11 = arith.constant 0 : i32
    %dma_start3A_12 = arith.constant 0 : i32
    %dma_start3A_13 = tpu.memref_slice %arg6[%dma_start3A, %dma_start3A_11, %dma_start3A_12] : memref<2x16x128xi32, #tpu.memory_space<vmem>> -> memref<1x16x128xi32, #tpu.memory_space<vmem>>
    %dma_start3A_14 = tpu.memref_squeeze %dma_start3A_13 : memref<1x16x128xi32, #tpu.memory_space<vmem>> -> memref<16x128xi32, #tpu.memory_space<vmem>>
    %dma_start3A_15 = arith.constant 0 : i32
    %dma_start3A_16 = tpu.memref_slice %arg3[%add3A_4, %dma_start3A_15] : memref<5120x128xi32, #tpu.memory_space<hbm>> -> memref<16x128xi32, #tpu.memory_space<hbm>>
    tpu.enqueue_dma source(%dma_start3A_16 : memref<16x128xi32, #tpu.memory_space<hbm>>) target(%dma_start3A_14 : memref<16x128xi32, #tpu.memory_space<vmem>>) target_semaphore(%arg13 : memref<!tpu.dma_semaphore, #tpu.memory_space<semaphore_mem>>)
    %add3A_17 = arith.constant 0 : i32
    %add3A_18 = arith.addi %mul3A_2, %add3A_17 : i32
    %dma_start3A_19 = arith.constant 0 : i32
    %dma_start3A_20 = arith.constant 0 : i32
    %dma_start3A_21 = arith.constant 0 : i32
    %dma_start3A_22 = tpu.memref_slice %arg7[%dma_start3A_19, %dma_start3A_20, %dma_start3A_21] : memref<2x16x128xi32, #tpu.memory_space<vmem>> -> memref<1x16x128xi32, #tpu.memory_space<vmem>>
    %dma_start3A_23 = tpu.memref_squeeze %dma_start3A_22 : memref<1x16x128xi32, #tpu.memory_space<vmem>> -> memref<16x128xi32, #tpu.memory_space<vmem>>
    %dma_start3A_24 = arith.constant 0 : i32
    %dma_start3A_25 = tpu.memref_slice %arg4[%add3A_18, %dma_start3A_24] : memref<5120x128xi32, #tpu.memory_space<hbm>> -> memref<16x128xi32, #tpu.memory_space<hbm>>
    %dma_start3A_26 = arith.constant 0 : i32
    %dma_start3A_27 = arith.constant 0 : i32
    %dma_start3A_28 = tpu.memref_slice %arg7[%dma_start3A_19, %dma_start3A_26, %dma_start3A_27] : memref<2x16x128xi32, #tpu.memory_space<vmem>> -> memref<1x16x128xi32, #tpu.memory_space<vmem>>
    %dma_start3A_29 = tpu.memref_squeeze %dma_start3A_28 : memref<1x16x128xi32, #tpu.memory_space<vmem>> -> memref<16x128xi32, #tpu.memory_space<vmem>>
    %dma_start3A_30 = arith.constant 0 : i32
    %dma_start3A_31 = tpu.memref_slice %arg4[%add3A_18, %dma_start3A_30] : memref<5120x128xi32, #tpu.memory_space<hbm>> -> memref<16x128xi32, #tpu.memory_space<hbm>>
    tpu.enqueue_dma source(%dma_start3A_31 : memref<16x128xi32, #tpu.memory_space<hbm>>) target(%dma_start3A_29 : memref<16x128xi32, #tpu.memory_space<vmem>>) target_semaphore(%arg14 : memref<!tpu.dma_semaphore, #tpu.memory_space<semaphore_mem>>)
    %add3A_32 = arith.constant 16 : i32
    %add3A_33 = arith.addi %mul3A_2, %add3A_32 : i32
    %dma_start3A_34 = arith.constant 1 : i32
    %dma_start3A_35 = arith.constant 0 : i32
    %dma_start3A_36 = arith.constant 0 : i32
    %dma_start3A_37 = tpu.memref_slice %arg6[%dma_start3A_34, %dma_start3A_35, %dma_start3A_36] : memref<2x16x128xi32, #tpu.memory_space<vmem>> -> memref<1x16x128xi32, #tpu.memory_space<vmem>>
    %dma_start3A_38 = tpu.memref_squeeze %dma_start3A_37 : memref<1x16x128xi32, #tpu.memory_space<vmem>> -> memref<16x128xi32, #tpu.memory_space<vmem>>
    %dma_start3A_39 = arith.constant 0 : i32
    %dma_start3A_40 = tpu.memref_slice %arg3[%add3A_33, %dma_start3A_39] : memref<5120x128xi32, #tpu.memory_space<hbm>> -> memref<16x128xi32, #tpu.memory_space<hbm>>
    %dma_start3A_41 = arith.constant 0 : i32
    %dma_start3A_42 = arith.constant 0 : i32
    %dma_start3A_43 = tpu.memref_slice %arg6[%dma_start3A_34, %dma_start3A_41, %dma_start3A_42] : memref<2x16x128xi32, #tpu.memory_space<vmem>> -> memref<1x16x128xi32, #tpu.memory_space<vmem>>
    %dma_start3A_44 = tpu.memref_squeeze %dma_start3A_43 : memref<1x16x128xi32, #tpu.memory_space<vmem>> -> memref<16x128xi32, #tpu.memory_space<vmem>>
    %dma_start3A_45 = arith.constant 0 : i32
    %dma_start3A_46 = tpu.memref_slice %arg3[%add3A_33, %dma_start3A_45] : memref<5120x128xi32, #tpu.memory_space<hbm>> -> memref<16x128xi32, #tpu.memory_space<hbm>>
    tpu.enqueue_dma source(%dma_start3A_46 : memref<16x128xi32, #tpu.memory_space<hbm>>) target(%dma_start3A_44 : memref<16x128xi32, #tpu.memory_space<vmem>>) target_semaphore(%arg13 : memref<!tpu.dma_semaphore, #tpu.memory_space<semaphore_mem>>)
    %add3A_47 = arith.constant 16 : i32
    %add3A_48 = arith.addi %mul3A_2, %add3A_47 : i32
    %dma_start3A_49 = arith.constant 1 : i32
    %dma_start3A_50 = arith.constant 0 : i32
    %dma_start3A_51 = arith.constant 0 : i32
    %dma_start3A_52 = tpu.memref_slice %arg7[%dma_start3A_49, %dma_start3A_50, %dma_start3A_51] : memref<2x16x128xi32, #tpu.memory_space<vmem>> -> memref<1x16x128xi32, #tpu.memory_space<vmem>>
    %dma_start3A_53 = tpu.memref_squeeze %dma_start3A_52 : memref<1x16x128xi32, #tpu.memory_space<vmem>> -> memref<16x128xi32, #tpu.memory_space<vmem>>
    %dma_start3A_54 = arith.constant 0 : i32
    %dma_start3A_55 = tpu.memref_slice %arg4[%add3A_48, %dma_start3A_54] : memref<5120x128xi32, #tpu.memory_space<hbm>> -> memref<16x128xi32, #tpu.memory_space<hbm>>
    %dma_start3A_56 = arith.constant 0 : i32
    %dma_start3A_57 = arith.constant 0 : i32
    %dma_start3A_58 = tpu.memref_slice %arg7[%dma_start3A_49, %dma_start3A_56, %dma_start3A_57] : memref<2x16x128xi32, #tpu.memory_space<vmem>> -> memref<1x16x128xi32, #tpu.memory_space<vmem>>
    %dma_start3A_59 = tpu.memref_squeeze %dma_start3A_58 : memref<1x16x128xi32, #tpu.memory_space<vmem>> -> memref<16x128xi32, #tpu.memory_space<vmem>>
    %dma_start3A_60 = arith.constant 0 : i32
    %dma_start3A_61 = tpu.memref_slice %arg4[%add3A_48, %dma_start3A_60] : memref<5120x128xi32, #tpu.memory_space<hbm>> -> memref<16x128xi32, #tpu.memory_space<hbm>>
    tpu.enqueue_dma source(%dma_start3A_61 : memref<16x128xi32, #tpu.memory_space<hbm>>) target(%dma_start3A_59 : memref<16x128xi32, #tpu.memory_space<vmem>>) target_semaphore(%arg14 : memref<!tpu.dma_semaphore, #tpu.memory_space<semaphore_mem>>)
    %scan3A = arith.constant 0 : i32
    %scan3A_62 = arith.constant 128 : i32
    %scan3A_63 = arith.addi %scan3A, %scan3A_62 : i32
    %scan3A_64 = arith.constant 1 : i32
    scf.for %scan3A_121 = %scan3A to %scan3A_63 step %scan3A_64  : i32 {
      %broadcast_in_dim3A = arith.constant 0.000000e+00 : f32
      %broadcast_in_dim3A_122 = vector.broadcast %broadcast_in_dim3A : f32 to vector<16xf32>
      %swap3A = arith.index_cast %scan3A_121 : i32 to index
      %swap3A_123 = arith.constant 0 : index
      %swap3A_124 = tpu.vector_load %arg8[%swap3A, %swap3A_123] {strides = array<i32>} : memref<128x128xf32, #tpu.memory_space<vmem>>, vector<1x16xf32>,
      %swap3A_125 = vector.shape_cast %swap3A_124 : vector<1x16xf32> to vector<16xf32>
      %swap3A_126 = vector.shape_cast %broadcast_in_dim3A_122 : vector<16xf32> to vector<1x16xf32>
      tpu.vector_store %arg8[%swap3A, %swap3A_123], %swap3A_126 {strides = array<i32>} : memref<128x128xf32, #tpu.memory_space<vmem>>, vector<1x16xf32>,
      %broadcast_in_dim3A_127 = arith.constant 0.000000e+00 : f32
      %broadcast_in_dim3A_128 = vector.broadcast %broadcast_in_dim3A_127 : f32 to vector<16xf32>
      %swap3A_129 = arith.index_cast %scan3A_121 : i32 to index
      %swap3A_130 = arith.constant 16 : index
      %swap3A_131 = tpu.vector_load %arg8[%swap3A_129, %swap3A_130] {strides = array<i32>} : memref<128x128xf32, #tpu.memory_space<vmem>>, vector<1x16xf32>,
      %swap3A_132 = vector.shape_cast %swap3A_131 : vector<1x16xf32> to vector<16xf32>
      %swap3A_133 = vector.shape_cast %broadcast_in_dim3A_128 : vector<16xf32> to vector<1x16xf32>
      tpu.vector_store %arg8[%swap3A_129, %swap3A_130], %swap3A_133 {strides = array<i32>} : memref<128x128xf32, #tpu.memory_space<vmem>>, vector<1x16xf32>,
      %broadcast_in_dim3A_134 = arith.constant 0.000000e+00 : f32
      %broadcast_in_dim3A_135 = vector.broadcast %broadcast_in_dim3A_134 : f32 to vector<16xf32>
      %swap3A_136 = arith.index_cast %scan3A_121 : i32 to index
      %swap3A_137 = arith.constant 32 : index
      %swap3A_138 = tpu.vector_load %arg8[%swap3A_136, %swap3A_137] {strides = array<i32>} : memref<128x128xf32, #tpu.memory_space<vmem>>, vector<1x16xf32>,
      %swap3A_139 = vector.shape_cast %swap3A_138 : vector<1x16xf32> to vector<16xf32>
      %swap3A_140 = vector.shape_cast %broadcast_in_dim3A_135 : vector<16xf32> to vector<1x16xf32>
      tpu.vector_store %arg8[%swap3A_136, %swap3A_137], %swap3A_140 {strides = array<i32>} : memref<128x128xf32, #tpu.memory_space<vmem>>, vector<1x16xf32>,
      %broadcast_in_dim3A_141 = arith.constant 0.000000e+00 : f32
      %broadcast_in_dim3A_142 = vector.broadcast %broadcast_in_dim3A_141 : f32 to vector<16xf32>
      %swap3A_143 = arith.index_cast %scan3A_121 : i32 to index
      %swap3A_144 = arith.constant 48 : index
      %swap3A_145 = tpu.vector_load %arg8[%swap3A_143, %swap3A_144] {strides = array<i32>} : memref<128x128xf32, #tpu.memory_space<vmem>>, vector<1x16xf32>,
      %swap3A_146 = vector.shape_cast %swap3A_145 : vector<1x16xf32> to vector<16xf32>
      %swap3A_147 = vector.shape_cast %broadcast_in_dim3A_142 : vector<16xf32> to vector<1x16xf32>
      tpu.vector_store %arg8[%swap3A_143, %swap3A_144], %swap3A_147 {strides = array<i32>} : memref<128x128xf32, #tpu.memory_space<vmem>>, vector<1x16xf32>,
      %broadcast_in_dim3A_148 = arith.constant 0.000000e+00 : f32
      %broadcast_in_dim3A_149 = vector.broadcast %broadcast_in_dim3A_148 : f32 to vector<16xf32>
      %swap3A_150 = arith.index_cast %scan3A_121 : i32 to index
      %swap3A_151 = arith.constant 64 : index
      %swap3A_152 = tpu.vector_load %arg8[%swap3A_150, %swap3A_151] {strides = array<i32>} : memref<128x128xf32, #tpu.memory_space<vmem>>, vector<1x16xf32>,
      %swap3A_153 = vector.shape_cast %swap3A_152 : vector<1x16xf32> to vector<16xf32>
      %swap3A_154 = vector.shape_cast %broadcast_in_dim3A_149 : vector<16xf32> to vector<1x16xf32>
      tpu.vector_store %arg8[%swap3A_150, %swap3A_151], %swap3A_154 {strides = array<i32>} : memref<128x128xf32, #tpu.memory_space<vmem>>, vector<1x16xf32>,
      %broadcast_in_dim3A_155 = arith.constant 0.000000e+00 : f32
      %broadcast_in_dim3A_156 = vector.broadcast %broadcast_in_dim3A_155 : f32 to vector<16xf32>
      %swap3A_157 = arith.index_cast %scan3A_121 : i32 to index
      %swap3A_158 = arith.constant 80 : index
      %swap3A_159 = tpu.vector_load %arg8[%swap3A_157, %swap3A_158] {strides = array<i32>} : memref<128x128xf32, #tpu.memory_space<vmem>>, vector<1x16xf32>,
      %swap3A_160 = vector.shape_cast %swap3A_159 : vector<1x16xf32> to vector<16xf32>
      %swap3A_161 = vector.shape_cast %broadcast_in_dim3A_156 : vector<16xf32> to vector<1x16xf32>
      tpu.vector_store %arg8[%swap3A_157, %swap3A_158], %swap3A_161 {strides = array<i32>} : memref<128x128xf32, #tpu.memory_space<vmem>>, vector<1x16xf32>,
      %broadcast_in_dim3A_162 = arith.constant 0.000000e+00 : f32
      %broadcast_in_dim3A_163 = vector.broadcast %broadcast_in_dim3A_162 : f32 to vector<16xf32>
      %swap3A_164 = arith.index_cast %scan3A_121 : i32 to index
      %swap3A_165 = arith.constant 96 : index
      %swap3A_166 = tpu.vector_load %arg8[%swap3A_164, %swap3A_165] {strides = array<i32>} : memref<128x128xf32, #tpu.memory_space<vmem>>, vector<1x16xf32>,
      %swap3A_167 = vector.shape_cast %swap3A_166 : vector<1x16xf32> to vector<16xf32>
      %swap3A_168 = vector.shape_cast %broadcast_in_dim3A_163 : vector<16xf32> to vector<1x16xf32>
      tpu.vector_store %arg8[%swap3A_164, %swap3A_165], %swap3A_168 {strides = array<i32>} : memref<128x128xf32, #tpu.memory_space<vmem>>, vector<1x16xf32>,
      %broadcast_in_dim3A_169 = arith.constant 0.000000e+00 : f32
      %broadcast_in_dim3A_170 = vector.broadcast %broadcast_in_dim3A_169 : f32 to vector<16xf32>
      %swap3A_171 = arith.index_cast %scan3A_121 : i32 to index
      %swap3A_172 = arith.constant 112 : index
      %swap3A_173 = tpu.vector_load %arg8[%swap3A_171, %swap3A_172] {strides = array<i32>} : memref<128x128xf32, #tpu.memory_space<vmem>>, vector<1x16xf32>,
      %swap3A_174 = vector.shape_cast %swap3A_173 : vector<1x16xf32> to vector<16xf32>
      %swap3A_175 = vector.shape_cast %broadcast_in_dim3A_170 : vector<16xf32> to vector<1x16xf32>
      tpu.vector_store %arg8[%swap3A_171, %swap3A_172], %swap3A_175 {strides = array<i32>} : memref<128x128xf32, #tpu.memory_space<vmem>>, vector<1x16xf32>,
    }
    %scan3A_65 = arith.constant 128 : i32
    %scan3A_66 = arith.constant 0 : i32
    %scan3A_67 = arith.constant 5 : i32
    %scan3A_68 = arith.addi %scan3A_66, %scan3A_67 : i32
    %scan3A_69 = arith.constant 1 : i32
    scf.for %scan3A_121 = %scan3A_66 to %scan3A_68 step %scan3A_69  : i32 {
      %mul3A_122 = arith.constant 640 : i32
      %mul3A_123 = arith.muli %arg1, %mul3A_122 : i32
      %mul3A_124 = arith.constant 128 : i32
      %mul3A_125 = arith.muli %scan3A_121, %mul3A_124 : i32
      %add3A_126 = arith.addi %mul3A_123, %mul3A_125 : i32
      %dma_start3A_127 = arith.constant 0 : i32
      %dma_start3A_128 = tpu.memref_slice %arg10[%add3A_126, %dma_start3A_127] : memref<10240x128xf32, #tpu.memory_space<vmem_shared>> -> memref<128x128xf32, #tpu.memory_space<vmem_shared>>
      %dma_start3A_129 = arith.constant 0 : i32
      %dma_start3A_130 = tpu.memref_slice %arg10[%add3A_126, %dma_start3A_129] : memref<10240x128xf32, #tpu.memory_space<vmem_shared>> -> memref<128x128xf32, #tpu.memory_space<vmem_shared>>
      tpu.enqueue_dma source(%arg8 : memref<128x128xf32, #tpu.memory_space<vmem>>) target(%dma_start3A_130 : memref<128x128xf32, #tpu.memory_space<vmem_shared>>) target_semaphore(%arg12 : memref<!tpu.dma_semaphore, #tpu.memory_space<semaphore_mem>>)
    }
    %scan3A_70 = arith.constant 5 : i32
    %scan3A_71 = arith.constant 0 : i32
    %scan3A_72 = arith.constant 5 : i32
    %scan3A_73 = arith.addi %scan3A_71, %scan3A_72 : i32
    %scan3A_74 = arith.constant 1 : i32
    scf.for %scan3A_121 = %scan3A_71 to %scan3A_73 step %scan3A_74  : i32 {
      %mul3A_122 = arith.constant 640 : i32
      %mul3A_123 = arith.muli %arg1, %mul3A_122 : i32
      %mul3A_124 = arith.constant 128 : i32
      %mul3A_125 = arith.muli %scan3A_121, %mul3A_124 : i32
      %add3A_126 = arith.addi %mul3A_123, %mul3A_125 : i32
      %dma_wait3A_127 = arith.constant 0 : i32
      %dma_wait3A_128 = tpu.memref_slice %arg10[%add3A_126, %dma_wait3A_127] : memref<10240x128xf32, #tpu.memory_space<vmem_shared>> -> memref<128x128xf32, #tpu.memory_space<vmem_shared>>
      %dma_wait3A_129 = arith.constant 0 : i32
      %dma_wait3A_130 = tpu.memref_slice %arg10[%add3A_126, %dma_wait3A_129] : memref<10240x128xf32, #tpu.memory_space<vmem_shared>> -> memref<128x128xf32, #tpu.memory_space<vmem_shared>>
      tpu.wait_dma2 semaphore(%arg12 : memref<!tpu.dma_semaphore, #tpu.memory_space<semaphore_mem>>) src(%arg8 : memref<128x128xf32, #tpu.memory_space<vmem>>) dst(%dma_wait3A_130 : memref<128x128xf32, #tpu.memory_space<vmem_shared>>)
    }
    %scan3A_75 = arith.constant 5 : i32
    %barrier3A = arith.constant 0 : index
    tpu.barrier barrier_id(%barrier3A)
    %add3A_76 = arith.constant 0 : i32
    %add3A_77 = arith.addi %mul3A_2, %add3A_76 : i32
    %dma_wait3A = arith.constant 0 : i32
    %dma_wait3A_78 = arith.constant 0 : i32
    %dma_wait3A_79 = arith.constant 0 : i32
    %dma_wait3A_80 = tpu.memref_slice %arg6[%dma_wait3A, %dma_wait3A_78, %dma_wait3A_79] : memref<2x16x128xi32, #tpu.memory_space<vmem>> -> memref<1x16x128xi32, #tpu.memory_space<vmem>>
    %dma_wait3A_81 = tpu.memref_squeeze %dma_wait3A_80 : memref<1x16x128xi32, #tpu.memory_space<vmem>> -> memref<16x128xi32, #tpu.memory_space<vmem>>
    %dma_wait3A_82 = arith.constant 0 : i32
    %dma_wait3A_83 = tpu.memref_slice %arg3[%add3A_77, %dma_wait3A_82] : memref<5120x128xi32, #tpu.memory_space<hbm>> -> memref<16x128xi32, #tpu.memory_space<hbm>>
    %dma_wait3A_84 = arith.constant 0 : i32
    %dma_wait3A_85 = arith.constant 0 : i32
    %dma_wait3A_86 = tpu.memref_slice %arg6[%dma_wait3A, %dma_wait3A_84, %dma_wait3A_85] : memref<2x16x128xi32, #tpu.memory_space<vmem>> -> memref<1x16x128xi32, #tpu.memory_space<vmem>>
    %dma_wait3A_87 = tpu.memref_squeeze %dma_wait3A_86 : memref<1x16x128xi32, #tpu.memory_space<vmem>> -> memref<16x128xi32, #tpu.memory_space<vmem>>
    %dma_wait3A_88 = arith.constant 0 : i32
    %dma_wait3A_89 = tpu.memref_slice %arg3[%add3A_77, %dma_wait3A_88] : memref<5120x128xi32, #tpu.memory_space<hbm>> -> memref<16x128xi32, #tpu.memory_space<hbm>>
    tpu.wait_dma2 semaphore(%arg13 : memref<!tpu.dma_semaphore, #tpu.memory_space<semaphore_mem>>) src(%dma_wait3A_89 : memref<16x128xi32, #tpu.memory_space<hbm>>) dst(%dma_wait3A_87 : memref<16x128xi32, #tpu.memory_space<vmem>>)
    %add3A_90 = arith.constant 0 : i32
    %add3A_91 = arith.addi %mul3A_2, %add3A_90 : i32
    %dma_wait3A_92 = arith.constant 0 : i32
    %dma_wait3A_93 = arith.constant 0 : i32
    %dma_wait3A_94 = arith.constant 0 : i32
    %dma_wait3A_95 = tpu.memref_slice %arg7[%dma_wait3A_92, %dma_wait3A_93, %dma_wait3A_94] : memref<2x16x128xi32, #tpu.memory_space<vmem>> -> memref<1x16x128xi32, #tpu.memory_space<vmem>>
    %dma_wait3A_96 = tpu.memref_squeeze %dma_wait3A_95 : memref<1x16x128xi32, #tpu.memory_space<vmem>> -> memref<16x128xi32, #tpu.memory_space<vmem>>
    %dma_wait3A_97 = arith.constant 0 : i32
    %dma_wait3A_98 = tpu.memref_slice %arg4[%add3A_91, %dma_wait3A_97] : memref<5120x128xi32, #tpu.memory_space<hbm>> -> memref<16x128xi32, #tpu.memory_space<hbm>>
    %dma_wait3A_99 = arith.constant 0 : i32
    %dma_wait3A_100 = arith.constant 0 : i32
    %dma_wait3A_101 = tpu.memref_slice %arg7[%dma_wait3A_92, %dma_wait3A_99, %dma_wait3A_100] : memref<2x16x128xi32, #tpu.memory_space<vmem>> -> memref<1x16x128xi32, #tpu.memory_space<vmem>>
    %dma_wait3A_102 = tpu.memref_squeeze %dma_wait3A_101 : memref<1x16x128xi32, #tpu.memory_space<vmem>> -> memref<16x128xi32, #tpu.memory_space<vmem>>
    %dma_wait3A_103 = arith.constant 0 : i32
    %dma_wait3A_104 = tpu.memref_slice %arg4[%add3A_91, %dma_wait3A_103] : memref<5120x128xi32, #tpu.memory_space<hbm>> -> memref<16x128xi32, #tpu.memory_space<hbm>>
    tpu.wait_dma2 semaphore(%arg14 : memref<!tpu.dma_semaphore, #tpu.memory_space<semaphore_mem>>) src(%dma_wait3A_104 : memref<16x128xi32, #tpu.memory_space<hbm>>) dst(%dma_wait3A_102 : memref<16x128xi32, #tpu.memory_space<vmem>>)
    %dma_start3A_105 = arith.constant 0 : i32
    %dma_start3A_106 = arith.constant 0 : i32
    %dma_start3A_107 = arith.constant 0 : i32
    %dma_start3A_108 = tpu.memref_slice %arg6[%dma_start3A_105, %dma_start3A_106, %dma_start3A_107] : memref<2x16x128xi32, #tpu.memory_space<vmem>> -> memref<1x1x128xi32, #tpu.memory_space<vmem>>
    %dma_start3A_109 = tpu.memref_squeeze %dma_start3A_108 : memref<1x1x128xi32, #tpu.memory_space<vmem>> -> memref<128xi32, #tpu.memory_space<vmem>>
    %dma_start3A_110 = arith.constant 0 : i32
    %dma_start3A_111 = arith.constant 0 : i32
    %dma_start3A_112 = tpu.memref_slice %arg2[%dma_start3A_110, %dma_start3A_111] : memref<20480x128xf32, #tpu.memory_space<hbm>> -> memref<20480x128xf32, #tpu.memory_space<hbm>>
    tpu.enqueue_indirect_dma source(%dma_start3A_112 : memref<20480x128xf32, #tpu.memory_space<hbm>>) target(%arg8 : memref<128x128xf32, #tpu.memory_space<vmem>>) offsets(%dma_start3A_109 : memref<128xi32, #tpu.memory_space<vmem>>) semaphore(%arg11 : memref<!tpu.dma_semaphore, #tpu.memory_space<semaphore_mem>>)
    %scan3A_113 = arith.constant 0 : i32
    %scan3A_114 = arith.constant 10 : i32
    %scan3A_115 = arith.addi %scan3A_113, %scan3A_114 : i32
    %scan3A_116 = arith.constant 1 : i32
    scf.for %scan3A_121 = %scan3A_113 to %scan3A_115 step %scan3A_116  : i32 {
      %jit3A = arith.constant 2 : i32
      %eq3A = arith.constant 0 : i32
      %eq3A_122 = arith.cmpi eq, %jit3A, %eq3A : i32
      %jit3A_123 = arith.constant 1 : i32
      %select_n3A = arith.select %eq3A_122, %jit3A_123, %jit3A : i32
      %rem3A = arith.remsi %scan3A_121, %select_n3A : i32
      %ne3A = arith.constant 0 : i32
      %ne3A_124 = arith.cmpi ne, %rem3A, %ne3A : i32
      %lt3A = arith.constant 0 : i32
      %lt3A_125 = arith.cmpi slt, %rem3A, %lt3A : i32
      %lt3A_126 = arith.constant 0 : i32
      %lt3A_127 = arith.cmpi slt, %select_n3A, %lt3A_126 : i32
      %ne3A_128 = arith.xori %lt3A_125, %lt3A_127 : i1
      %and3A = arith.andi %ne3A_128, %ne3A_124 : i1
      %add3A_129 = arith.addi %rem3A, %select_n3A : i32
      %select_n3A_130 = arith.select %and3A, %add3A_129, %rem3A : i32
      %add3A_131 = arith.constant 1 : i32
      %add3A_132 = arith.addi %scan3A_121, %add3A_131 : i32
      %jit3A_133 = arith.constant 2 : i32
      %eq3A_134 = arith.constant 0 : i32
      %eq3A_135 = arith.cmpi eq, %jit3A_133, %eq3A_134 : i32
      %jit3A_136 = arith.constant 1 : i32
      %select_n3A_137 = arith.select %eq3A_135, %jit3A_136, %jit3A_133 : i32
      %rem3A_138 = arith.remsi %add3A_132, %select_n3A_137 : i32
      %ne3A_139 = arith.constant 0 : i32
      %ne3A_140 = arith.cmpi ne, %rem3A_138, %ne3A_139 : i32
      %lt3A_141 = arith.constant 0 : i32
      %lt3A_142 = arith.cmpi slt, %rem3A_138, %lt3A_141 : i32
      %lt3A_143 = arith.constant 0 : i32
      %lt3A_144 = arith.cmpi slt, %select_n3A_137, %lt3A_143 : i32
      %ne3A_145 = arith.xori %lt3A_142, %lt3A_144 : i1
      %and3A_146 = arith.andi %ne3A_145, %ne3A_140 : i1
      %add3A_147 = arith.addi %rem3A_138, %select_n3A_137 : i32
      %select_n3A_148 = arith.select %and3A_146, %add3A_147, %rem3A_138 : i32
      %scan3A_149 = arith.constant 0 : i32
      %scan3A_150 = arith.constant 7 : i32
      %scan3A_151 = arith.addi %scan3A_149, %scan3A_150 : i32
      %scan3A_152 = arith.constant 1 : i32
      scf.for %scan3A_195 = %scan3A_149 to %scan3A_151 step %scan3A_152  : i32 {
        %mul3A_196 = arith.constant 2 : i32
        %mul3A_197 = arith.muli %mul3A_196, %scan3A_195 : i32
        %add3A_198 = arith.constant 1 : i32
        %add3A_199 = arith.addi %mul3A_197, %add3A_198 : i32
        %dma_start3A_200 = arith.constant 0 : i32
        %dma_start3A_201 = tpu.memref_slice %arg6[%select_n3A_130, %add3A_199, %dma_start3A_200] : memref<2x16x128xi32, #tpu.memory_space<vmem>> -> memref<1x1x128xi32, #tpu.memory_space<vmem>>
        %dma_start3A_202 = tpu.memref_squeeze %dma_start3A_201 : memref<1x1x128xi32, #tpu.memory_space<vmem>> -> memref<128xi32, #tpu.memory_space<vmem>>
        %dma_start3A_203 = arith.constant 0 : i32
        %dma_start3A_204 = arith.constant 0 : i32
        %dma_start3A_205 = tpu.memref_slice %arg2[%dma_start3A_203, %dma_start3A_204] : memref<20480x128xf32, #tpu.memory_space<hbm>> -> memref<20480x128xf32, #tpu.memory_space<hbm>>
        tpu.enqueue_indirect_dma source(%dma_start3A_205 : memref<20480x128xf32, #tpu.memory_space<hbm>>) target(%arg9 : memref<128x128xf32, #tpu.memory_space<vmem>>) offsets(%dma_start3A_202 : memref<128xi32, #tpu.memory_space<vmem>>) semaphore(%arg12 : memref<!tpu.dma_semaphore, #tpu.memory_space<semaphore_mem>>)
        %dma_wait3A_206 = arith.constant 0 : i32
        %dma_wait3A_207 = tpu.memref_slice %arg6[%select_n3A_130, %mul3A_197, %dma_wait3A_206] : memref<2x16x128xi32, #tpu.memory_space<vmem>> -> memref<1x1x128xi32, #tpu.memory_space<vmem>>
        %dma_wait3A_208 = tpu.memref_squeeze %dma_wait3A_207 : memref<1x1x128xi32, #tpu.memory_space<vmem>> -> memref<128xi32, #tpu.memory_space<vmem>>
        %dma_wait3A_209 = arith.constant 0 : i32
        %dma_wait3A_210 = arith.constant 0 : i32
        %dma_wait3A_211 = tpu.memref_slice %arg2[%dma_wait3A_209, %dma_wait3A_210] : memref<20480x128xf32, #tpu.memory_space<hbm>> -> memref<20480x128xf32, #tpu.memory_space<hbm>>
        tpu.wait_indirect_dma semaphore(%arg11 : memref<!tpu.dma_semaphore, #tpu.memory_space<semaphore_mem>>) src(%dma_wait3A_211 : memref<20480x128xf32, #tpu.memory_space<hbm>>) dst(%arg8 : memref<128x128xf32, #tpu.memory_space<vmem>>)
        "tpu.region"() ({
          %run_scoped3A_230 = tpu.sem_alloc : memref<!tpu.dma_semaphore, #tpu.memory_space<semaphore_mem>>
          %dma_start3A_231 = arith.constant 0 : i32
          %dma_start3A_232 = tpu.memref_slice %arg7[%select_n3A_130, %mul3A_197, %dma_start3A_231] : memref<2x16x128xi32, #tpu.memory_space<vmem>> -> memref<1x1x128xi32, #tpu.memory_space<vmem>>
          %dma_start3A_233 = tpu.memref_squeeze %dma_start3A_232 : memref<1x1x128xi32, #tpu.memory_space<vmem>> -> memref<128xi32, #tpu.memory_space<vmem>>
          %dma_start3A_234 = arith.constant 0 : i32
          %dma_start3A_235 = arith.constant 0 : i32
          %dma_start3A_236 = tpu.memref_slice %arg10[%dma_start3A_234, %dma_start3A_235] : memref<10240x128xf32, #tpu.memory_space<vmem_shared>> -> memref<10240x128xf32, #tpu.memory_space<vmem_shared>>
          tpu.enqueue_indirect_dma source(%arg8 : memref<128x128xf32, #tpu.memory_space<vmem>>) target(%dma_start3A_236 : memref<10240x128xf32, #tpu.memory_space<vmem_shared>>) offsets(%dma_start3A_233 : memref<128xi32, #tpu.memory_space<vmem>>) semaphore(%run_scoped3A_230 : memref<!tpu.dma_semaphore, #tpu.memory_space<semaphore_mem>>) {add = true}
          %dma_wait3A_237 = arith.constant 0 : i32
          %dma_wait3A_238 = tpu.memref_slice %arg7[%select_n3A_130, %mul3A_197, %dma_wait3A_237] : memref<2x16x128xi32, #tpu.memory_space<vmem>> -> memref<1x1x128xi32, #tpu.memory_space<vmem>>
          %dma_wait3A_239 = tpu.memref_squeeze %dma_wait3A_238 : memref<1x1x128xi32, #tpu.memory_space<vmem>> -> memref<128xi32, #tpu.memory_space<vmem>>
          %dma_wait3A_240 = arith.constant 0 : i32
          %dma_wait3A_241 = arith.constant 0 : i32
          %dma_wait3A_242 = tpu.memref_slice %arg10[%dma_wait3A_240, %dma_wait3A_241] : memref<10240x128xf32, #tpu.memory_space<vmem_shared>> -> memref<10240x128xf32, #tpu.memory_space<vmem_shared>>
          tpu.wait_indirect_dma semaphore(%run_scoped3A_230 : memref<!tpu.dma_semaphore, #tpu.memory_space<semaphore_mem>>) src(%arg8 : memref<128x128xf32, #tpu.memory_space<vmem>>) dst(%dma_wait3A_242 : memref<10240x128xf32, #tpu.memory_space<vmem_shared>>)
          tpu.yield
        }) : () -> ()
        %add3A_212 = arith.constant 2 : i32
        %add3A_213 = arith.addi %mul3A_197, %add3A_212 : i32
        %dma_start3A_214 = arith.constant 0 : i32
        %dma_start3A_215 = tpu.memref_slice %arg6[%select_n3A_130, %add3A_213, %dma_start3A_214] : memref<2x16x128xi32, #tpu.memory_space<vmem>> -> memref<1x1x128xi32, #tpu.memory_space<vmem>>
        %dma_start3A_216 = tpu.memref_squeeze %dma_start3A_215 : memref<1x1x128xi32, #tpu.memory_space<vmem>> -> memref<128xi32, #tpu.memory_space<vmem>>
        %dma_start3A_217 = arith.constant 0 : i32
        %dma_start3A_218 = arith.constant 0 : i32
        %dma_start3A_219 = tpu.memref_slice %arg2[%dma_start3A_217, %dma_start3A_218] : memref<20480x128xf32, #tpu.memory_space<hbm>> -> memref<20480x128xf32, #tpu.memory_space<hbm>>
        tpu.enqueue_indirect_dma source(%dma_start3A_219 : memref<20480x128xf32, #tpu.memory_space<hbm>>) target(%arg8 : memref<128x128xf32, #tpu.memory_space<vmem>>) offsets(%dma_start3A_216 : memref<128xi32, #tpu.memory_space<vmem>>) semaphore(%arg11 : memref<!tpu.dma_semaphore, #tpu.memory_space<semaphore_mem>>)
        %add3A_220 = arith.constant 1 : i32
        %add3A_221 = arith.addi %mul3A_197, %add3A_220 : i32
        %dma_wait3A_222 = arith.constant 0 : i32
        %dma_wait3A_223 = tpu.memref_slice %arg6[%select_n3A_130, %add3A_221, %dma_wait3A_222] : memref<2x16x128xi32, #tpu.memory_space<vmem>> -> memref<1x1x128xi32, #tpu.memory_space<vmem>>
        %dma_wait3A_224 = tpu.memref_squeeze %dma_wait3A_223 : memref<1x1x128xi32, #tpu.memory_space<vmem>> -> memref<128xi32, #tpu.memory_space<vmem>>
        %dma_wait3A_225 = arith.constant 0 : i32
        %dma_wait3A_226 = arith.constant 0 : i32
        %dma_wait3A_227 = tpu.memref_slice %arg2[%dma_wait3A_225, %dma_wait3A_226] : memref<20480x128xf32, #tpu.memory_space<hbm>> -> memref<20480x128xf32, #tpu.memory_space<hbm>>
        tpu.wait_indirect_dma semaphore(%arg12 : memref<!tpu.dma_semaphore, #tpu.memory_space<semaphore_mem>>) src(%dma_wait3A_227 : memref<20480x128xf32, #tpu.memory_space<hbm>>) dst(%arg9 : memref<128x128xf32, #tpu.memory_space<vmem>>)
        %add3A_228 = arith.constant 1 : i32
        %add3A_229 = arith.addi %mul3A_197, %add3A_228 : i32
        "tpu.region"() ({
          %run_scoped3A_230 = tpu.sem_alloc : memref<!tpu.dma_semaphore, #tpu.memory_space<semaphore_mem>>
          %dma_start3A_231 = arith.constant 0 : i32
          %dma_start3A_232 = tpu.memref_slice %arg7[%select_n3A_130, %add3A_229, %dma_start3A_231] : memref<2x16x128xi32, #tpu.memory_space<vmem>> -> memref<1x1x128xi32, #tpu.memory_space<vmem>>
          %dma_start3A_233 = tpu.memref_squeeze %dma_start3A_232 : memref<1x1x128xi32, #tpu.memory_space<vmem>> -> memref<128xi32, #tpu.memory_space<vmem>>
          %dma_start3A_234 = arith.constant 0 : i32
          %dma_start3A_235 = arith.constant 0 : i32
          %dma_start3A_236 = tpu.memref_slice %arg10[%dma_start3A_234, %dma_start3A_235] : memref<10240x128xf32, #tpu.memory_space<vmem_shared>> -> memref<10240x128xf32, #tpu.memory_space<vmem_shared>>
          tpu.enqueue_indirect_dma source(%arg9 : memref<128x128xf32, #tpu.memory_space<vmem>>) target(%dma_start3A_236 : memref<10240x128xf32, #tpu.memory_space<vmem_shared>>) offsets(%dma_start3A_233 : memref<128xi32, #tpu.memory_space<vmem>>) semaphore(%run_scoped3A_230 : memref<!tpu.dma_semaphore, #tpu.memory_space<semaphore_mem>>) {add = true}
          %dma_wait3A_237 = arith.constant 0 : i32
          %dma_wait3A_238 = tpu.memref_slice %arg7[%select_n3A_130, %add3A_229, %dma_wait3A_237] : memref<2x16x128xi32, #tpu.memory_space<vmem>> -> memref<1x1x128xi32, #tpu.memory_space<vmem>>
          %dma_wait3A_239 = tpu.memref_squeeze %dma_wait3A_238 : memref<1x1x128xi32, #tpu.memory_space<vmem>> -> memref<128xi32, #tpu.memory_space<vmem>>
          %dma_wait3A_240 = arith.constant 0 : i32
          %dma_wait3A_241 = arith.constant 0 : i32
          %dma_wait3A_242 = tpu.memref_slice %arg10[%dma_wait3A_240, %dma_wait3A_241] : memref<10240x128xf32, #tpu.memory_space<vmem_shared>> -> memref<10240x128xf32, #tpu.memory_space<vmem_shared>>
          tpu.wait_indirect_dma semaphore(%run_scoped3A_230 : memref<!tpu.dma_semaphore, #tpu.memory_space<semaphore_mem>>) src(%arg9 : memref<128x128xf32, #tpu.memory_space<vmem>>) dst(%dma_wait3A_242 : memref<10240x128xf32, #tpu.memory_space<vmem_shared>>)
          tpu.yield
        }) : () -> ()
      }
      %scan3A_153 = arith.constant 7 : i32
      %add3A_154 = arith.constant 1 : i32
      %add3A_155 = arith.addi %scan3A_121, %add3A_154 : i32
      %lt3A_156 = arith.constant 10 : i32
      %lt3A_157 = arith.cmpi slt, %add3A_155, %lt3A_156 : i32
      %convert_element_type3A = arith.extui %lt3A_157 : i1 to i32
      %cond3A = arith.constant 0 : i32
      %cond3A_158 = arith.cmpi ne, %convert_element_type3A, %cond3A : i32
      scf.if %cond3A_158 {
        %add3A_195 = arith.constant 1 : i32
        %add3A_196 = arith.addi %scan3A_121, %add3A_195 : i32
        %mul3A_197 = arith.constant 16 : i32
        %mul3A_198 = arith.muli %add3A_196, %mul3A_197 : i32
        %add3A_199 = arith.addi %mul3A_2, %mul3A_198 : i32
        %dma_wait3A_200 = arith.constant 0 : i32
        %dma_wait3A_201 = arith.constant 0 : i32
        %dma_wait3A_202 = tpu.memref_slice %arg6[%select_n3A_148, %dma_wait3A_200, %dma_wait3A_201] : memref<2x16x128xi32, #tpu.memory_space<vmem>> -> memref<1x16x128xi32, #tpu.memory_space<vmem>>
        %dma_wait3A_203 = tpu.memref_squeeze %dma_wait3A_202 : memref<1x16x128xi32, #tpu.memory_space<vmem>> -> memref<16x128xi32, #tpu.memory_space<vmem>>
        %dma_wait3A_204 = arith.constant 0 : i32
        %dma_wait3A_205 = tpu.memref_slice %arg3[%add3A_199, %dma_wait3A_204] : memref<5120x128xi32, #tpu.memory_space<hbm>> -> memref<16x128xi32, #tpu.memory_space<hbm>>
        %dma_wait3A_206 = arith.constant 0 : i32
        %dma_wait3A_207 = arith.constant 0 : i32
        %dma_wait3A_208 = tpu.memref_slice %arg6[%select_n3A_148, %dma_wait3A_206, %dma_wait3A_207] : memref<2x16x128xi32, #tpu.memory_space<vmem>> -> memref<1x16x128xi32, #tpu.memory_space<vmem>>
        %dma_wait3A_209 = tpu.memref_squeeze %dma_wait3A_208 : memref<1x16x128xi32, #tpu.memory_space<vmem>> -> memref<16x128xi32, #tpu.memory_space<vmem>>
        %dma_wait3A_210 = arith.constant 0 : i32
        %dma_wait3A_211 = tpu.memref_slice %arg3[%add3A_199, %dma_wait3A_210] : memref<5120x128xi32, #tpu.memory_space<hbm>> -> memref<16x128xi32, #tpu.memory_space<hbm>>
        tpu.wait_dma2 semaphore(%arg13 : memref<!tpu.dma_semaphore, #tpu.memory_space<semaphore_mem>>) src(%dma_wait3A_211 : memref<16x128xi32, #tpu.memory_space<hbm>>) dst(%dma_wait3A_209 : memref<16x128xi32, #tpu.memory_space<vmem>>)
        %mul3A_212 = arith.constant 16 : i32
        %mul3A_213 = arith.muli %add3A_196, %mul3A_212 : i32
        %add3A_214 = arith.addi %mul3A_2, %mul3A_213 : i32
        %dma_wait3A_215 = arith.constant 0 : i32
        %dma_wait3A_216 = arith.constant 0 : i32
        %dma_wait3A_217 = tpu.memref_slice %arg7[%select_n3A_148, %dma_wait3A_215, %dma_wait3A_216] : memref<2x16x128xi32, #tpu.memory_space<vmem>> -> memref<1x16x128xi32, #tpu.memory_space<vmem>>
        %dma_wait3A_218 = tpu.memref_squeeze %dma_wait3A_217 : memref<1x16x128xi32, #tpu.memory_space<vmem>> -> memref<16x128xi32, #tpu.memory_space<vmem>>
        %dma_wait3A_219 = arith.constant 0 : i32
        %dma_wait3A_220 = tpu.memref_slice %arg4[%add3A_214, %dma_wait3A_219] : memref<5120x128xi32, #tpu.memory_space<hbm>> -> memref<16x128xi32, #tpu.memory_space<hbm>>
        %dma_wait3A_221 = arith.constant 0 : i32
        %dma_wait3A_222 = arith.constant 0 : i32
        %dma_wait3A_223 = tpu.memref_slice %arg7[%select_n3A_148, %dma_wait3A_221, %dma_wait3A_222] : memref<2x16x128xi32, #tpu.memory_space<vmem>> -> memref<1x16x128xi32, #tpu.memory_space<vmem>>
        %dma_wait3A_224 = tpu.memref_squeeze %dma_wait3A_223 : memref<1x16x128xi32, #tpu.memory_space<vmem>> -> memref<16x128xi32, #tpu.memory_space<vmem>>
        %dma_wait3A_225 = arith.constant 0 : i32
        %dma_wait3A_226 = tpu.memref_slice %arg4[%add3A_214, %dma_wait3A_225] : memref<5120x128xi32, #tpu.memory_space<hbm>> -> memref<16x128xi32, #tpu.memory_space<hbm>>
        tpu.wait_dma2 semaphore(%arg14 : memref<!tpu.dma_semaphore, #tpu.memory_space<semaphore_mem>>) src(%dma_wait3A_226 : memref<16x128xi32, #tpu.memory_space<hbm>>) dst(%dma_wait3A_224 : memref<16x128xi32, #tpu.memory_space<vmem>>)
      } else {
      }
      %dma_start3A_159 = arith.constant 15 : i32
      %dma_start3A_160 = arith.constant 0 : i32
      %dma_start3A_161 = tpu.memref_slice %arg6[%select_n3A_130, %dma_start3A_159, %dma_start3A_160] : memref<2x16x128xi32, #tpu.memory_space<vmem>> -> memref<1x1x128xi32, #tpu.memory_space<vmem>>
      %dma_start3A_162 = tpu.memref_squeeze %dma_start3A_161 : memref<1x1x128xi32, #tpu.memory_space<vmem>> -> memref<128xi32, #tpu.memory_space<vmem>>
      %dma_start3A_163 = arith.constant 0 : i32
      %dma_start3A_164 = arith.constant 0 : i32
      %dma_start3A_165 = tpu.memref_slice %arg2[%dma_start3A_163, %dma_start3A_164] : memref<20480x128xf32, #tpu.memory_space<hbm>> -> memref<20480x128xf32, #tpu.memory_space<hbm>>
      tpu.enqueue_indirect_dma source(%dma_start3A_165 : memref<20480x128xf32, #tpu.memory_space<hbm>>) target(%arg9 : memref<128x128xf32, #tpu.memory_space<vmem>>) offsets(%dma_start3A_162 : memref<128xi32, #tpu.memory_space<vmem>>) semaphore(%arg12 : memref<!tpu.dma_semaphore, #tpu.memory_space<semaphore_mem>>)
      %dma_wait3A_166 = arith.constant 14 : i32
      %dma_wait3A_167 = arith.constant 0 : i32
      %dma_wait3A_168 = tpu.memref_slice %arg6[%select_n3A_130, %dma_wait3A_166, %dma_wait3A_167] : memref<2x16x128xi32, #tpu.memory_space<vmem>> -> memref<1x1x128xi32, #tpu.memory_space<vmem>>
      %dma_wait3A_169 = tpu.memref_squeeze %dma_wait3A_168 : memref<1x1x128xi32, #tpu.memory_space<vmem>> -> memref<128xi32, #tpu.memory_space<vmem>>
      %dma_wait3A_170 = arith.constant 0 : i32
      %dma_wait3A_171 = arith.constant 0 : i32
      %dma_wait3A_172 = tpu.memref_slice %arg2[%dma_wait3A_170, %dma_wait3A_171] : memref<20480x128xf32, #tpu.memory_space<hbm>> -> memref<20480x128xf32, #tpu.memory_space<hbm>>
      tpu.wait_indirect_dma semaphore(%arg11 : memref<!tpu.dma_semaphore, #tpu.memory_space<semaphore_mem>>) src(%dma_wait3A_172 : memref<20480x128xf32, #tpu.memory_space<hbm>>) dst(%arg8 : memref<128x128xf32, #tpu.memory_space<vmem>>)
      %run_scoped3A = arith.constant 14 : i32
      "tpu.region"() ({
        %run_scoped3A_195 = tpu.sem_alloc : memref<!tpu.dma_semaphore, #tpu.memory_space<semaphore_mem>>
        %dma_start3A_196 = arith.constant 0 : i32
        %dma_start3A_197 = tpu.memref_slice %arg7[%select_n3A_130, %run_scoped3A, %dma_start3A_196] : memref<2x16x128xi32, #tpu.memory_space<vmem>> -> memref<1x1x128xi32, #tpu.memory_space<vmem>>
        %dma_start3A_198 = tpu.memref_squeeze %dma_start3A_197 : memref<1x1x128xi32, #tpu.memory_space<vmem>> -> memref<128xi32, #tpu.memory_space<vmem>>
        %dma_start3A_199 = arith.constant 0 : i32
        %dma_start3A_200 = arith.constant 0 : i32
        %dma_start3A_201 = tpu.memref_slice %arg10[%dma_start3A_199, %dma_start3A_200] : memref<10240x128xf32, #tpu.memory_space<vmem_shared>> -> memref<10240x128xf32, #tpu.memory_space<vmem_shared>>
        tpu.enqueue_indirect_dma source(%arg8 : memref<128x128xf32, #tpu.memory_space<vmem>>) target(%dma_start3A_201 : memref<10240x128xf32, #tpu.memory_space<vmem_shared>>) offsets(%dma_start3A_198 : memref<128xi32, #tpu.memory_space<vmem>>) semaphore(%run_scoped3A_195 : memref<!tpu.dma_semaphore, #tpu.memory_space<semaphore_mem>>) {add = true}
        %dma_wait3A_202 = arith.constant 0 : i32
        %dma_wait3A_203 = tpu.memref_slice %arg7[%select_n3A_130, %run_scoped3A, %dma_wait3A_202] : memref<2x16x128xi32, #tpu.memory_space<vmem>> -> memref<1x1x128xi32, #tpu.memory_space<vmem>>
        %dma_wait3A_204 = tpu.memref_squeeze %dma_wait3A_203 : memref<1x1x128xi32, #tpu.memory_space<vmem>> -> memref<128xi32, #tpu.memory_space<vmem>>
        %dma_wait3A_205 = arith.constant 0 : i32
        %dma_wait3A_206 = arith.constant 0 : i32
        %dma_wait3A_207 = tpu.memref_slice %arg10[%dma_wait3A_205, %dma_wait3A_206] : memref<10240x128xf32, #tpu.memory_space<vmem_shared>> -> memref<10240x128xf32, #tpu.memory_space<vmem_shared>>
        tpu.wait_indirect_dma semaphore(%run_scoped3A_195 : memref<!tpu.dma_semaphore, #tpu.memory_space<semaphore_mem>>) src(%arg8 : memref<128x128xf32, #tpu.memory_space<vmem>>) dst(%dma_wait3A_207 : memref<10240x128xf32, #tpu.memory_space<vmem_shared>>)
        tpu.yield
      }) : () -> ()
      %add3A_173 = arith.constant 1 : i32
      %add3A_174 = arith.addi %scan3A_121, %add3A_173 : i32
      %lt3A_175 = arith.constant 10 : i32
      %lt3A_176 = arith.cmpi slt, %add3A_174, %lt3A_175 : i32
      %convert_element_type3A_177 = arith.extui %lt3A_176 : i1 to i32
      %cond3A_178 = arith.constant 0 : i32
      %cond3A_179 = arith.cmpi ne, %convert_element_type3A_177, %cond3A_178 : i32
      scf.if %cond3A_179 {
        %dma_start3A_195 = arith.constant 0 : i32
        %dma_start3A_196 = arith.constant 0 : i32
        %dma_start3A_197 = tpu.memref_slice %arg6[%select_n3A_148, %dma_start3A_195, %dma_start3A_196] : memref<2x16x128xi32, #tpu.memory_space<vmem>> -> memref<1x1x128xi32, #tpu.memory_space<vmem>>
        %dma_start3A_198 = tpu.memref_squeeze %dma_start3A_197 : memref<1x1x128xi32, #tpu.memory_space<vmem>> -> memref<128xi32, #tpu.memory_space<vmem>>
        %dma_start3A_199 = arith.constant 0 : i32
        %dma_start3A_200 = arith.constant 0 : i32
        %dma_start3A_201 = tpu.memref_slice %arg2[%dma_start3A_199, %dma_start3A_200] : memref<20480x128xf32, #tpu.memory_space<hbm>> -> memref<20480x128xf32, #tpu.memory_space<hbm>>
        tpu.enqueue_indirect_dma source(%dma_start3A_201 : memref<20480x128xf32, #tpu.memory_space<hbm>>) target(%arg8 : memref<128x128xf32, #tpu.memory_space<vmem>>) offsets(%dma_start3A_198 : memref<128xi32, #tpu.memory_space<vmem>>) semaphore(%arg11 : memref<!tpu.dma_semaphore, #tpu.memory_space<semaphore_mem>>)
      } else {
      }
      %dma_wait3A_180 = arith.constant 15 : i32
      %dma_wait3A_181 = arith.constant 0 : i32
      %dma_wait3A_182 = tpu.memref_slice %arg6[%select_n3A_130, %dma_wait3A_180, %dma_wait3A_181] : memref<2x16x128xi32, #tpu.memory_space<vmem>> -> memref<1x1x128xi32, #tpu.memory_space<vmem>>
      %dma_wait3A_183 = tpu.memref_squeeze %dma_wait3A_182 : memref<1x1x128xi32, #tpu.memory_space<vmem>> -> memref<128xi32, #tpu.memory_space<vmem>>
      %dma_wait3A_184 = arith.constant 0 : i32
      %dma_wait3A_185 = arith.constant 0 : i32
      %dma_wait3A_186 = tpu.memref_slice %arg2[%dma_wait3A_184, %dma_wait3A_185] : memref<20480x128xf32, #tpu.memory_space<hbm>> -> memref<20480x128xf32, #tpu.memory_space<hbm>>
      tpu.wait_indirect_dma semaphore(%arg12 : memref<!tpu.dma_semaphore, #tpu.memory_space<semaphore_mem>>) src(%dma_wait3A_186 : memref<20480x128xf32, #tpu.memory_space<hbm>>) dst(%arg9 : memref<128x128xf32, #tpu.memory_space<vmem>>)
      %run_scoped3A_187 = arith.constant 15 : i32
      "tpu.region"() ({
        %run_scoped3A_195 = tpu.sem_alloc : memref<!tpu.dma_semaphore, #tpu.memory_space<semaphore_mem>>
        %dma_start3A_196 = arith.constant 0 : i32
        %dma_start3A_197 = tpu.memref_slice %arg7[%select_n3A_130, %run_scoped3A_187, %dma_start3A_196] : memref<2x16x128xi32, #tpu.memory_space<vmem>> -> memref<1x1x128xi32, #tpu.memory_space<vmem>>
        %dma_start3A_198 = tpu.memref_squeeze %dma_start3A_197 : memref<1x1x128xi32, #tpu.memory_space<vmem>> -> memref<128xi32, #tpu.memory_space<vmem>>
        %dma_start3A_199 = arith.constant 0 : i32
        %dma_start3A_200 = arith.constant 0 : i32
        %dma_start3A_201 = tpu.memref_slice %arg10[%dma_start3A_199, %dma_start3A_200] : memref<10240x128xf32, #tpu.memory_space<vmem_shared>> -> memref<10240x128xf32, #tpu.memory_space<vmem_shared>>
        tpu.enqueue_indirect_dma source(%arg9 : memref<128x128xf32, #tpu.memory_space<vmem>>) target(%dma_start3A_201 : memref<10240x128xf32, #tpu.memory_space<vmem_shared>>) offsets(%dma_start3A_198 : memref<128xi32, #tpu.memory_space<vmem>>) semaphore(%run_scoped3A_195 : memref<!tpu.dma_semaphore, #tpu.memory_space<semaphore_mem>>) {add = true}
        %dma_wait3A_202 = arith.constant 0 : i32
        %dma_wait3A_203 = tpu.memref_slice %arg7[%select_n3A_130, %run_scoped3A_187, %dma_wait3A_202] : memref<2x16x128xi32, #tpu.memory_space<vmem>> -> memref<1x1x128xi32, #tpu.memory_space<vmem>>
        %dma_wait3A_204 = tpu.memref_squeeze %dma_wait3A_203 : memref<1x1x128xi32, #tpu.memory_space<vmem>> -> memref<128xi32, #tpu.memory_space<vmem>>
        %dma_wait3A_205 = arith.constant 0 : i32
        %dma_wait3A_206 = arith.constant 0 : i32
        %dma_wait3A_207 = tpu.memref_slice %arg10[%dma_wait3A_205, %dma_wait3A_206] : memref<10240x128xf32, #tpu.memory_space<vmem_shared>> -> memref<10240x128xf32, #tpu.memory_space<vmem_shared>>
        tpu.wait_indirect_dma semaphore(%run_scoped3A_195 : memref<!tpu.dma_semaphore, #tpu.memory_space<semaphore_mem>>) src(%arg9 : memref<128x128xf32, #tpu.memory_space<vmem>>) dst(%dma_wait3A_207 : memref<10240x128xf32, #tpu.memory_space<vmem_shared>>)
        tpu.yield
      }) : () -> ()
      %add3A_188 = arith.constant 2 : i32
      %add3A_189 = arith.addi %scan3A_121, %add3A_188 : i32
      %lt3A_190 = arith.constant 10 : i32
      %lt3A_191 = arith.cmpi slt, %add3A_189, %lt3A_190 : i32
      %convert_element_type3A_192 = arith.extui %lt3A_191 : i1 to i32
      %cond3A_193 = arith.constant 0 : i32
      %cond3A_194 = arith.cmpi ne, %convert_element_type3A_192, %cond3A_193 : i32
      scf.if %cond3A_194 {
        %add3A_195 = arith.constant 2 : i32
        %add3A_196 = arith.addi %scan3A_121, %add3A_195 : i32
        %mul3A_197 = arith.constant 16 : i32
        %mul3A_198 = arith.muli %add3A_196, %mul3A_197 : i32
        %add3A_199 = arith.addi %mul3A_2, %mul3A_198 : i32
        %dma_start3A_200 = arith.constant 0 : i32
        %dma_start3A_201 = arith.constant 0 : i32
        %dma_start3A_202 = tpu.memref_slice %arg6[%select_n3A_130, %dma_start3A_200, %dma_start3A_201] : memref<2x16x128xi32, #tpu.memory_space<vmem>> -> memref<1x16x128xi32, #tpu.memory_space<vmem>>
        %dma_start3A_203 = tpu.memref_squeeze %dma_start3A_202 : memref<1x16x128xi32, #tpu.memory_space<vmem>> -> memref<16x128xi32, #tpu.memory_space<vmem>>
        %dma_start3A_204 = arith.constant 0 : i32
        %dma_start3A_205 = tpu.memref_slice %arg3[%add3A_199, %dma_start3A_204] : memref<5120x128xi32, #tpu.memory_space<hbm>> -> memref<16x128xi32, #tpu.memory_space<hbm>>
        %dma_start3A_206 = arith.constant 0 : i32
        %dma_start3A_207 = arith.constant 0 : i32
        %dma_start3A_208 = tpu.memref_slice %arg6[%select_n3A_130, %dma_start3A_206, %dma_start3A_207] : memref<2x16x128xi32, #tpu.memory_space<vmem>> -> memref<1x16x128xi32, #tpu.memory_space<vmem>>
        %dma_start3A_209 = tpu.memref_squeeze %dma_start3A_208 : memref<1x16x128xi32, #tpu.memory_space<vmem>> -> memref<16x128xi32, #tpu.memory_space<vmem>>
        %dma_start3A_210 = arith.constant 0 : i32
        %dma_start3A_211 = tpu.memref_slice %arg3[%add3A_199, %dma_start3A_210] : memref<5120x128xi32, #tpu.memory_space<hbm>> -> memref<16x128xi32, #tpu.memory_space<hbm>>
        tpu.enqueue_dma source(%dma_start3A_211 : memref<16x128xi32, #tpu.memory_space<hbm>>) target(%dma_start3A_209 : memref<16x128xi32, #tpu.memory_space<vmem>>) target_semaphore(%arg13 : memref<!tpu.dma_semaphore, #tpu.memory_space<semaphore_mem>>)
        %mul3A_212 = arith.constant 16 : i32
        %mul3A_213 = arith.muli %add3A_196, %mul3A_212 : i32
        %add3A_214 = arith.addi %mul3A_2, %mul3A_213 : i32
        %dma_start3A_215 = arith.constant 0 : i32
        %dma_start3A_216 = arith.constant 0 : i32
        %dma_start3A_217 = tpu.memref_slice %arg7[%select_n3A_130, %dma_start3A_215, %dma_start3A_216] : memref<2x16x128xi32, #tpu.memory_space<vmem>> -> memref<1x16x128xi32, #tpu.memory_space<vmem>>
        %dma_start3A_218 = tpu.memref_squeeze %dma_start3A_217 : memref<1x16x128xi32, #tpu.memory_space<vmem>> -> memref<16x128xi32, #tpu.memory_space<vmem>>
        %dma_start3A_219 = arith.constant 0 : i32
        %dma_start3A_220 = tpu.memref_slice %arg4[%add3A_214, %dma_start3A_219] : memref<5120x128xi32, #tpu.memory_space<hbm>> -> memref<16x128xi32, #tpu.memory_space<hbm>>
        %dma_start3A_221 = arith.constant 0 : i32
        %dma_start3A_222 = arith.constant 0 : i32
        %dma_start3A_223 = tpu.memref_slice %arg7[%select_n3A_130, %dma_start3A_221, %dma_start3A_222] : memref<2x16x128xi32, #tpu.memory_space<vmem>> -> memref<1x16x128xi32, #tpu.memory_space<vmem>>
        %dma_start3A_224 = tpu.memref_squeeze %dma_start3A_223 : memref<1x16x128xi32, #tpu.memory_space<vmem>> -> memref<16x128xi32, #tpu.memory_space<vmem>>
        %dma_start3A_225 = arith.constant 0 : i32
        %dma_start3A_226 = tpu.memref_slice %arg4[%add3A_214, %dma_start3A_225] : memref<5120x128xi32, #tpu.memory_space<hbm>> -> memref<16x128xi32, #tpu.memory_space<hbm>>
        tpu.enqueue_dma source(%dma_start3A_226 : memref<16x128xi32, #tpu.memory_space<hbm>>) target(%dma_start3A_224 : memref<16x128xi32, #tpu.memory_space<vmem>>) target_semaphore(%arg14 : memref<!tpu.dma_semaphore, #tpu.memory_space<semaphore_mem>>)
      } else {
      }
    }
    %scan3A_117 = arith.constant 10 : i32
    %barrier3A_118 = arith.constant 0 : index
    tpu.barrier barrier_id(%barrier3A_118)
    %mul3A_119 = arith.constant 640 : i32
    %mul3A_120 = arith.muli %arg1, %mul3A_119 : i32
    "tpu.region"() ({
      %run_scoped3A = tpu.sem_alloc : memref<!tpu.dma_semaphore, #tpu.memory_space<semaphore_mem>>
      %dma_start3A_121 = arith.constant 0 : i32
      %dma_start3A_122 = arith.constant 0 : i32
      %dma_start3A_123 = tpu.memref_slice %arg5[%add3A, %dma_start3A_121, %dma_start3A_122] : memref<32x640x128xf32, #tpu.memory_space<hbm>> -> memref<1x640x128xf32, #tpu.memory_space<hbm>>
      %dma_start3A_124 = tpu.memref_squeeze %dma_start3A_123 : memref<1x640x128xf32, #tpu.memory_space<hbm>> -> memref<640x128xf32, #tpu.memory_space<hbm>>
      %dma_start3A_125 = arith.constant 0 : i32
      %dma_start3A_126 = tpu.memref_slice %arg10[%mul3A_120, %dma_start3A_125] : memref<10240x128xf32, #tpu.memory_space<vmem_shared>> -> memref<640x128xf32, #tpu.memory_space<vmem_shared>>
      tpu.enqueue_dma source(%dma_start3A_126 : memref<640x128xf32, #tpu.memory_space<vmem_shared>>) target(%dma_start3A_124 : memref<640x128xf32, #tpu.memory_space<hbm>>) target_semaphore(%run_scoped3A : memref<!tpu.dma_semaphore, #tpu.memory_space<semaphore_mem>>)
      %dma_wait3A_127 = arith.constant 0 : i32
      %dma_wait3A_128 = arith.constant 0 : i32
      %dma_wait3A_129 = tpu.memref_slice %arg5[%add3A, %dma_wait3A_127, %dma_wait3A_128] : memref<32x640x128xf32, #tpu.memory_space<hbm>> -> memref<1x640x128xf32, #tpu.memory_space<hbm>>
      %dma_wait3A_130 = tpu.memref_squeeze %dma_wait3A_129 : memref<1x640x128xf32, #tpu.memory_space<hbm>> -> memref<640x128xf32, #tpu.memory_space<hbm>>
      %dma_wait3A_131 = arith.constant 0 : i32
      %dma_wait3A_132 = tpu.memref_slice %arg10[%mul3A_120, %dma_wait3A_131] : memref<10240x128xf32, #tpu.memory_space<vmem_shared>> -> memref<640x128xf32, #tpu.memory_space<vmem_shared>>
      tpu.wait_dma2 semaphore(%run_scoped3A : memref<!tpu.dma_semaphore, #tpu.memory_space<semaphore_mem>>) src(%dma_wait3A_132 : memref<640x128xf32, #tpu.memory_space<vmem_shared>>) dst(%dma_wait3A_130 : memref<640x128xf32, #tpu.memory_space<hbm>>)
      tpu.yield
    }) : () -> ()
    return
  }
}

#map = affine_map<(d0, d1) -> (0, 0)>
#map1 = affine_map<(d0, d1) -> (0, 0, 0)>
module attributes {stable_mosaic.version = 14 : i64} {
  func.func @_agg_body(%arg0: i32, %arg1: i32, %arg2: memref<20480x128xf32, #tpu.memory_space<hbm>>, %arg3: memref<5120x128xi32, #tpu.memory_space<hbm>>, %arg4: memref<5120x128xi32, #tpu.memory_space<hbm>>, %arg5: memref<32x640x128xf32, #tpu.memory_space<hbm>>, %arg6: memref<2x16x128xi32, #tpu.memory_space<vmem>>, %arg7: memref<2x16x128xi32, #tpu.memory_space<vmem>>, %arg8: memref<128x128xf32, #tpu.memory_space<vmem>>, %arg9: memref<128x128xf32, #tpu.memory_space<vmem>>, %arg10: memref<10240x128xf32, #tpu.memory_space<vmem_shared>>, %arg11: memref<!tpu.dma_semaphore, #tpu.memory_space<semaphore_mem>>, %arg12: memref<!tpu.dma_semaphore, #tpu.memory_space<semaphore_mem>>, %arg13: memref<!tpu.dma_semaphore, #tpu.memory_space<semaphore_mem>>, %arg14: memref<!tpu.dma_semaphore, #tpu.memory_space<semaphore_mem>>) attributes {dimension_semantics = [#tpu.dimension_semantics<core_parallel>, #tpu.dimension_semantics<subcore_parallel>], iteration_bounds = array<i64: 2, 16>, scalar_prefetch = 0 : i64, scratch_operands = 9 : i64, tpu.core_type = #tpu.core_type<sc_vector_subcore>, window_params = [{transform_indices = #map}, {transform_indices = #map}, {transform_indices = #map}, {transform_indices = #map1}]} {
    %mul3A = arith.constant 16 : i32
    %mul3A_0 = arith.muli %arg0, %mul3A : i32
    %add3A = arith.addi %mul3A_0, %arg1 : i32
    %mul3A_1 = arith.constant 160 : i32
    %mul3A_2 = arith.muli %add3A, %mul3A_1 : i32
    %add3A_3 = arith.constant 0 : i32
    %add3A_4 = arith.addi %mul3A_2, %add3A_3 : i32
    %dma_start3A = arith.constant 0 : i32
    %dma_start3A_5 = arith.constant 0 : i32
    %dma_start3A_6 = arith.constant 0 : i32
    %dma_start3A_7 = tpu.memref_slice %arg6[%dma_start3A, %dma_start3A_5, %dma_start3A_6] : memref<2x16x128xi32, #tpu.memory_space<vmem>> -> memref<1x16x128xi32, #tpu.memory_space<vmem>>
    %dma_start3A_8 = tpu.memref_squeeze %dma_start3A_7 : memref<1x16x128xi32, #tpu.memory_space<vmem>> -> memref<16x128xi32, #tpu.memory_space<vmem>>
    %dma_start3A_9 = arith.constant 0 : i32
    %dma_start3A_10 = tpu.memref_slice %arg3[%add3A_4, %dma_start3A_9] : memref<5120x128xi32, #tpu.memory_space<hbm>> -> memref<16x128xi32, #tpu.memory_space<hbm>>
    %dma_start3A_11 = arith.constant 0 : i32
    %dma_start3A_12 = arith.constant 0 : i32
    %dma_start3A_13 = tpu.memref_slice %arg6[%dma_start3A, %dma_start3A_11, %dma_start3A_12] : memref<2x16x128xi32, #tpu.memory_space<vmem>> -> memref<1x16x128xi32, #tpu.memory_space<vmem>>
    %dma_start3A_14 = tpu.memref_squeeze %dma_start3A_13 : memref<1x16x128xi32, #tpu.memory_space<vmem>> -> memref<16x128xi32, #tpu.memory_space<vmem>>
    %dma_start3A_15 = arith.constant 0 : i32
    %dma_start3A_16 = tpu.memref_slice %arg3[%add3A_4, %dma_start3A_15] : memref<5120x128xi32, #tpu.memory_space<hbm>> -> memref<16x128xi32, #tpu.memory_space<hbm>>
    tpu.enqueue_dma source(%dma_start3A_16 : memref<16x128xi32, #tpu.memory_space<hbm>>) target(%dma_start3A_14 : memref<16x128xi32, #tpu.memory_space<vmem>>) target_semaphore(%arg13 : memref<!tpu.dma_semaphore, #tpu.memory_space<semaphore_mem>>)
    %add3A_17 = arith.constant 0 : i32
    %add3A_18 = arith.addi %mul3A_2, %add3A_17 : i32
    %dma_start3A_19 = arith.constant 0 : i32
    %dma_start3A_20 = arith.constant 0 : i32
    %dma_start3A_21 = arith.constant 0 : i32
    %dma_start3A_22 = tpu.memref_slice %arg7[%dma_start3A_19, %dma_start3A_20, %dma_start3A_21] : memref<2x16x128xi32, #tpu.memory_space<vmem>> -> memref<1x16x128xi32, #tpu.memory_space<vmem>>
    %dma_start3A_23 = tpu.memref_squeeze %dma_start3A_22 : memref<1x16x128xi32, #tpu.memory_space<vmem>> -> memref<16x128xi32, #tpu.memory_space<vmem>>
    %dma_start3A_24 = arith.constant 0 : i32
    %dma_start3A_25 = tpu.memref_slice %arg4[%add3A_18, %dma_start3A_24] : memref<5120x128xi32, #tpu.memory_space<hbm>> -> memref<16x128xi32, #tpu.memory_space<hbm>>
    %dma_start3A_26 = arith.constant 0 : i32
    %dma_start3A_27 = arith.constant 0 : i32
    %dma_start3A_28 = tpu.memref_slice %arg7[%dma_start3A_19, %dma_start3A_26, %dma_start3A_27] : memref<2x16x128xi32, #tpu.memory_space<vmem>> -> memref<1x16x128xi32, #tpu.memory_space<vmem>>
    %dma_start3A_29 = tpu.memref_squeeze %dma_start3A_28 : memref<1x16x128xi32, #tpu.memory_space<vmem>> -> memref<16x128xi32, #tpu.memory_space<vmem>>
    %dma_start3A_30 = arith.constant 0 : i32
    %dma_start3A_31 = tpu.memref_slice %arg4[%add3A_18, %dma_start3A_30] : memref<5120x128xi32, #tpu.memory_space<hbm>> -> memref<16x128xi32, #tpu.memory_space<hbm>>
    tpu.enqueue_dma source(%dma_start3A_31 : memref<16x128xi32, #tpu.memory_space<hbm>>) target(%dma_start3A_29 : memref<16x128xi32, #tpu.memory_space<vmem>>) target_semaphore(%arg14 : memref<!tpu.dma_semaphore, #tpu.memory_space<semaphore_mem>>)
    %add3A_32 = arith.constant 16 : i32
    %add3A_33 = arith.addi %mul3A_2, %add3A_32 : i32
    %dma_start3A_34 = arith.constant 1 : i32
    %dma_start3A_35 = arith.constant 0 : i32
    %dma_start3A_36 = arith.constant 0 : i32
    %dma_start3A_37 = tpu.memref_slice %arg6[%dma_start3A_34, %dma_start3A_35, %dma_start3A_36] : memref<2x16x128xi32, #tpu.memory_space<vmem>> -> memref<1x16x128xi32, #tpu.memory_space<vmem>>
    %dma_start3A_38 = tpu.memref_squeeze %dma_start3A_37 : memref<1x16x128xi32, #tpu.memory_space<vmem>> -> memref<16x128xi32, #tpu.memory_space<vmem>>
    %dma_start3A_39 = arith.constant 0 : i32
    %dma_start3A_40 = tpu.memref_slice %arg3[%add3A_33, %dma_start3A_39] : memref<5120x128xi32, #tpu.memory_space<hbm>> -> memref<16x128xi32, #tpu.memory_space<hbm>>
    %dma_start3A_41 = arith.constant 0 : i32
    %dma_start3A_42 = arith.constant 0 : i32
    %dma_start3A_43 = tpu.memref_slice %arg6[%dma_start3A_34, %dma_start3A_41, %dma_start3A_42] : memref<2x16x128xi32, #tpu.memory_space<vmem>> -> memref<1x16x128xi32, #tpu.memory_space<vmem>>
    %dma_start3A_44 = tpu.memref_squeeze %dma_start3A_43 : memref<1x16x128xi32, #tpu.memory_space<vmem>> -> memref<16x128xi32, #tpu.memory_space<vmem>>
    %dma_start3A_45 = arith.constant 0 : i32
    %dma_start3A_46 = tpu.memref_slice %arg3[%add3A_33, %dma_start3A_45] : memref<5120x128xi32, #tpu.memory_space<hbm>> -> memref<16x128xi32, #tpu.memory_space<hbm>>
    tpu.enqueue_dma source(%dma_start3A_46 : memref<16x128xi32, #tpu.memory_space<hbm>>) target(%dma_start3A_44 : memref<16x128xi32, #tpu.memory_space<vmem>>) target_semaphore(%arg13 : memref<!tpu.dma_semaphore, #tpu.memory_space<semaphore_mem>>)
    %add3A_47 = arith.constant 16 : i32
    %add3A_48 = arith.addi %mul3A_2, %add3A_47 : i32
    %dma_start3A_49 = arith.constant 1 : i32
    %dma_start3A_50 = arith.constant 0 : i32
    %dma_start3A_51 = arith.constant 0 : i32
    %dma_start3A_52 = tpu.memref_slice %arg7[%dma_start3A_49, %dma_start3A_50, %dma_start3A_51] : memref<2x16x128xi32, #tpu.memory_space<vmem>> -> memref<1x16x128xi32, #tpu.memory_space<vmem>>
    %dma_start3A_53 = tpu.memref_squeeze %dma_start3A_52 : memref<1x16x128xi32, #tpu.memory_space<vmem>> -> memref<16x128xi32, #tpu.memory_space<vmem>>
    %dma_start3A_54 = arith.constant 0 : i32
    %dma_start3A_55 = tpu.memref_slice %arg4[%add3A_48, %dma_start3A_54] : memref<5120x128xi32, #tpu.memory_space<hbm>> -> memref<16x128xi32, #tpu.memory_space<hbm>>
    %dma_start3A_56 = arith.constant 0 : i32
    %dma_start3A_57 = arith.constant 0 : i32
    %dma_start3A_58 = tpu.memref_slice %arg7[%dma_start3A_49, %dma_start3A_56, %dma_start3A_57] : memref<2x16x128xi32, #tpu.memory_space<vmem>> -> memref<1x16x128xi32, #tpu.memory_space<vmem>>
    %dma_start3A_59 = tpu.memref_squeeze %dma_start3A_58 : memref<1x16x128xi32, #tpu.memory_space<vmem>> -> memref<16x128xi32, #tpu.memory_space<vmem>>
    %dma_start3A_60 = arith.constant 0 : i32
    %dma_start3A_61 = tpu.memref_slice %arg4[%add3A_48, %dma_start3A_60] : memref<5120x128xi32, #tpu.memory_space<hbm>> -> memref<16x128xi32, #tpu.memory_space<hbm>>
    tpu.enqueue_dma source(%dma_start3A_61 : memref<16x128xi32, #tpu.memory_space<hbm>>) target(%dma_start3A_59 : memref<16x128xi32, #tpu.memory_space<vmem>>) target_semaphore(%arg14 : memref<!tpu.dma_semaphore, #tpu.memory_space<semaphore_mem>>)
    %scan3A = arith.constant 0 : i32
    %scan3A_62 = arith.constant 128 : i32
    %scan3A_63 = arith.addi %scan3A, %scan3A_62 : i32
    %scan3A_64 = arith.constant 1 : i32
    scf.for %scan3A_121 = %scan3A to %scan3A_63 step %scan3A_64  : i32 {
      %broadcast_in_dim3A = arith.constant 0.000000e+00 : f32
      %broadcast_in_dim3A_122 = vector.broadcast %broadcast_in_dim3A : f32 to vector<16xf32>
      %swap3A = arith.index_cast %scan3A_121 : i32 to index
      %swap3A_123 = arith.constant 0 : index
      %swap3A_124 = tpu.vector_load %arg8[%swap3A, %swap3A_123] {strides = array<i32>} : memref<128x128xf32, #tpu.memory_space<vmem>>, vector<1x16xf32>,
      %swap3A_125 = vector.shape_cast %swap3A_124 : vector<1x16xf32> to vector<16xf32>
      %swap3A_126 = vector.shape_cast %broadcast_in_dim3A_122 : vector<16xf32> to vector<1x16xf32>
      tpu.vector_store %arg8[%swap3A, %swap3A_123], %swap3A_126 {strides = array<i32>} : memref<128x128xf32, #tpu.memory_space<vmem>>, vector<1x16xf32>,
      %broadcast_in_dim3A_127 = arith.constant 0.000000e+00 : f32
      %broadcast_in_dim3A_128 = vector.broadcast %broadcast_in_dim3A_127 : f32 to vector<16xf32>
      %swap3A_129 = arith.index_cast %scan3A_121 : i32 to index
      %swap3A_130 = arith.constant 16 : index
      %swap3A_131 = tpu.vector_load %arg8[%swap3A_129, %swap3A_130] {strides = array<i32>} : memref<128x128xf32, #tpu.memory_space<vmem>>, vector<1x16xf32>,
      %swap3A_132 = vector.shape_cast %swap3A_131 : vector<1x16xf32> to vector<16xf32>
      %swap3A_133 = vector.shape_cast %broadcast_in_dim3A_128 : vector<16xf32> to vector<1x16xf32>
      tpu.vector_store %arg8[%swap3A_129, %swap3A_130], %swap3A_133 {strides = array<i32>} : memref<128x128xf32, #tpu.memory_space<vmem>>, vector<1x16xf32>,
      %broadcast_in_dim3A_134 = arith.constant 0.000000e+00 : f32
      %broadcast_in_dim3A_135 = vector.broadcast %broadcast_in_dim3A_134 : f32 to vector<16xf32>
      %swap3A_136 = arith.index_cast %scan3A_121 : i32 to index
      %swap3A_137 = arith.constant 32 : index
      %swap3A_138 = tpu.vector_load %arg8[%swap3A_136, %swap3A_137] {strides = array<i32>} : memref<128x128xf32, #tpu.memory_space<vmem>>, vector<1x16xf32>,
      %swap3A_139 = vector.shape_cast %swap3A_138 : vector<1x16xf32> to vector<16xf32>
      %swap3A_140 = vector.shape_cast %broadcast_in_dim3A_135 : vector<16xf32> to vector<1x16xf32>
      tpu.vector_store %arg8[%swap3A_136, %swap3A_137], %swap3A_140 {strides = array<i32>} : memref<128x128xf32, #tpu.memory_space<vmem>>, vector<1x16xf32>,
      %broadcast_in_dim3A_141 = arith.constant 0.000000e+00 : f32
      %broadcast_in_dim3A_142 = vector.broadcast %broadcast_in_dim3A_141 : f32 to vector<16xf32>
      %swap3A_143 = arith.index_cast %scan3A_121 : i32 to index
      %swap3A_144 = arith.constant 48 : index
      %swap3A_145 = tpu.vector_load %arg8[%swap3A_143, %swap3A_144] {strides = array<i32>} : memref<128x128xf32, #tpu.memory_space<vmem>>, vector<1x16xf32>,
      %swap3A_146 = vector.shape_cast %swap3A_145 : vector<1x16xf32> to vector<16xf32>
      %swap3A_147 = vector.shape_cast %broadcast_in_dim3A_142 : vector<16xf32> to vector<1x16xf32>
      tpu.vector_store %arg8[%swap3A_143, %swap3A_144], %swap3A_147 {strides = array<i32>} : memref<128x128xf32, #tpu.memory_space<vmem>>, vector<1x16xf32>,
      %broadcast_in_dim3A_148 = arith.constant 0.000000e+00 : f32
      %broadcast_in_dim3A_149 = vector.broadcast %broadcast_in_dim3A_148 : f32 to vector<16xf32>
      %swap3A_150 = arith.index_cast %scan3A_121 : i32 to index
      %swap3A_151 = arith.constant 64 : index
      %swap3A_152 = tpu.vector_load %arg8[%swap3A_150, %swap3A_151] {strides = array<i32>} : memref<128x128xf32, #tpu.memory_space<vmem>>, vector<1x16xf32>,
      %swap3A_153 = vector.shape_cast %swap3A_152 : vector<1x16xf32> to vector<16xf32>
      %swap3A_154 = vector.shape_cast %broadcast_in_dim3A_149 : vector<16xf32> to vector<1x16xf32>
      tpu.vector_store %arg8[%swap3A_150, %swap3A_151], %swap3A_154 {strides = array<i32>} : memref<128x128xf32, #tpu.memory_space<vmem>>, vector<1x16xf32>,
      %broadcast_in_dim3A_155 = arith.constant 0.000000e+00 : f32
      %broadcast_in_dim3A_156 = vector.broadcast %broadcast_in_dim3A_155 : f32 to vector<16xf32>
      %swap3A_157 = arith.index_cast %scan3A_121 : i32 to index
      %swap3A_158 = arith.constant 80 : index
      %swap3A_159 = tpu.vector_load %arg8[%swap3A_157, %swap3A_158] {strides = array<i32>} : memref<128x128xf32, #tpu.memory_space<vmem>>, vector<1x16xf32>,
      %swap3A_160 = vector.shape_cast %swap3A_159 : vector<1x16xf32> to vector<16xf32>
      %swap3A_161 = vector.shape_cast %broadcast_in_dim3A_156 : vector<16xf32> to vector<1x16xf32>
      tpu.vector_store %arg8[%swap3A_157, %swap3A_158], %swap3A_161 {strides = array<i32>} : memref<128x128xf32, #tpu.memory_space<vmem>>, vector<1x16xf32>,
      %broadcast_in_dim3A_162 = arith.constant 0.000000e+00 : f32
      %broadcast_in_dim3A_163 = vector.broadcast %broadcast_in_dim3A_162 : f32 to vector<16xf32>
      %swap3A_164 = arith.index_cast %scan3A_121 : i32 to index
      %swap3A_165 = arith.constant 96 : index
      %swap3A_166 = tpu.vector_load %arg8[%swap3A_164, %swap3A_165] {strides = array<i32>} : memref<128x128xf32, #tpu.memory_space<vmem>>, vector<1x16xf32>,
      %swap3A_167 = vector.shape_cast %swap3A_166 : vector<1x16xf32> to vector<16xf32>
      %swap3A_168 = vector.shape_cast %broadcast_in_dim3A_163 : vector<16xf32> to vector<1x16xf32>
      tpu.vector_store %arg8[%swap3A_164, %swap3A_165], %swap3A_168 {strides = array<i32>} : memref<128x128xf32, #tpu.memory_space<vmem>>, vector<1x16xf32>,
      %broadcast_in_dim3A_169 = arith.constant 0.000000e+00 : f32
      %broadcast_in_dim3A_170 = vector.broadcast %broadcast_in_dim3A_169 : f32 to vector<16xf32>
      %swap3A_171 = arith.index_cast %scan3A_121 : i32 to index
      %swap3A_172 = arith.constant 112 : index
      %swap3A_173 = tpu.vector_load %arg8[%swap3A_171, %swap3A_172] {strides = array<i32>} : memref<128x128xf32, #tpu.memory_space<vmem>>, vector<1x16xf32>,
      %swap3A_174 = vector.shape_cast %swap3A_173 : vector<1x16xf32> to vector<16xf32>
      %swap3A_175 = vector.shape_cast %broadcast_in_dim3A_170 : vector<16xf32> to vector<1x16xf32>
      tpu.vector_store %arg8[%swap3A_171, %swap3A_172], %swap3A_175 {strides = array<i32>} : memref<128x128xf32, #tpu.memory_space<vmem>>, vector<1x16xf32>,
    }
    %scan3A_65 = arith.constant 128 : i32
    %scan3A_66 = arith.constant 0 : i32
    %scan3A_67 = arith.constant 5 : i32
    %scan3A_68 = arith.addi %scan3A_66, %scan3A_67 : i32
    %scan3A_69 = arith.constant 1 : i32
    scf.for %scan3A_121 = %scan3A_66 to %scan3A_68 step %scan3A_69  : i32 {
      %mul3A_122 = arith.constant 640 : i32
      %mul3A_123 = arith.muli %arg1, %mul3A_122 : i32
      %mul3A_124 = arith.constant 128 : i32
      %mul3A_125 = arith.muli %scan3A_121, %mul3A_124 : i32
      %add3A_126 = arith.addi %mul3A_123, %mul3A_125 : i32
      %dma_start3A_127 = arith.constant 0 : i32
      %dma_start3A_128 = tpu.memref_slice %arg10[%add3A_126, %dma_start3A_127] : memref<10240x128xf32, #tpu.memory_space<vmem_shared>> -> memref<128x128xf32, #tpu.memory_space<vmem_shared>>
      %dma_start3A_129 = arith.constant 0 : i32
      %dma_start3A_130 = tpu.memref_slice %arg10[%add3A_126, %dma_start3A_129] : memref<10240x128xf32, #tpu.memory_space<vmem_shared>> -> memref<128x128xf32, #tpu.memory_space<vmem_shared>>
      tpu.enqueue_dma source(%arg8 : memref<128x128xf32, #tpu.memory_space<vmem>>) target(%dma_start3A_130 : memref<128x128xf32, #tpu.memory_space<vmem_shared>>) target_semaphore(%arg12 : memref<!tpu.dma_semaphore, #tpu.memory_space<semaphore_mem>>)
    }
    %scan3A_70 = arith.constant 5 : i32
    %scan3A_71 = arith.constant 0 : i32
    %scan3A_72 = arith.constant 5 : i32
    %scan3A_73 = arith.addi %scan3A_71, %scan3A_72 : i32
    %scan3A_74 = arith.constant 1 : i32
    scf.for %scan3A_121 = %scan3A_71 to %scan3A_73 step %scan3A_74  : i32 {
      %mul3A_122 = arith.constant 640 : i32
      %mul3A_123 = arith.muli %arg1, %mul3A_122 : i32
      %mul3A_124 = arith.constant 128 : i32
      %mul3A_125 = arith.muli %scan3A_121, %mul3A_124 : i32
      %add3A_126 = arith.addi %mul3A_123, %mul3A_125 : i32
      %dma_wait3A_127 = arith.constant 0 : i32
      %dma_wait3A_128 = tpu.memref_slice %arg10[%add3A_126, %dma_wait3A_127] : memref<10240x128xf32, #tpu.memory_space<vmem_shared>> -> memref<128x128xf32, #tpu.memory_space<vmem_shared>>
      %dma_wait3A_129 = arith.constant 0 : i32
      %dma_wait3A_130 = tpu.memref_slice %arg10[%add3A_126, %dma_wait3A_129] : memref<10240x128xf32, #tpu.memory_space<vmem_shared>> -> memref<128x128xf32, #tpu.memory_space<vmem_shared>>
      tpu.wait_dma2 semaphore(%arg12 : memref<!tpu.dma_semaphore, #tpu.memory_space<semaphore_mem>>) src(%arg8 : memref<128x128xf32, #tpu.memory_space<vmem>>) dst(%dma_wait3A_130 : memref<128x128xf32, #tpu.memory_space<vmem_shared>>)
    }
    %scan3A_75 = arith.constant 5 : i32
    %barrier3A = arith.constant 0 : index
    tpu.barrier barrier_id(%barrier3A)
    %add3A_76 = arith.constant 0 : i32
    %add3A_77 = arith.addi %mul3A_2, %add3A_76 : i32
    %dma_wait3A = arith.constant 0 : i32
    %dma_wait3A_78 = arith.constant 0 : i32
    %dma_wait3A_79 = arith.constant 0 : i32
    %dma_wait3A_80 = tpu.memref_slice %arg6[%dma_wait3A, %dma_wait3A_78, %dma_wait3A_79] : memref<2x16x128xi32, #tpu.memory_space<vmem>> -> memref<1x16x128xi32, #tpu.memory_space<vmem>>
    %dma_wait3A_81 = tpu.memref_squeeze %dma_wait3A_80 : memref<1x16x128xi32, #tpu.memory_space<vmem>> -> memref<16x128xi32, #tpu.memory_space<vmem>>
    %dma_wait3A_82 = arith.constant 0 : i32
    %dma_wait3A_83 = tpu.memref_slice %arg3[%add3A_77, %dma_wait3A_82] : memref<5120x128xi32, #tpu.memory_space<hbm>> -> memref<16x128xi32, #tpu.memory_space<hbm>>
    %dma_wait3A_84 = arith.constant 0 : i32
    %dma_wait3A_85 = arith.constant 0 : i32
    %dma_wait3A_86 = tpu.memref_slice %arg6[%dma_wait3A, %dma_wait3A_84, %dma_wait3A_85] : memref<2x16x128xi32, #tpu.memory_space<vmem>> -> memref<1x16x128xi32, #tpu.memory_space<vmem>>
    %dma_wait3A_87 = tpu.memref_squeeze %dma_wait3A_86 : memref<1x16x128xi32, #tpu.memory_space<vmem>> -> memref<16x128xi32, #tpu.memory_space<vmem>>
    %dma_wait3A_88 = arith.constant 0 : i32
    %dma_wait3A_89 = tpu.memref_slice %arg3[%add3A_77, %dma_wait3A_88] : memref<5120x128xi32, #tpu.memory_space<hbm>> -> memref<16x128xi32, #tpu.memory_space<hbm>>
    tpu.wait_dma2 semaphore(%arg13 : memref<!tpu.dma_semaphore, #tpu.memory_space<semaphore_mem>>) src(%dma_wait3A_89 : memref<16x128xi32, #tpu.memory_space<hbm>>) dst(%dma_wait3A_87 : memref<16x128xi32, #tpu.memory_space<vmem>>)
    %add3A_90 = arith.constant 0 : i32
    %add3A_91 = arith.addi %mul3A_2, %add3A_90 : i32
    %dma_wait3A_92 = arith.constant 0 : i32
    %dma_wait3A_93 = arith.constant 0 : i32
    %dma_wait3A_94 = arith.constant 0 : i32
    %dma_wait3A_95 = tpu.memref_slice %arg7[%dma_wait3A_92, %dma_wait3A_93, %dma_wait3A_94] : memref<2x16x128xi32, #tpu.memory_space<vmem>> -> memref<1x16x128xi32, #tpu.memory_space<vmem>>
    %dma_wait3A_96 = tpu.memref_squeeze %dma_wait3A_95 : memref<1x16x128xi32, #tpu.memory_space<vmem>> -> memref<16x128xi32, #tpu.memory_space<vmem>>
    %dma_wait3A_97 = arith.constant 0 : i32
    %dma_wait3A_98 = tpu.memref_slice %arg4[%add3A_91, %dma_wait3A_97] : memref<5120x128xi32, #tpu.memory_space<hbm>> -> memref<16x128xi32, #tpu.memory_space<hbm>>
    %dma_wait3A_99 = arith.constant 0 : i32
    %dma_wait3A_100 = arith.constant 0 : i32
    %dma_wait3A_101 = tpu.memref_slice %arg7[%dma_wait3A_92, %dma_wait3A_99, %dma_wait3A_100] : memref<2x16x128xi32, #tpu.memory_space<vmem>> -> memref<1x16x128xi32, #tpu.memory_space<vmem>>
    %dma_wait3A_102 = tpu.memref_squeeze %dma_wait3A_101 : memref<1x16x128xi32, #tpu.memory_space<vmem>> -> memref<16x128xi32, #tpu.memory_space<vmem>>
    %dma_wait3A_103 = arith.constant 0 : i32
    %dma_wait3A_104 = tpu.memref_slice %arg4[%add3A_91, %dma_wait3A_103] : memref<5120x128xi32, #tpu.memory_space<hbm>> -> memref<16x128xi32, #tpu.memory_space<hbm>>
    tpu.wait_dma2 semaphore(%arg14 : memref<!tpu.dma_semaphore, #tpu.memory_space<semaphore_mem>>) src(%dma_wait3A_104 : memref<16x128xi32, #tpu.memory_space<hbm>>) dst(%dma_wait3A_102 : memref<16x128xi32, #tpu.memory_space<vmem>>)
    %dma_start3A_105 = arith.constant 0 : i32
    %dma_start3A_106 = arith.constant 0 : i32
    %dma_start3A_107 = arith.constant 0 : i32
    %dma_start3A_108 = tpu.memref_slice %arg6[%dma_start3A_105, %dma_start3A_106, %dma_start3A_107] : memref<2x16x128xi32, #tpu.memory_space<vmem>> -> memref<1x1x128xi32, #tpu.memory_space<vmem>>
    %dma_start3A_109 = tpu.memref_squeeze %dma_start3A_108 : memref<1x1x128xi32, #tpu.memory_space<vmem>> -> memref<128xi32, #tpu.memory_space<vmem>>
    %dma_start3A_110 = arith.constant 0 : i32
    %dma_start3A_111 = arith.constant 0 : i32
    %dma_start3A_112 = tpu.memref_slice %arg2[%dma_start3A_110, %dma_start3A_111] : memref<20480x128xf32, #tpu.memory_space<hbm>> -> memref<20480x128xf32, #tpu.memory_space<hbm>>
    tpu.enqueue_indirect_dma source(%dma_start3A_112 : memref<20480x128xf32, #tpu.memory_space<hbm>>) target(%arg8 : memref<128x128xf32, #tpu.memory_space<vmem>>) offsets(%dma_start3A_109 : memref<128xi32, #tpu.memory_space<vmem>>) semaphore(%arg11 : memref<!tpu.dma_semaphore, #tpu.memory_space<semaphore_mem>>)
    %scan3A_113 = arith.constant 0 : i32
    %scan3A_114 = arith.constant 10 : i32
    %scan3A_115 = arith.addi %scan3A_113, %scan3A_114 : i32
    %scan3A_116 = arith.constant 1 : i32
    scf.for %scan3A_121 = %scan3A_113 to %scan3A_115 step %scan3A_116  : i32 {
      %jit3A = arith.constant 2 : i32
      %eq3A = arith.constant 0 : i32
      %eq3A_122 = arith.cmpi eq, %jit3A, %eq3A : i32
      %jit3A_123 = arith.constant 1 : i32
      %select_n3A = arith.select %eq3A_122, %jit3A_123, %jit3A : i32
      %rem3A = arith.remsi %scan3A_121, %select_n3A : i32
      %ne3A = arith.constant 0 : i32
      %ne3A_124 = arith.cmpi ne, %rem3A, %ne3A : i32
      %lt3A = arith.constant 0 : i32
      %lt3A_125 = arith.cmpi slt, %rem3A, %lt3A : i32
      %lt3A_126 = arith.constant 0 : i32
      %lt3A_127 = arith.cmpi slt, %select_n3A, %lt3A_126 : i32
      %ne3A_128 = arith.xori %lt3A_125, %lt3A_127 : i1
      %and3A = arith.andi %ne3A_128, %ne3A_124 : i1
      %add3A_129 = arith.addi %rem3A, %select_n3A : i32
      %select_n3A_130 = arith.select %and3A, %add3A_129, %rem3A : i32
      %add3A_131 = arith.constant 1 : i32
      %add3A_132 = arith.addi %scan3A_121, %add3A_131 : i32
      %jit3A_133 = arith.constant 2 : i32
      %eq3A_134 = arith.constant 0 : i32
      %eq3A_135 = arith.cmpi eq, %jit3A_133, %eq3A_134 : i32
      %jit3A_136 = arith.constant 1 : i32
      %select_n3A_137 = arith.select %eq3A_135, %jit3A_136, %jit3A_133 : i32
      %rem3A_138 = arith.remsi %add3A_132, %select_n3A_137 : i32
      %ne3A_139 = arith.constant 0 : i32
      %ne3A_140 = arith.cmpi ne, %rem3A_138, %ne3A_139 : i32
      %lt3A_141 = arith.constant 0 : i32
      %lt3A_142 = arith.cmpi slt, %rem3A_138, %lt3A_141 : i32
      %lt3A_143 = arith.constant 0 : i32
      %lt3A_144 = arith.cmpi slt, %select_n3A_137, %lt3A_143 : i32
      %ne3A_145 = arith.xori %lt3A_142, %lt3A_144 : i1
      %and3A_146 = arith.andi %ne3A_145, %ne3A_140 : i1
      %add3A_147 = arith.addi %rem3A_138, %select_n3A_137 : i32
      %select_n3A_148 = arith.select %and3A_146, %add3A_147, %rem3A_138 : i32
      %scan3A_149 = arith.constant 0 : i32
      %scan3A_150 = arith.constant 7 : i32
      %scan3A_151 = arith.addi %scan3A_149, %scan3A_150 : i32
      %scan3A_152 = arith.constant 1 : i32
      scf.for %scan3A_195 = %scan3A_149 to %scan3A_151 step %scan3A_152  : i32 {
        %mul3A_196 = arith.constant 2 : i32
        %mul3A_197 = arith.muli %mul3A_196, %scan3A_195 : i32
        %add3A_198 = arith.constant 1 : i32
        %add3A_199 = arith.addi %mul3A_197, %add3A_198 : i32
        %dma_start3A_200 = arith.constant 0 : i32
        %dma_start3A_201 = tpu.memref_slice %arg6[%select_n3A_130, %add3A_199, %dma_start3A_200] : memref<2x16x128xi32, #tpu.memory_space<vmem>> -> memref<1x1x128xi32, #tpu.memory_space<vmem>>
        %dma_start3A_202 = tpu.memref_squeeze %dma_start3A_201 : memref<1x1x128xi32, #tpu.memory_space<vmem>> -> memref<128xi32, #tpu.memory_space<vmem>>
        %dma_start3A_203 = arith.constant 0 : i32
        %dma_start3A_204 = arith.constant 0 : i32
        %dma_start3A_205 = tpu.memref_slice %arg2[%dma_start3A_203, %dma_start3A_204] : memref<20480x128xf32, #tpu.memory_space<hbm>> -> memref<20480x128xf32, #tpu.memory_space<hbm>>
        tpu.enqueue_indirect_dma source(%dma_start3A_205 : memref<20480x128xf32, #tpu.memory_space<hbm>>) target(%arg9 : memref<128x128xf32, #tpu.memory_space<vmem>>) offsets(%dma_start3A_202 : memref<128xi32, #tpu.memory_space<vmem>>) semaphore(%arg12 : memref<!tpu.dma_semaphore, #tpu.memory_space<semaphore_mem>>)
        %dma_wait3A_206 = arith.constant 0 : i32
        %dma_wait3A_207 = tpu.memref_slice %arg6[%select_n3A_130, %mul3A_197, %dma_wait3A_206] : memref<2x16x128xi32, #tpu.memory_space<vmem>> -> memref<1x1x128xi32, #tpu.memory_space<vmem>>
        %dma_wait3A_208 = tpu.memref_squeeze %dma_wait3A_207 : memref<1x1x128xi32, #tpu.memory_space<vmem>> -> memref<128xi32, #tpu.memory_space<vmem>>
        %dma_wait3A_209 = arith.constant 0 : i32
        %dma_wait3A_210 = arith.constant 0 : i32
        %dma_wait3A_211 = tpu.memref_slice %arg2[%dma_wait3A_209, %dma_wait3A_210] : memref<20480x128xf32, #tpu.memory_space<hbm>> -> memref<20480x128xf32, #tpu.memory_space<hbm>>
        tpu.wait_indirect_dma semaphore(%arg11 : memref<!tpu.dma_semaphore, #tpu.memory_space<semaphore_mem>>) src(%dma_wait3A_211 : memref<20480x128xf32, #tpu.memory_space<hbm>>) dst(%arg8 : memref<128x128xf32, #tpu.memory_space<vmem>>)
        "tpu.region"() ({
          %run_scoped3A_230 = tpu.sem_alloc : memref<!tpu.dma_semaphore, #tpu.memory_space<semaphore_mem>>
          %dma_start3A_231 = arith.constant 0 : i32
          %dma_start3A_232 = tpu.memref_slice %arg7[%select_n3A_130, %mul3A_197, %dma_start3A_231] : memref<2x16x128xi32, #tpu.memory_space<vmem>> -> memref<1x1x128xi32, #tpu.memory_space<vmem>>
          %dma_start3A_233 = tpu.memref_squeeze %dma_start3A_232 : memref<1x1x128xi32, #tpu.memory_space<vmem>> -> memref<128xi32, #tpu.memory_space<vmem>>
          %dma_start3A_234 = arith.constant 0 : i32
          %dma_start3A_235 = arith.constant 0 : i32
          %dma_start3A_236 = tpu.memref_slice %arg10[%dma_start3A_234, %dma_start3A_235] : memref<10240x128xf32, #tpu.memory_space<vmem_shared>> -> memref<10240x128xf32, #tpu.memory_space<vmem_shared>>
          tpu.enqueue_indirect_dma source(%arg8 : memref<128x128xf32, #tpu.memory_space<vmem>>) target(%dma_start3A_236 : memref<10240x128xf32, #tpu.memory_space<vmem_shared>>) offsets(%dma_start3A_233 : memref<128xi32, #tpu.memory_space<vmem>>) semaphore(%run_scoped3A_230 : memref<!tpu.dma_semaphore, #tpu.memory_space<semaphore_mem>>) {add = true}
          %dma_wait3A_237 = arith.constant 0 : i32
          %dma_wait3A_238 = tpu.memref_slice %arg7[%select_n3A_130, %mul3A_197, %dma_wait3A_237] : memref<2x16x128xi32, #tpu.memory_space<vmem>> -> memref<1x1x128xi32, #tpu.memory_space<vmem>>
          %dma_wait3A_239 = tpu.memref_squeeze %dma_wait3A_238 : memref<1x1x128xi32, #tpu.memory_space<vmem>> -> memref<128xi32, #tpu.memory_space<vmem>>
          %dma_wait3A_240 = arith.constant 0 : i32
          %dma_wait3A_241 = arith.constant 0 : i32
          %dma_wait3A_242 = tpu.memref_slice %arg10[%dma_wait3A_240, %dma_wait3A_241] : memref<10240x128xf32, #tpu.memory_space<vmem_shared>> -> memref<10240x128xf32, #tpu.memory_space<vmem_shared>>
          tpu.wait_indirect_dma semaphore(%run_scoped3A_230 : memref<!tpu.dma_semaphore, #tpu.memory_space<semaphore_mem>>) src(%arg8 : memref<128x128xf32, #tpu.memory_space<vmem>>) dst(%dma_wait3A_242 : memref<10240x128xf32, #tpu.memory_space<vmem_shared>>)
          tpu.yield
        }) : () -> ()
        %add3A_212 = arith.constant 2 : i32
        %add3A_213 = arith.addi %mul3A_197, %add3A_212 : i32
        %dma_start3A_214 = arith.constant 0 : i32
        %dma_start3A_215 = tpu.memref_slice %arg6[%select_n3A_130, %add3A_213, %dma_start3A_214] : memref<2x16x128xi32, #tpu.memory_space<vmem>> -> memref<1x1x128xi32, #tpu.memory_space<vmem>>
        %dma_start3A_216 = tpu.memref_squeeze %dma_start3A_215 : memref<1x1x128xi32, #tpu.memory_space<vmem>> -> memref<128xi32, #tpu.memory_space<vmem>>
        %dma_start3A_217 = arith.constant 0 : i32
        %dma_start3A_218 = arith.constant 0 : i32
        %dma_start3A_219 = tpu.memref_slice %arg2[%dma_start3A_217, %dma_start3A_218] : memref<20480x128xf32, #tpu.memory_space<hbm>> -> memref<20480x128xf32, #tpu.memory_space<hbm>>
        tpu.enqueue_indirect_dma source(%dma_start3A_219 : memref<20480x128xf32, #tpu.memory_space<hbm>>) target(%arg8 : memref<128x128xf32, #tpu.memory_space<vmem>>) offsets(%dma_start3A_216 : memref<128xi32, #tpu.memory_space<vmem>>) semaphore(%arg11 : memref<!tpu.dma_semaphore, #tpu.memory_space<semaphore_mem>>)
        %add3A_220 = arith.constant 1 : i32
        %add3A_221 = arith.addi %mul3A_197, %add3A_220 : i32
        %dma_wait3A_222 = arith.constant 0 : i32
        %dma_wait3A_223 = tpu.memref_slice %arg6[%select_n3A_130, %add3A_221, %dma_wait3A_222] : memref<2x16x128xi32, #tpu.memory_space<vmem>> -> memref<1x1x128xi32, #tpu.memory_space<vmem>>
        %dma_wait3A_224 = tpu.memref_squeeze %dma_wait3A_223 : memref<1x1x128xi32, #tpu.memory_space<vmem>> -> memref<128xi32, #tpu.memory_space<vmem>>
        %dma_wait3A_225 = arith.constant 0 : i32
        %dma_wait3A_226 = arith.constant 0 : i32
        %dma_wait3A_227 = tpu.memref_slice %arg2[%dma_wait3A_225, %dma_wait3A_226] : memref<20480x128xf32, #tpu.memory_space<hbm>> -> memref<20480x128xf32, #tpu.memory_space<hbm>>
        tpu.wait_indirect_dma semaphore(%arg12 : memref<!tpu.dma_semaphore, #tpu.memory_space<semaphore_mem>>) src(%dma_wait3A_227 : memref<20480x128xf32, #tpu.memory_space<hbm>>) dst(%arg9 : memref<128x128xf32, #tpu.memory_space<vmem>>)
        %add3A_228 = arith.constant 1 : i32
        %add3A_229 = arith.addi %mul3A_197, %add3A_228 : i32
        "tpu.region"() ({
          %run_scoped3A_230 = tpu.sem_alloc : memref<!tpu.dma_semaphore, #tpu.memory_space<semaphore_mem>>
          %dma_start3A_231 = arith.constant 0 : i32
          %dma_start3A_232 = tpu.memref_slice %arg7[%select_n3A_130, %add3A_229, %dma_start3A_231] : memref<2x16x128xi32, #tpu.memory_space<vmem>> -> memref<1x1x128xi32, #tpu.memory_space<vmem>>
          %dma_start3A_233 = tpu.memref_squeeze %dma_start3A_232 : memref<1x1x128xi32, #tpu.memory_space<vmem>> -> memref<128xi32, #tpu.memory_space<vmem>>
          %dma_start3A_234 = arith.constant 0 : i32
          %dma_start3A_235 = arith.constant 0 : i32
          %dma_start3A_236 = tpu.memref_slice %arg10[%dma_start3A_234, %dma_start3A_235] : memref<10240x128xf32, #tpu.memory_space<vmem_shared>> -> memref<10240x128xf32, #tpu.memory_space<vmem_shared>>
          tpu.enqueue_indirect_dma source(%arg9 : memref<128x128xf32, #tpu.memory_space<vmem>>) target(%dma_start3A_236 : memref<10240x128xf32, #tpu.memory_space<vmem_shared>>) offsets(%dma_start3A_233 : memref<128xi32, #tpu.memory_space<vmem>>) semaphore(%run_scoped3A_230 : memref<!tpu.dma_semaphore, #tpu.memory_space<semaphore_mem>>) {add = true}
          %dma_wait3A_237 = arith.constant 0 : i32
          %dma_wait3A_238 = tpu.memref_slice %arg7[%select_n3A_130, %add3A_229, %dma_wait3A_237] : memref<2x16x128xi32, #tpu.memory_space<vmem>> -> memref<1x1x128xi32, #tpu.memory_space<vmem>>
          %dma_wait3A_239 = tpu.memref_squeeze %dma_wait3A_238 : memref<1x1x128xi32, #tpu.memory_space<vmem>> -> memref<128xi32, #tpu.memory_space<vmem>>
          %dma_wait3A_240 = arith.constant 0 : i32
          %dma_wait3A_241 = arith.constant 0 : i32
          %dma_wait3A_242 = tpu.memref_slice %arg10[%dma_wait3A_240, %dma_wait3A_241] : memref<10240x128xf32, #tpu.memory_space<vmem_shared>> -> memref<10240x128xf32, #tpu.memory_space<vmem_shared>>
          tpu.wait_indirect_dma semaphore(%run_scoped3A_230 : memref<!tpu.dma_semaphore, #tpu.memory_space<semaphore_mem>>) src(%arg9 : memref<128x128xf32, #tpu.memory_space<vmem>>) dst(%dma_wait3A_242 : memref<10240x128xf32, #tpu.memory_space<vmem_shared>>)
          tpu.yield
        }) : () -> ()
      }
      %scan3A_153 = arith.constant 7 : i32
      %add3A_154 = arith.constant 1 : i32
      %add3A_155 = arith.addi %scan3A_121, %add3A_154 : i32
      %lt3A_156 = arith.constant 10 : i32
      %lt3A_157 = arith.cmpi slt, %add3A_155, %lt3A_156 : i32
      %convert_element_type3A = arith.extui %lt3A_157 : i1 to i32
      %cond3A = arith.constant 0 : i32
      %cond3A_158 = arith.cmpi ne, %convert_element_type3A, %cond3A : i32
      scf.if %cond3A_158 {
        %add3A_195 = arith.constant 1 : i32
        %add3A_196 = arith.addi %scan3A_121, %add3A_195 : i32
        %mul3A_197 = arith.constant 16 : i32
        %mul3A_198 = arith.muli %add3A_196, %mul3A_197 : i32
        %add3A_199 = arith.addi %mul3A_2, %mul3A_198 : i32
        %dma_wait3A_200 = arith.constant 0 : i32
        %dma_wait3A_201 = arith.constant 0 : i32
        %dma_wait3A_202 = tpu.memref_slice %arg6[%select_n3A_148, %dma_wait3A_200, %dma_wait3A_201] : memref<2x16x128xi32, #tpu.memory_space<vmem>> -> memref<1x16x128xi32, #tpu.memory_space<vmem>>
        %dma_wait3A_203 = tpu.memref_squeeze %dma_wait3A_202 : memref<1x16x128xi32, #tpu.memory_space<vmem>> -> memref<16x128xi32, #tpu.memory_space<vmem>>
        %dma_wait3A_204 = arith.constant 0 : i32
        %dma_wait3A_205 = tpu.memref_slice %arg3[%add3A_199, %dma_wait3A_204] : memref<5120x128xi32, #tpu.memory_space<hbm>> -> memref<16x128xi32, #tpu.memory_space<hbm>>
        %dma_wait3A_206 = arith.constant 0 : i32
        %dma_wait3A_207 = arith.constant 0 : i32
        %dma_wait3A_208 = tpu.memref_slice %arg6[%select_n3A_148, %dma_wait3A_206, %dma_wait3A_207] : memref<2x16x128xi32, #tpu.memory_space<vmem>> -> memref<1x16x128xi32, #tpu.memory_space<vmem>>
        %dma_wait3A_209 = tpu.memref_squeeze %dma_wait3A_208 : memref<1x16x128xi32, #tpu.memory_space<vmem>> -> memref<16x128xi32, #tpu.memory_space<vmem>>
        %dma_wait3A_210 = arith.constant 0 : i32
        %dma_wait3A_211 = tpu.memref_slice %arg3[%add3A_199, %dma_wait3A_210] : memref<5120x128xi32, #tpu.memory_space<hbm>> -> memref<16x128xi32, #tpu.memory_space<hbm>>
        tpu.wait_dma2 semaphore(%arg13 : memref<!tpu.dma_semaphore, #tpu.memory_space<semaphore_mem>>) src(%dma_wait3A_211 : memref<16x128xi32, #tpu.memory_space<hbm>>) dst(%dma_wait3A_209 : memref<16x128xi32, #tpu.memory_space<vmem>>)
        %mul3A_212 = arith.constant 16 : i32
        %mul3A_213 = arith.muli %add3A_196, %mul3A_212 : i32
        %add3A_214 = arith.addi %mul3A_2, %mul3A_213 : i32
        %dma_wait3A_215 = arith.constant 0 : i32
        %dma_wait3A_216 = arith.constant 0 : i32
        %dma_wait3A_217 = tpu.memref_slice %arg7[%select_n3A_148, %dma_wait3A_215, %dma_wait3A_216] : memref<2x16x128xi32, #tpu.memory_space<vmem>> -> memref<1x16x128xi32, #tpu.memory_space<vmem>>
        %dma_wait3A_218 = tpu.memref_squeeze %dma_wait3A_217 : memref<1x16x128xi32, #tpu.memory_space<vmem>> -> memref<16x128xi32, #tpu.memory_space<vmem>>
        %dma_wait3A_219 = arith.constant 0 : i32
        %dma_wait3A_220 = tpu.memref_slice %arg4[%add3A_214, %dma_wait3A_219] : memref<5120x128xi32, #tpu.memory_space<hbm>> -> memref<16x128xi32, #tpu.memory_space<hbm>>
        %dma_wait3A_221 = arith.constant 0 : i32
        %dma_wait3A_222 = arith.constant 0 : i32
        %dma_wait3A_223 = tpu.memref_slice %arg7[%select_n3A_148, %dma_wait3A_221, %dma_wait3A_222] : memref<2x16x128xi32, #tpu.memory_space<vmem>> -> memref<1x16x128xi32, #tpu.memory_space<vmem>>
        %dma_wait3A_224 = tpu.memref_squeeze %dma_wait3A_223 : memref<1x16x128xi32, #tpu.memory_space<vmem>> -> memref<16x128xi32, #tpu.memory_space<vmem>>
        %dma_wait3A_225 = arith.constant 0 : i32
        %dma_wait3A_226 = tpu.memref_slice %arg4[%add3A_214, %dma_wait3A_225] : memref<5120x128xi32, #tpu.memory_space<hbm>> -> memref<16x128xi32, #tpu.memory_space<hbm>>
        tpu.wait_dma2 semaphore(%arg14 : memref<!tpu.dma_semaphore, #tpu.memory_space<semaphore_mem>>) src(%dma_wait3A_226 : memref<16x128xi32, #tpu.memory_space<hbm>>) dst(%dma_wait3A_224 : memref<16x128xi32, #tpu.memory_space<vmem>>)
      } else {
      }
      %dma_start3A_159 = arith.constant 15 : i32
      %dma_start3A_160 = arith.constant 0 : i32
      %dma_start3A_161 = tpu.memref_slice %arg6[%select_n3A_130, %dma_start3A_159, %dma_start3A_160] : memref<2x16x128xi32, #tpu.memory_space<vmem>> -> memref<1x1x128xi32, #tpu.memory_space<vmem>>
      %dma_start3A_162 = tpu.memref_squeeze %dma_start3A_161 : memref<1x1x128xi32, #tpu.memory_space<vmem>> -> memref<128xi32, #tpu.memory_space<vmem>>
      %dma_start3A_163 = arith.constant 0 : i32
      %dma_start3A_164 = arith.constant 0 : i32
      %dma_start3A_165 = tpu.memref_slice %arg2[%dma_start3A_163, %dma_start3A_164] : memref<20480x128xf32, #tpu.memory_space<hbm>> -> memref<20480x128xf32, #tpu.memory_space<hbm>>
      tpu.enqueue_indirect_dma source(%dma_start3A_165 : memref<20480x128xf32, #tpu.memory_space<hbm>>) target(%arg9 : memref<128x128xf32, #tpu.memory_space<vmem>>) offsets(%dma_start3A_162 : memref<128xi32, #tpu.memory_space<vmem>>) semaphore(%arg12 : memref<!tpu.dma_semaphore, #tpu.memory_space<semaphore_mem>>)
      %dma_wait3A_166 = arith.constant 14 : i32
      %dma_wait3A_167 = arith.constant 0 : i32
      %dma_wait3A_168 = tpu.memref_slice %arg6[%select_n3A_130, %dma_wait3A_166, %dma_wait3A_167] : memref<2x16x128xi32, #tpu.memory_space<vmem>> -> memref<1x1x128xi32, #tpu.memory_space<vmem>>
      %dma_wait3A_169 = tpu.memref_squeeze %dma_wait3A_168 : memref<1x1x128xi32, #tpu.memory_space<vmem>> -> memref<128xi32, #tpu.memory_space<vmem>>
      %dma_wait3A_170 = arith.constant 0 : i32
      %dma_wait3A_171 = arith.constant 0 : i32
      %dma_wait3A_172 = tpu.memref_slice %arg2[%dma_wait3A_170, %dma_wait3A_171] : memref<20480x128xf32, #tpu.memory_space<hbm>> -> memref<20480x128xf32, #tpu.memory_space<hbm>>
      tpu.wait_indirect_dma semaphore(%arg11 : memref<!tpu.dma_semaphore, #tpu.memory_space<semaphore_mem>>) src(%dma_wait3A_172 : memref<20480x128xf32, #tpu.memory_space<hbm>>) dst(%arg8 : memref<128x128xf32, #tpu.memory_space<vmem>>)
      %run_scoped3A = arith.constant 14 : i32
      "tpu.region"() ({
        %run_scoped3A_195 = tpu.sem_alloc : memref<!tpu.dma_semaphore, #tpu.memory_space<semaphore_mem>>
        %dma_start3A_196 = arith.constant 0 : i32
        %dma_start3A_197 = tpu.memref_slice %arg7[%select_n3A_130, %run_scoped3A, %dma_start3A_196] : memref<2x16x128xi32, #tpu.memory_space<vmem>> -> memref<1x1x128xi32, #tpu.memory_space<vmem>>
        %dma_start3A_198 = tpu.memref_squeeze %dma_start3A_197 : memref<1x1x128xi32, #tpu.memory_space<vmem>> -> memref<128xi32, #tpu.memory_space<vmem>>
        %dma_start3A_199 = arith.constant 0 : i32
        %dma_start3A_200 = arith.constant 0 : i32
        %dma_start3A_201 = tpu.memref_slice %arg10[%dma_start3A_199, %dma_start3A_200] : memref<10240x128xf32, #tpu.memory_space<vmem_shared>> -> memref<10240x128xf32, #tpu.memory_space<vmem_shared>>
        tpu.enqueue_indirect_dma source(%arg8 : memref<128x128xf32, #tpu.memory_space<vmem>>) target(%dma_start3A_201 : memref<10240x128xf32, #tpu.memory_space<vmem_shared>>) offsets(%dma_start3A_198 : memref<128xi32, #tpu.memory_space<vmem>>) semaphore(%run_scoped3A_195 : memref<!tpu.dma_semaphore, #tpu.memory_space<semaphore_mem>>) {add = true}
        %dma_wait3A_202 = arith.constant 0 : i32
        %dma_wait3A_203 = tpu.memref_slice %arg7[%select_n3A_130, %run_scoped3A, %dma_wait3A_202] : memref<2x16x128xi32, #tpu.memory_space<vmem>> -> memref<1x1x128xi32, #tpu.memory_space<vmem>>
        %dma_wait3A_204 = tpu.memref_squeeze %dma_wait3A_203 : memref<1x1x128xi32, #tpu.memory_space<vmem>> -> memref<128xi32, #tpu.memory_space<vmem>>
        %dma_wait3A_205 = arith.constant 0 : i32
        %dma_wait3A_206 = arith.constant 0 : i32
        %dma_wait3A_207 = tpu.memref_slice %arg10[%dma_wait3A_205, %dma_wait3A_206] : memref<10240x128xf32, #tpu.memory_space<vmem_shared>> -> memref<10240x128xf32, #tpu.memory_space<vmem_shared>>
        tpu.wait_indirect_dma semaphore(%run_scoped3A_195 : memref<!tpu.dma_semaphore, #tpu.memory_space<semaphore_mem>>) src(%arg8 : memref<128x128xf32, #tpu.memory_space<vmem>>) dst(%dma_wait3A_207 : memref<10240x128xf32, #tpu.memory_space<vmem_shared>>)
        tpu.yield
      }) : () -> ()
      %add3A_173 = arith.constant 1 : i32
      %add3A_174 = arith.addi %scan3A_121, %add3A_173 : i32
      %lt3A_175 = arith.constant 10 : i32
      %lt3A_176 = arith.cmpi slt, %add3A_174, %lt3A_175 : i32
      %convert_element_type3A_177 = arith.extui %lt3A_176 : i1 to i32
      %cond3A_178 = arith.constant 0 : i32
      %cond3A_179 = arith.cmpi ne, %convert_element_type3A_177, %cond3A_178 : i32
      scf.if %cond3A_179 {
        %dma_start3A_195 = arith.constant 0 : i32
        %dma_start3A_196 = arith.constant 0 : i32
        %dma_start3A_197 = tpu.memref_slice %arg6[%select_n3A_148, %dma_start3A_195, %dma_start3A_196] : memref<2x16x128xi32, #tpu.memory_space<vmem>> -> memref<1x1x128xi32, #tpu.memory_space<vmem>>
        %dma_start3A_198 = tpu.memref_squeeze %dma_start3A_197 : memref<1x1x128xi32, #tpu.memory_space<vmem>> -> memref<128xi32, #tpu.memory_space<vmem>>
        %dma_start3A_199 = arith.constant 0 : i32
        %dma_start3A_200 = arith.constant 0 : i32
        %dma_start3A_201 = tpu.memref_slice %arg2[%dma_start3A_199, %dma_start3A_200] : memref<20480x128xf32, #tpu.memory_space<hbm>> -> memref<20480x128xf32, #tpu.memory_space<hbm>>
        tpu.enqueue_indirect_dma source(%dma_start3A_201 : memref<20480x128xf32, #tpu.memory_space<hbm>>) target(%arg8 : memref<128x128xf32, #tpu.memory_space<vmem>>) offsets(%dma_start3A_198 : memref<128xi32, #tpu.memory_space<vmem>>) semaphore(%arg11 : memref<!tpu.dma_semaphore, #tpu.memory_space<semaphore_mem>>)
      } else {
      }
      %dma_wait3A_180 = arith.constant 15 : i32
      %dma_wait3A_181 = arith.constant 0 : i32
      %dma_wait3A_182 = tpu.memref_slice %arg6[%select_n3A_130, %dma_wait3A_180, %dma_wait3A_181] : memref<2x16x128xi32, #tpu.memory_space<vmem>> -> memref<1x1x128xi32, #tpu.memory_space<vmem>>
      %dma_wait3A_183 = tpu.memref_squeeze %dma_wait3A_182 : memref<1x1x128xi32, #tpu.memory_space<vmem>> -> memref<128xi32, #tpu.memory_space<vmem>>
      %dma_wait3A_184 = arith.constant 0 : i32
      %dma_wait3A_185 = arith.constant 0 : i32
      %dma_wait3A_186 = tpu.memref_slice %arg2[%dma_wait3A_184, %dma_wait3A_185] : memref<20480x128xf32, #tpu.memory_space<hbm>> -> memref<20480x128xf32, #tpu.memory_space<hbm>>
      tpu.wait_indirect_dma semaphore(%arg12 : memref<!tpu.dma_semaphore, #tpu.memory_space<semaphore_mem>>) src(%dma_wait3A_186 : memref<20480x128xf32, #tpu.memory_space<hbm>>) dst(%arg9 : memref<128x128xf32, #tpu.memory_space<vmem>>)
      %run_scoped3A_187 = arith.constant 15 : i32
      "tpu.region"() ({
        %run_scoped3A_195 = tpu.sem_alloc : memref<!tpu.dma_semaphore, #tpu.memory_space<semaphore_mem>>
        %dma_start3A_196 = arith.constant 0 : i32
        %dma_start3A_197 = tpu.memref_slice %arg7[%select_n3A_130, %run_scoped3A_187, %dma_start3A_196] : memref<2x16x128xi32, #tpu.memory_space<vmem>> -> memref<1x1x128xi32, #tpu.memory_space<vmem>>
        %dma_start3A_198 = tpu.memref_squeeze %dma_start3A_197 : memref<1x1x128xi32, #tpu.memory_space<vmem>> -> memref<128xi32, #tpu.memory_space<vmem>>
        %dma_start3A_199 = arith.constant 0 : i32
        %dma_start3A_200 = arith.constant 0 : i32
        %dma_start3A_201 = tpu.memref_slice %arg10[%dma_start3A_199, %dma_start3A_200] : memref<10240x128xf32, #tpu.memory_space<vmem_shared>> -> memref<10240x128xf32, #tpu.memory_space<vmem_shared>>
        tpu.enqueue_indirect_dma source(%arg9 : memref<128x128xf32, #tpu.memory_space<vmem>>) target(%dma_start3A_201 : memref<10240x128xf32, #tpu.memory_space<vmem_shared>>) offsets(%dma_start3A_198 : memref<128xi32, #tpu.memory_space<vmem>>) semaphore(%run_scoped3A_195 : memref<!tpu.dma_semaphore, #tpu.memory_space<semaphore_mem>>) {add = true}
        %dma_wait3A_202 = arith.constant 0 : i32
        %dma_wait3A_203 = tpu.memref_slice %arg7[%select_n3A_130, %run_scoped3A_187, %dma_wait3A_202] : memref<2x16x128xi32, #tpu.memory_space<vmem>> -> memref<1x1x128xi32, #tpu.memory_space<vmem>>
        %dma_wait3A_204 = tpu.memref_squeeze %dma_wait3A_203 : memref<1x1x128xi32, #tpu.memory_space<vmem>> -> memref<128xi32, #tpu.memory_space<vmem>>
        %dma_wait3A_205 = arith.constant 0 : i32
        %dma_wait3A_206 = arith.constant 0 : i32
        %dma_wait3A_207 = tpu.memref_slice %arg10[%dma_wait3A_205, %dma_wait3A_206] : memref<10240x128xf32, #tpu.memory_space<vmem_shared>> -> memref<10240x128xf32, #tpu.memory_space<vmem_shared>>
        tpu.wait_indirect_dma semaphore(%run_scoped3A_195 : memref<!tpu.dma_semaphore, #tpu.memory_space<semaphore_mem>>) src(%arg9 : memref<128x128xf32, #tpu.memory_space<vmem>>) dst(%dma_wait3A_207 : memref<10240x128xf32, #tpu.memory_space<vmem_shared>>)
        tpu.yield
      }) : () -> ()
      %add3A_188 = arith.constant 2 : i32
      %add3A_189 = arith.addi %scan3A_121, %add3A_188 : i32
      %lt3A_190 = arith.constant 10 : i32
      %lt3A_191 = arith.cmpi slt, %add3A_189, %lt3A_190 : i32
      %convert_element_type3A_192 = arith.extui %lt3A_191 : i1 to i32
      %cond3A_193 = arith.constant 0 : i32
      %cond3A_194 = arith.cmpi ne, %convert_element_type3A_192, %cond3A_193 : i32
      scf.if %cond3A_194 {
        %add3A_195 = arith.constant 2 : i32
        %add3A_196 = arith.addi %scan3A_121, %add3A_195 : i32
        %mul3A_197 = arith.constant 16 : i32
        %mul3A_198 = arith.muli %add3A_196, %mul3A_197 : i32
        %add3A_199 = arith.addi %mul3A_2, %mul3A_198 : i32
        %dma_start3A_200 = arith.constant 0 : i32
        %dma_start3A_201 = arith.constant 0 : i32
        %dma_start3A_202 = tpu.memref_slice %arg6[%select_n3A_130, %dma_start3A_200, %dma_start3A_201] : memref<2x16x128xi32, #tpu.memory_space<vmem>> -> memref<1x16x128xi32, #tpu.memory_space<vmem>>
        %dma_start3A_203 = tpu.memref_squeeze %dma_start3A_202 : memref<1x16x128xi32, #tpu.memory_space<vmem>> -> memref<16x128xi32, #tpu.memory_space<vmem>>
        %dma_start3A_204 = arith.constant 0 : i32
        %dma_start3A_205 = tpu.memref_slice %arg3[%add3A_199, %dma_start3A_204] : memref<5120x128xi32, #tpu.memory_space<hbm>> -> memref<16x128xi32, #tpu.memory_space<hbm>>
        %dma_start3A_206 = arith.constant 0 : i32
        %dma_start3A_207 = arith.constant 0 : i32
        %dma_start3A_208 = tpu.memref_slice %arg6[%select_n3A_130, %dma_start3A_206, %dma_start3A_207] : memref<2x16x128xi32, #tpu.memory_space<vmem>> -> memref<1x16x128xi32, #tpu.memory_space<vmem>>
        %dma_start3A_209 = tpu.memref_squeeze %dma_start3A_208 : memref<1x16x128xi32, #tpu.memory_space<vmem>> -> memref<16x128xi32, #tpu.memory_space<vmem>>
        %dma_start3A_210 = arith.constant 0 : i32
        %dma_start3A_211 = tpu.memref_slice %arg3[%add3A_199, %dma_start3A_210] : memref<5120x128xi32, #tpu.memory_space<hbm>> -> memref<16x128xi32, #tpu.memory_space<hbm>>
        tpu.enqueue_dma source(%dma_start3A_211 : memref<16x128xi32, #tpu.memory_space<hbm>>) target(%dma_start3A_209 : memref<16x128xi32, #tpu.memory_space<vmem>>) target_semaphore(%arg13 : memref<!tpu.dma_semaphore, #tpu.memory_space<semaphore_mem>>)
        %mul3A_212 = arith.constant 16 : i32
        %mul3A_213 = arith.muli %add3A_196, %mul3A_212 : i32
        %add3A_214 = arith.addi %mul3A_2, %mul3A_213 : i32
        %dma_start3A_215 = arith.constant 0 : i32
        %dma_start3A_216 = arith.constant 0 : i32
        %dma_start3A_217 = tpu.memref_slice %arg7[%select_n3A_130, %dma_start3A_215, %dma_start3A_216] : memref<2x16x128xi32, #tpu.memory_space<vmem>> -> memref<1x16x128xi32, #tpu.memory_space<vmem>>
        %dma_start3A_218 = tpu.memref_squeeze %dma_start3A_217 : memref<1x16x128xi32, #tpu.memory_space<vmem>> -> memref<16x128xi32, #tpu.memory_space<vmem>>
        %dma_start3A_219 = arith.constant 0 : i32
        %dma_start3A_220 = tpu.memref_slice %arg4[%add3A_214, %dma_start3A_219] : memref<5120x128xi32, #tpu.memory_space<hbm>> -> memref<16x128xi32, #tpu.memory_space<hbm>>
        %dma_start3A_221 = arith.constant 0 : i32
        %dma_start3A_222 = arith.constant 0 : i32
        %dma_start3A_223 = tpu.memref_slice %arg7[%select_n3A_130, %dma_start3A_221, %dma_start3A_222] : memref<2x16x128xi32, #tpu.memory_space<vmem>> -> memref<1x16x128xi32, #tpu.memory_space<vmem>>
        %dma_start3A_224 = tpu.memref_squeeze %dma_start3A_223 : memref<1x16x128xi32, #tpu.memory_space<vmem>> -> memref<16x128xi32, #tpu.memory_space<vmem>>
        %dma_start3A_225 = arith.constant 0 : i32
        %dma_start3A_226 = tpu.memref_slice %arg4[%add3A_214, %dma_start3A_225] : memref<5120x128xi32, #tpu.memory_space<hbm>> -> memref<16x128xi32, #tpu.memory_space<hbm>>
        tpu.enqueue_dma source(%dma_start3A_226 : memref<16x128xi32, #tpu.memory_space<hbm>>) target(%dma_start3A_224 : memref<16x128xi32, #tpu.memory_space<vmem>>) target_semaphore(%arg14 : memref<!tpu.dma_semaphore, #tpu.memory_space<semaphore_mem>>)
      } else {
      }
    }
    %scan3A_117 = arith.constant 10 : i32
    %barrier3A_118 = arith.constant 0 : index
    tpu.barrier barrier_id(%barrier3A_118)
    %mul3A_119 = arith.constant 640 : i32
    %mul3A_120 = arith.muli %arg1, %mul3A_119 : i32
    "tpu.region"() ({
      %run_scoped3A = tpu.sem_alloc : memref<!tpu.dma_semaphore, #tpu.memory_space<semaphore_mem>>
      %dma_start3A_121 = arith.constant 0 : i32
      %dma_start3A_122 = arith.constant 0 : i32
      %dma_start3A_123 = tpu.memref_slice %arg5[%add3A, %dma_start3A_121, %dma_start3A_122] : memref<32x640x128xf32, #tpu.memory_space<hbm>> -> memref<1x640x128xf32, #tpu.memory_space<hbm>>
      %dma_start3A_124 = tpu.memref_squeeze %dma_start3A_123 : memref<1x640x128xf32, #tpu.memory_space<hbm>> -> memref<640x128xf32, #tpu.memory_space<hbm>>
      %dma_start3A_125 = arith.constant 0 : i32
      %dma_start3A_126 = tpu.memref_slice %arg10[%mul3A_120, %dma_start3A_125] : memref<10240x128xf32, #tpu.memory_space<vmem_shared>> -> memref<640x128xf32, #tpu.memory_space<vmem_shared>>
      tpu.enqueue_dma source(%dma_start3A_126 : memref<640x128xf32, #tpu.memory_space<vmem_shared>>) target(%dma_start3A_124 : memref<640x128xf32, #tpu.memory_space<hbm>>) target_semaphore(%run_scoped3A : memref<!tpu.dma_semaphore, #tpu.memory_space<semaphore_mem>>)
      %dma_wait3A_127 = arith.constant 0 : i32
      %dma_wait3A_128 = arith.constant 0 : i32
      %dma_wait3A_129 = tpu.memref_slice %arg5[%add3A, %dma_wait3A_127, %dma_wait3A_128] : memref<32x640x128xf32, #tpu.memory_space<hbm>> -> memref<1x640x128xf32, #tpu.memory_space<hbm>>
      %dma_wait3A_130 = tpu.memref_squeeze %dma_wait3A_129 : memref<1x640x128xf32, #tpu.memory_space<hbm>> -> memref<640x128xf32, #tpu.memory_space<hbm>>
      %dma_wait3A_131 = arith.constant 0 : i32
      %dma_wait3A_132 = tpu.memref_slice %arg10[%mul3A_120, %dma_wait3A_131] : memref<10240x128xf32, #tpu.memory_space<vmem_shared>> -> memref<640x128xf32, #tpu.memory_space<vmem_shared>>
      tpu.wait_dma2 semaphore(%run_scoped3A : memref<!tpu.dma_semaphore, #tpu.memory_space<semaphore_mem>>) src(%dma_wait3A_132 : memref<640x128xf32, #tpu.memory_space<vmem_shared>>) dst(%dma_wait3A_130 : memref<640x128xf32, #tpu.memory_space<hbm>>)
      tpu.yield
    }) : () -> ()
    return
  }
}

module attributes {stable_mosaic.version = 14 : i64} {
  func.func @_mm2_body(%arg0: i32, %arg1: memref<2048x128xf32, #tpu.memory_space<vmem>>, %arg2: memref<128x256xf32, #tpu.memory_space<vmem>>, %arg3: memref<2x2048x1xf32, #tpu.memory_space<vmem>>, %arg4: memref<2048x1xf32, #tpu.memory_space<vmem>>, %arg5: memref<2x2048x128xf32, #tpu.memory_space<vmem>>, %arg6: memref<2x2048x1xf32, #tpu.memory_space<vmem>>) attributes {dimension_semantics = [#tpu.dimension_semantics<arbitrary>], iteration_bounds = array<i64: 5>, scalar_prefetch = 0 : i64, scratch_operands = 0 : i64, tpu.core_type = #tpu.core_type<tc>, window_params = [{transform_indices = @transform_0, window_bounds = array<i64: 2048, 128>}, {pipeline_mode = #tpu.pipeline_mode<synchronous>, transform_indices = @transform_1, window_bounds = array<i64: 128, 256>}, {transform_indices = @transform_2, window_bounds = array<i64: 2, 2048, 1>}, {transform_indices = @transform_3, window_bounds = array<i64: 2048, 1>}, {transform_indices = @transform_4, window_bounds = array<i64: 2, 2048, 128>}, {transform_indices = @transform_5, window_bounds = array<i64: 2, 2048, 1>}]} {
    %get3A = arith.constant 0 : index
    %get3A_0 = arith.constant 0 : index
    %get3A_1 = arith.constant 0 : index
    %get3A_2 = vector.load %arg3[%get3A, %get3A_0, %get3A_1] : memref<2x2048x1xf32, #tpu.memory_space<vmem>>, vector<1x2048x1xf32>
    %get3A_3 = vector.shape_cast %get3A_2 : vector<1x2048x1xf32> to vector<2048x1xf32>
    %add3A = arith.constant 1.000000e+00 : f32
    %add3A_4 = vector.broadcast %add3A : f32 to vector<2048x1xf32>
    %add3A_5 = arith.addf %get3A_3, %add3A_4 : vector<2048x1xf32>
    %rsqrt3A = math.rsqrt %add3A_5 : vector<2048x1xf32>
    %get3A_6 = arith.constant 0 : index
    %get3A_7 = arith.constant 0 : index
    %get3A_8 = vector.load %arg4[%get3A_6, %get3A_7] : memref<2048x1xf32, #tpu.memory_space<vmem>>, vector<2048x1xf32>
    %mul3A = arith.mulf %rsqrt3A, %get3A_8 : vector<2048x1xf32>
    %get3A_9 = arith.constant 1 : index
    %get3A_10 = arith.constant 0 : index
    %get3A_11 = arith.constant 0 : index
    %get3A_12 = vector.load %arg3[%get3A_9, %get3A_10, %get3A_11] : memref<2x2048x1xf32, #tpu.memory_space<vmem>>, vector<1x2048x1xf32>
    %get3A_13 = vector.shape_cast %get3A_12 : vector<1x2048x1xf32> to vector<2048x1xf32>
    %add3A_14 = arith.constant 1.000000e+00 : f32
    %add3A_15 = vector.broadcast %add3A_14 : f32 to vector<2048x1xf32>
    %add3A_16 = arith.addf %get3A_13, %add3A_15 : vector<2048x1xf32>
    %rsqrt3A_17 = math.rsqrt %add3A_16 : vector<2048x1xf32>
    %get3A_18 = arith.constant 0 : index
    %get3A_19 = arith.constant 0 : index
    %get3A_20 = vector.load %arg4[%get3A_18, %get3A_19] : memref<2048x1xf32, #tpu.memory_space<vmem>>, vector<2048x1xf32>
    %mul3A_21 = arith.mulf %rsqrt3A_17, %get3A_20 : vector<2048x1xf32>
    %swap3A = arith.constant 0 : index
    %swap3A_22 = arith.constant 0 : index
    %swap3A_23 = arith.constant 0 : index
    %swap3A_24 = vector.load %arg6[%swap3A, %swap3A_22, %swap3A_23] : memref<2x2048x1xf32, #tpu.memory_space<vmem>>, vector<1x2048x1xf32>
    %swap3A_25 = vector.shape_cast %swap3A_24 : vector<1x2048x1xf32> to vector<2048x1xf32>
    %swap3A_26 = vector.shape_cast %mul3A : vector<2048x1xf32> to vector<1x2048x1xf32>
    tpu.vector_store %arg6[%swap3A, %swap3A_22, %swap3A_23], %swap3A_26 {strides = array<i32>} : memref<2x2048x1xf32, #tpu.memory_space<vmem>>, vector<1x2048x1xf32>,
    %swap3A_27 = arith.constant 1 : index
    %swap3A_28 = arith.constant 0 : index
    %swap3A_29 = arith.constant 0 : index
    %swap3A_30 = vector.load %arg6[%swap3A_27, %swap3A_28, %swap3A_29] : memref<2x2048x1xf32, #tpu.memory_space<vmem>>, vector<1x2048x1xf32>
    %swap3A_31 = vector.shape_cast %swap3A_30 : vector<1x2048x1xf32> to vector<2048x1xf32>
    %swap3A_32 = vector.shape_cast %mul3A_21 : vector<2048x1xf32> to vector<1x2048x1xf32>
    tpu.vector_store %arg6[%swap3A_27, %swap3A_28, %swap3A_29], %swap3A_32 {strides = array<i32>} : memref<2x2048x1xf32, #tpu.memory_space<vmem>>, vector<1x2048x1xf32>,
    %get3A_33 = arith.constant 0 : index
    %get3A_34 = arith.constant 0 : index
    %get3A_35 = vector.load %arg1[%get3A_33, %get3A_34] : memref<2048x128xf32, #tpu.memory_space<vmem>>, vector<2048x128xf32>
    %get3A_36 = arith.constant 0 : index
    %get3A_37 = arith.constant 0 : index
    %get3A_38 = vector.load %arg2[%get3A_36, %get3A_37] : memref<128x256xf32, #tpu.memory_space<vmem>>, vector<128x256xf32>
    %dot_general3A = arith.constant dense<0.000000e+00> : vector<2048x256xf32>
    %dot_general3A_39 = tpu.matmul %get3A_35, %get3A_38, %dot_general3A {dimension_numbers = #tpu.dot_dimension_numbers<[1], [0], [0], [1], [0, 0, 1, 1], [], []>, transpose_lhs_hint = false} : vector<2048x128xf32>, vector<128x256xf32>, vector<2048x256xf32> -> vector<2048x256xf32>
    %slice3A = vector.extract_strided_slice %dot_general3A_39 {offsets = [0, 0], sizes = [2048, 128], strides = [1, 1]} : vector<2048x256xf32> to vector<2048x128xf32>
    %mul3A_40 = vector.broadcast %mul3A : vector<2048x1xf32> to vector<2048x128xf32>
    %mul3A_41 = arith.mulf %mul3A_40, %slice3A : vector<2048x128xf32>
    %swap3A_42 = arith.constant 0 : index
    %swap3A_43 = arith.constant 0 : index
    %swap3A_44 = arith.constant 0 : index
    %swap3A_45 = vector.load %arg5[%swap3A_42, %swap3A_43, %swap3A_44] : memref<2x2048x128xf32, #tpu.memory_space<vmem>>, vector<1x2048x128xf32>
    %swap3A_46 = vector.shape_cast %swap3A_45 : vector<1x2048x128xf32> to vector<2048x128xf32>
    %swap3A_47 = vector.shape_cast %mul3A_41 : vector<2048x128xf32> to vector<1x2048x128xf32>
    tpu.vector_store %arg5[%swap3A_42, %swap3A_43, %swap3A_44], %swap3A_47 {strides = array<i32>} : memref<2x2048x128xf32, #tpu.memory_space<vmem>>, vector<1x2048x128xf32>,
    %slice3A_48 = vector.extract_strided_slice %dot_general3A_39 {offsets = [0, 128], sizes = [2048, 128], strides = [1, 1]} : vector<2048x256xf32> to vector<2048x128xf32>
    %mul3A_49 = vector.broadcast %mul3A_21 : vector<2048x1xf32> to vector<2048x128xf32>
    %mul3A_50 = arith.mulf %mul3A_49, %slice3A_48 : vector<2048x128xf32>
    %swap3A_51 = arith.constant 1 : index
    %swap3A_52 = arith.constant 0 : index
    %swap3A_53 = arith.constant 0 : index
    %swap3A_54 = vector.load %arg5[%swap3A_51, %swap3A_52, %swap3A_53] : memref<2x2048x128xf32, #tpu.memory_space<vmem>>, vector<1x2048x128xf32>
    %swap3A_55 = vector.shape_cast %swap3A_54 : vector<1x2048x128xf32> to vector<2048x128xf32>
    %swap3A_56 = vector.shape_cast %mul3A_50 : vector<2048x128xf32> to vector<1x2048x128xf32>
    tpu.vector_store %arg5[%swap3A_51, %swap3A_52, %swap3A_53], %swap3A_56 {strides = array<i32>} : memref<2x2048x128xf32, #tpu.memory_space<vmem>>, vector<1x2048x128xf32>,
    return
  }
  func.func @transform_0(%arg0: i32) -> (i32, i32) {
    %c0_i32 = arith.constant 0 : i32
    %c0_i32_0 = arith.constant 0 : i32
    return %arg0, %c0_i32 : i32, i32
  }
  func.func @transform_1(%arg0: i32) -> (i32, i32) {
    %c0_i32 = arith.constant 0 : i32
    %c0_i32_0 = arith.constant 0 : i32
    %c0_i32_1 = arith.constant 0 : i32
    return %c0_i32, %c0_i32_0 : i32, i32
  }
  func.func @transform_2(%arg0: i32) -> (i32, i32, i32) {
    %c0_i32 = arith.constant 0 : i32
    %c0_i32_0 = arith.constant 0 : i32
    %c0_i32_1 = arith.constant 0 : i32
    return %c0_i32, %arg0, %c0_i32_0 : i32, i32, i32
  }
  func.func @transform_3(%arg0: i32) -> (i32, i32) {
    %c0_i32 = arith.constant 0 : i32
    %c0_i32_0 = arith.constant 0 : i32
    return %arg0, %c0_i32 : i32, i32
  }
  func.func @transform_4(%arg0: i32) -> (i32, i32, i32) {
    %c0_i32 = arith.constant 0 : i32
    %c0_i32_0 = arith.constant 0 : i32
    %c0_i32_1 = arith.constant 0 : i32
    return %c0_i32, %arg0, %c0_i32_0 : i32, i32, i32
  }
  func.func @transform_5(%arg0: i32) -> (i32, i32, i32) {
    %c0_i32 = arith.constant 0 : i32
    %c0_i32_0 = arith.constant 0 : i32
    %c0_i32_1 = arith.constant 0 : i32
    return %c0_i32, %arg0, %c0_i32_0 : i32, i32, i32
  }
}

module attributes {stable_mosaic.version = 14 : i64} {
  func.func @_mid_body(%arg0: i32, %arg1: memref<2x2048x128xf32, #tpu.memory_space<vmem>>, %arg2: memref<2x2048x128xf32, #tpu.memory_space<vmem>>, %arg3: memref<2x1x128xf32, #tpu.memory_space<vmem>>, %arg4: memref<2x2048x1xf32, #tpu.memory_space<vmem>>, %arg5: memref<2x128x128xf32, #tpu.memory_space<vmem>>, %arg6: memref<2x2048x128xf32, #tpu.memory_space<vmem>>) attributes {dimension_semantics = [#tpu.dimension_semantics<arbitrary>], iteration_bounds = array<i64: 5>, scalar_prefetch = 0 : i64, scratch_operands = 0 : i64, tpu.core_type = #tpu.core_type<tc>, window_params = [{transform_indices = @transform_0, window_bounds = array<i64: 2, 2048, 128>}, {transform_indices = @transform_1, window_bounds = array<i64: 2, 2048, 128>}, {pipeline_mode = #tpu.pipeline_mode<synchronous>, transform_indices = @transform_2, window_bounds = array<i64: 2, 1, 128>}, {transform_indices = @transform_3, window_bounds = array<i64: 2, 2048, 1>}, {pipeline_mode = #tpu.pipeline_mode<synchronous>, transform_indices = @transform_4, window_bounds = array<i64: 2, 128, 128>}, {transform_indices = @transform_5, window_bounds = array<i64: 2, 2048, 128>}]} {
    %get3A = arith.constant 0 : index
    %get3A_0 = arith.constant 0 : index
    %get3A_1 = arith.constant 0 : index
    %get3A_2 = vector.load %arg4[%get3A, %get3A_0, %get3A_1] : memref<2x2048x1xf32, #tpu.memory_space<vmem>>, vector<1x2048x1xf32>
    %get3A_3 = vector.shape_cast %get3A_2 : vector<1x2048x1xf32> to vector<2048x1xf32>
    %get3A_4 = arith.constant 0 : index
    %get3A_5 = arith.constant 0 : index
    %get3A_6 = arith.constant 0 : index
    %get3A_7 = vector.load %arg1[%get3A_4, %get3A_5, %get3A_6] : memref<2x2048x128xf32, #tpu.memory_space<vmem>>, vector<1x2048x128xf32>
    %get3A_8 = vector.shape_cast %get3A_7 : vector<1x2048x128xf32> to vector<2048x128xf32>
    %get3A_9 = arith.constant 0 : index
    %get3A_10 = arith.constant 0 : index
    %get3A_11 = arith.constant 0 : index
    %get3A_12 = vector.load %arg2[%get3A_9, %get3A_10, %get3A_11] : memref<2x2048x128xf32, #tpu.memory_space<vmem>>, vector<1x2048x128xf32>
    %get3A_13 = vector.shape_cast %get3A_12 : vector<1x2048x128xf32> to vector<2048x128xf32>
    %add3A = arith.addf %get3A_8, %get3A_13 : vector<2048x128xf32>
    %mul3A = vector.broadcast %get3A_3 : vector<2048x1xf32> to vector<2048x128xf32>
    %mul3A_14 = arith.mulf %mul3A, %add3A : vector<2048x128xf32>
    %get3A_15 = arith.constant 0 : index
    %get3A_16 = arith.constant 0 : index
    %get3A_17 = arith.constant 0 : index
    %get3A_18 = vector.load %arg3[%get3A_15, %get3A_16, %get3A_17] : memref<2x1x128xf32, #tpu.memory_space<vmem>>, vector<1x1x128xf32>
    %get3A_19 = vector.shape_cast %get3A_18 : vector<1x1x128xf32> to vector<1x128xf32>
    %add3A_20 = vector.broadcast %get3A_19 : vector<1x128xf32> to vector<2048x128xf32>
    %add3A_21 = arith.addf %mul3A_14, %add3A_20 : vector<2048x128xf32>
    %max3A = arith.constant 0.000000e+00 : f32
    %max3A_22 = vector.broadcast %max3A : f32 to vector<2048x128xf32>
    %max3A_23 = arith.maximumf %add3A_21, %max3A_22 : vector<2048x128xf32>
    %get3A_24 = arith.constant 0 : index
    %get3A_25 = arith.constant 0 : index
    %get3A_26 = arith.constant 0 : index
    %get3A_27 = vector.load %arg4[%get3A_24, %get3A_25, %get3A_26] : memref<2x2048x1xf32, #tpu.memory_space<vmem>>, vector<1x2048x1xf32>
    %get3A_28 = vector.shape_cast %get3A_27 : vector<1x2048x1xf32> to vector<2048x1xf32>
    %get3A_29 = arith.constant 0 : index
    %get3A_30 = arith.constant 0 : index
    %get3A_31 = arith.constant 0 : index
    %get3A_32 = vector.load %arg5[%get3A_29, %get3A_30, %get3A_31] : memref<2x128x128xf32, #tpu.memory_space<vmem>>, vector<1x128x128xf32>
    %get3A_33 = vector.shape_cast %get3A_32 : vector<1x128x128xf32> to vector<128x128xf32>
    %dot_general3A = arith.constant dense<0.000000e+00> : vector<2048x128xf32>
    %dot_general3A_34 = tpu.matmul %max3A_23, %get3A_33, %dot_general3A {dimension_numbers = #tpu.dot_dimension_numbers<[1], [0], [0], [1], [0, 0, 1, 1], [], []>, transpose_lhs_hint = false} : vector<2048x128xf32>, vector<128x128xf32>, vector<2048x128xf32> -> vector<2048x128xf32>
    %mul3A_35 = vector.broadcast %get3A_28 : vector<2048x1xf32> to vector<2048x128xf32>
    %mul3A_36 = arith.mulf %mul3A_35, %dot_general3A_34 : vector<2048x128xf32>
    %swap3A = arith.constant 0 : index
    %swap3A_37 = arith.constant 0 : index
    %swap3A_38 = arith.constant 0 : index
    %swap3A_39 = vector.load %arg6[%swap3A, %swap3A_37, %swap3A_38] : memref<2x2048x128xf32, #tpu.memory_space<vmem>>, vector<1x2048x128xf32>
    %swap3A_40 = vector.shape_cast %swap3A_39 : vector<1x2048x128xf32> to vector<2048x128xf32>
    %swap3A_41 = vector.shape_cast %mul3A_36 : vector<2048x128xf32> to vector<1x2048x128xf32>
    tpu.vector_store %arg6[%swap3A, %swap3A_37, %swap3A_38], %swap3A_41 {strides = array<i32>} : memref<2x2048x128xf32, #tpu.memory_space<vmem>>, vector<1x2048x128xf32>,
    %get3A_42 = arith.constant 1 : index
    %get3A_43 = arith.constant 0 : index
    %get3A_44 = arith.constant 0 : index
    %get3A_45 = vector.load %arg4[%get3A_42, %get3A_43, %get3A_44] : memref<2x2048x1xf32, #tpu.memory_space<vmem>>, vector<1x2048x1xf32>
    %get3A_46 = vector.shape_cast %get3A_45 : vector<1x2048x1xf32> to vector<2048x1xf32>
    %get3A_47 = arith.constant 1 : index
    %get3A_48 = arith.constant 0 : index
    %get3A_49 = arith.constant 0 : index
    %get3A_50 = vector.load %arg1[%get3A_47, %get3A_48, %get3A_49] : memref<2x2048x128xf32, #tpu.memory_space<vmem>>, vector<1x2048x128xf32>
    %get3A_51 = vector.shape_cast %get3A_50 : vector<1x2048x128xf32> to vector<2048x128xf32>
    %get3A_52 = arith.constant 1 : index
    %get3A_53 = arith.constant 0 : index
    %get3A_54 = arith.constant 0 : index
    %get3A_55 = vector.load %arg2[%get3A_52, %get3A_53, %get3A_54] : memref<2x2048x128xf32, #tpu.memory_space<vmem>>, vector<1x2048x128xf32>
    %get3A_56 = vector.shape_cast %get3A_55 : vector<1x2048x128xf32> to vector<2048x128xf32>
    %add3A_57 = arith.addf %get3A_51, %get3A_56 : vector<2048x128xf32>
    %mul3A_58 = vector.broadcast %get3A_46 : vector<2048x1xf32> to vector<2048x128xf32>
    %mul3A_59 = arith.mulf %mul3A_58, %add3A_57 : vector<2048x128xf32>
    %get3A_60 = arith.constant 1 : index
    %get3A_61 = arith.constant 0 : index
    %get3A_62 = arith.constant 0 : index
    %get3A_63 = vector.load %arg3[%get3A_60, %get3A_61, %get3A_62] : memref<2x1x128xf32, #tpu.memory_space<vmem>>, vector<1x1x128xf32>
    %get3A_64 = vector.shape_cast %get3A_63 : vector<1x1x128xf32> to vector<1x128xf32>
    %add3A_65 = vector.broadcast %get3A_64 : vector<1x128xf32> to vector<2048x128xf32>
    %add3A_66 = arith.addf %mul3A_59, %add3A_65 : vector<2048x128xf32>
    %max3A_67 = arith.constant 0.000000e+00 : f32
    %max3A_68 = vector.broadcast %max3A_67 : f32 to vector<2048x128xf32>
    %max3A_69 = arith.maximumf %add3A_66, %max3A_68 : vector<2048x128xf32>
    %get3A_70 = arith.constant 1 : index
    %get3A_71 = arith.constant 0 : index
    %get3A_72 = arith.constant 0 : index
    %get3A_73 = vector.load %arg4[%get3A_70, %get3A_71, %get3A_72] : memref<2x2048x1xf32, #tpu.memory_space<vmem>>, vector<1x2048x1xf32>
    %get3A_74 = vector.shape_cast %get3A_73 : vector<1x2048x1xf32> to vector<2048x1xf32>
    %get3A_75 = arith.constant 1 : index
    %get3A_76 = arith.constant 0 : index
    %get3A_77 = arith.constant 0 : index
    %get3A_78 = vector.load %arg5[%get3A_75, %get3A_76, %get3A_77] : memref<2x128x128xf32, #tpu.memory_space<vmem>>, vector<1x128x128xf32>
    %get3A_79 = vector.shape_cast %get3A_78 : vector<1x128x128xf32> to vector<128x128xf32>
    %dot_general3A_80 = arith.constant dense<0.000000e+00> : vector<2048x128xf32>
    %dot_general3A_81 = tpu.matmul %max3A_69, %get3A_79, %dot_general3A_80 {dimension_numbers = #tpu.dot_dimension_numbers<[1], [0], [0], [1], [0, 0, 1, 1], [], []>, transpose_lhs_hint = false} : vector<2048x128xf32>, vector<128x128xf32>, vector<2048x128xf32> -> vector<2048x128xf32>
    %mul3A_82 = vector.broadcast %get3A_74 : vector<2048x1xf32> to vector<2048x128xf32>
    %mul3A_83 = arith.mulf %mul3A_82, %dot_general3A_81 : vector<2048x128xf32>
    %swap3A_84 = arith.constant 1 : index
    %swap3A_85 = arith.constant 0 : index
    %swap3A_86 = arith.constant 0 : index
    %swap3A_87 = vector.load %arg6[%swap3A_84, %swap3A_85, %swap3A_86] : memref<2x2048x128xf32, #tpu.memory_space<vmem>>, vector<1x2048x128xf32>
    %swap3A_88 = vector.shape_cast %swap3A_87 : vector<1x2048x128xf32> to vector<2048x128xf32>
    %swap3A_89 = vector.shape_cast %mul3A_83 : vector<2048x128xf32> to vector<1x2048x128xf32>
    tpu.vector_store %arg6[%swap3A_84, %swap3A_85, %swap3A_86], %swap3A_89 {strides = array<i32>} : memref<2x2048x128xf32, #tpu.memory_space<vmem>>, vector<1x2048x128xf32>,
    return
  }
  func.func @transform_0(%arg0: i32) -> (i32, i32, i32) {
    %c0_i32 = arith.constant 0 : i32
    %c0_i32_0 = arith.constant 0 : i32
    %c0_i32_1 = arith.constant 0 : i32
    return %c0_i32, %arg0, %c0_i32_0 : i32, i32, i32
  }
  func.func @transform_1(%arg0: i32) -> (i32, i32, i32) {
    %c0_i32 = arith.constant 0 : i32
    %c0_i32_0 = arith.constant 0 : i32
    %c0_i32_1 = arith.constant 0 : i32
    return %c0_i32, %arg0, %c0_i32_0 : i32, i32, i32
  }
  func.func @transform_2(%arg0: i32) -> (i32, i32, i32) {
    %c0_i32 = arith.constant 0 : i32
    %c0_i32_0 = arith.constant 0 : i32
    %c0_i32_1 = arith.constant 0 : i32
    %c0_i32_2 = arith.constant 0 : i32
    return %c0_i32, %c0_i32_0, %c0_i32_1 : i32, i32, i32
  }
  func.func @transform_3(%arg0: i32) -> (i32, i32, i32) {
    %c0_i32 = arith.constant 0 : i32
    %c0_i32_0 = arith.constant 0 : i32
    %c0_i32_1 = arith.constant 0 : i32
    return %c0_i32, %arg0, %c0_i32_0 : i32, i32, i32
  }
  func.func @transform_4(%arg0: i32) -> (i32, i32, i32) {
    %c0_i32 = arith.constant 0 : i32
    %c0_i32_0 = arith.constant 0 : i32
    %c0_i32_1 = arith.constant 0 : i32
    %c0_i32_2 = arith.constant 0 : i32
    return %c0_i32, %c0_i32_0, %c0_i32_1 : i32, i32, i32
  }
  func.func @transform_5(%arg0: i32) -> (i32, i32, i32) {
    %c0_i32 = arith.constant 0 : i32
    %c0_i32_0 = arith.constant 0 : i32
    %c0_i32_1 = arith.constant 0 : i32
    return %c0_i32, %arg0, %c0_i32_0 : i32, i32, i32
  }
}

module attributes {stable_mosaic.version = 14 : i64} {
  func.func @_fin_body(%arg0: i32, %arg1: memref<2x2000x128xf32, #tpu.memory_space<vmem>>, %arg2: memref<2x2000x128xf32, #tpu.memory_space<vmem>>, %arg3: memref<2x1x128xf32, #tpu.memory_space<vmem>>, %arg4: memref<2x2000x1xf32, #tpu.memory_space<vmem>>, %arg5: memref<2000x256xf32, #tpu.memory_space<vmem>>) attributes {dimension_semantics = [#tpu.dimension_semantics<arbitrary>], iteration_bounds = array<i64: 5>, scalar_prefetch = 0 : i64, scratch_operands = 0 : i64, tpu.core_type = #tpu.core_type<tc>, window_params = [{transform_indices = @transform_0, window_bounds = array<i64: 2, 2000, 128>}, {transform_indices = @transform_1, window_bounds = array<i64: 2, 2000, 128>}, {pipeline_mode = #tpu.pipeline_mode<synchronous>, transform_indices = @transform_2, window_bounds = array<i64: 2, 1, 128>}, {transform_indices = @transform_3, window_bounds = array<i64: 2, 2000, 1>}, {transform_indices = @transform_4, window_bounds = array<i64: 2000, 256>}]} {
    %get3A = arith.constant 0 : index
    %get3A_0 = arith.constant 0 : index
    %get3A_1 = arith.constant 0 : index
    %get3A_2 = vector.load %arg4[%get3A, %get3A_0, %get3A_1] : memref<2x2000x1xf32, #tpu.memory_space<vmem>>, vector<1x2000x1xf32>
    %get3A_3 = vector.shape_cast %get3A_2 : vector<1x2000x1xf32> to vector<2000x1xf32>
    %get3A_4 = arith.constant 0 : index
    %get3A_5 = arith.constant 0 : index
    %get3A_6 = arith.constant 0 : index
    %get3A_7 = vector.load %arg1[%get3A_4, %get3A_5, %get3A_6] : memref<2x2000x128xf32, #tpu.memory_space<vmem>>, vector<1x2000x128xf32>
    %get3A_8 = vector.shape_cast %get3A_7 : vector<1x2000x128xf32> to vector<2000x128xf32>
    %get3A_9 = arith.constant 0 : index
    %get3A_10 = arith.constant 0 : index
    %get3A_11 = arith.constant 0 : index
    %get3A_12 = vector.load %arg2[%get3A_9, %get3A_10, %get3A_11] : memref<2x2000x128xf32, #tpu.memory_space<vmem>>, vector<1x2000x128xf32>
    %get3A_13 = vector.shape_cast %get3A_12 : vector<1x2000x128xf32> to vector<2000x128xf32>
    %add3A = arith.addf %get3A_8, %get3A_13 : vector<2000x128xf32>
    %mul3A = vector.broadcast %get3A_3 : vector<2000x1xf32> to vector<2000x128xf32>
    %mul3A_14 = arith.mulf %mul3A, %add3A : vector<2000x128xf32>
    %get3A_15 = arith.constant 0 : index
    %get3A_16 = arith.constant 0 : index
    %get3A_17 = arith.constant 0 : index
    %get3A_18 = vector.load %arg3[%get3A_15, %get3A_16, %get3A_17] : memref<2x1x128xf32, #tpu.memory_space<vmem>>, vector<1x1x128xf32>
    %get3A_19 = vector.shape_cast %get3A_18 : vector<1x1x128xf32> to vector<1x128xf32>
    %add3A_20 = vector.broadcast %get3A_19 : vector<1x128xf32> to vector<2000x128xf32>
    %add3A_21 = arith.addf %mul3A_14, %add3A_20 : vector<2000x128xf32>
    %max3A = arith.constant 0.000000e+00 : f32
    %max3A_22 = vector.broadcast %max3A : f32 to vector<2000x128xf32>
    %max3A_23 = arith.maximumf %add3A_21, %max3A_22 : vector<2000x128xf32>
    %get3A_24 = arith.constant 1 : index
    %get3A_25 = arith.constant 0 : index
    %get3A_26 = arith.constant 0 : index
    %get3A_27 = vector.load %arg4[%get3A_24, %get3A_25, %get3A_26] : memref<2x2000x1xf32, #tpu.memory_space<vmem>>, vector<1x2000x1xf32>
    %get3A_28 = vector.shape_cast %get3A_27 : vector<1x2000x1xf32> to vector<2000x1xf32>
    %get3A_29 = arith.constant 1 : index
    %get3A_30 = arith.constant 0 : index
    %get3A_31 = arith.constant 0 : index
    %get3A_32 = vector.load %arg1[%get3A_29, %get3A_30, %get3A_31] : memref<2x2000x128xf32, #tpu.memory_space<vmem>>, vector<1x2000x128xf32>
    %get3A_33 = vector.shape_cast %get3A_32 : vector<1x2000x128xf32> to vector<2000x128xf32>
    %get3A_34 = arith.constant 1 : index
    %get3A_35 = arith.constant 0 : index
    %get3A_36 = arith.constant 0 : index
    %get3A_37 = vector.load %arg2[%get3A_34, %get3A_35, %get3A_36] : memref<2x2000x128xf32, #tpu.memory_space<vmem>>, vector<1x2000x128xf32>
    %get3A_38 = vector.shape_cast %get3A_37 : vector<1x2000x128xf32> to vector<2000x128xf32>
    %add3A_39 = arith.addf %get3A_33, %get3A_38 : vector<2000x128xf32>
    %mul3A_40 = vector.broadcast %get3A_28 : vector<2000x1xf32> to vector<2000x128xf32>
    %mul3A_41 = arith.mulf %mul3A_40, %add3A_39 : vector<2000x128xf32>
    %get3A_42 = arith.constant 1 : index
    %get3A_43 = arith.constant 0 : index
    %get3A_44 = arith.constant 0 : index
    %get3A_45 = vector.load %arg3[%get3A_42, %get3A_43, %get3A_44] : memref<2x1x128xf32, #tpu.memory_space<vmem>>, vector<1x1x128xf32>
    %get3A_46 = vector.shape_cast %get3A_45 : vector<1x1x128xf32> to vector<1x128xf32>
    %add3A_47 = vector.broadcast %get3A_46 : vector<1x128xf32> to vector<2000x128xf32>
    %add3A_48 = arith.addf %mul3A_41, %add3A_47 : vector<2000x128xf32>
    %max3A_49 = arith.constant 0.000000e+00 : f32
    %max3A_50 = vector.broadcast %max3A_49 : f32 to vector<2000x128xf32>
    %max3A_51 = arith.maximumf %add3A_48, %max3A_50 : vector<2000x128xf32>
    %concatenate3A = tpu.concatenate %max3A_23, %max3A_51 in 1 : vector<2000x128xf32>, vector<2000x128xf32> -> vector<2000x256xf32>
    %swap3A = arith.constant 0 : index
    %swap3A_52 = arith.constant 0 : index
    %swap3A_53 = vector.load %arg5[%swap3A, %swap3A_52] : memref<2000x256xf32, #tpu.memory_space<vmem>>, vector<2000x256xf32>
    tpu.vector_store %arg5[%swap3A, %swap3A_52], %concatenate3A {strides = array<i32>} : memref<2000x256xf32, #tpu.memory_space<vmem>>, vector<2000x256xf32>,
    return
  }
  func.func @transform_0(%arg0: i32) -> (i32, i32, i32) {
    %c0_i32 = arith.constant 0 : i32
    %c0_i32_0 = arith.constant 0 : i32
    %c0_i32_1 = arith.constant 0 : i32
    return %c0_i32, %arg0, %c0_i32_0 : i32, i32, i32
  }
  func.func @transform_1(%arg0: i32) -> (i32, i32, i32) {
    %c0_i32 = arith.constant 0 : i32
    %c0_i32_0 = arith.constant 0 : i32
    %c0_i32_1 = arith.constant 0 : i32
    return %c0_i32, %arg0, %c0_i32_0 : i32, i32, i32
  }
  func.func @transform_2(%arg0: i32) -> (i32, i32, i32) {
    %c0_i32 = arith.constant 0 : i32
    %c0_i32_0 = arith.constant 0 : i32
    %c0_i32_1 = arith.constant 0 : i32
    %c0_i32_2 = arith.constant 0 : i32
    return %c0_i32, %c0_i32_0, %c0_i32_1 : i32, i32, i32
  }
  func.func @transform_3(%arg0: i32) -> (i32, i32, i32) {
    %c0_i32 = arith.constant 0 : i32
    %c0_i32_0 = arith.constant 0 : i32
    %c0_i32_1 = arith.constant 0 : i32
    return %c0_i32, %arg0, %c0_i32_0 : i32, i32, i32
  }
  func.func @transform_4(%arg0: i32) -> (i32, i32) {
    %c0_i32 = arith.constant 0 : i32
    %c0_i32_0 = arith.constant 0 : i32
    return %arg0, %c0_i32 : i32, i32
  }
}

</mosaic_0001>

<sc_bundles>
// kernel: kernel.11.cloned.1.call-start
scs
__scs_entry_jumppad:
0x0: {  	(pc) =	sbr.rel $0x88, $3  }
0x1: {  	(tag) =	ssettag $0x0;
	lr =	simm.s32 $0x1  }
0x2: {  	[smem:$0x3F96] =	sst lr;
	_ =	strace $0xD0000000  }
0x3: {  	_ = 	snop  }
0x4: {  	_ = 	snop  }
0x5: {  	_ = 	snop  }
0x6: {  	_ = 	snop  }
0x7: {  	_ = 	snop  }
__scs_overlays_trampoline_lowered:
0x8: {  	[smem:$0x3FA5] =	sst s0  }
0x9: {  	[smem:$0x3FA6] =	sst s1  }
0xa: {  	[smem:$0x3FA7] =	sst s2  }
0xb: {  	[smem:$0x3FA8] =	sst s3  }
0xc: {  	[smem:$0x3FA9] =	sst s4  }
0xd: {  	[smem:$0x3FAA] =	sst s5  }
0xe: {  	[smem:$0x3FAB] =	sst s6  }
0xf: {  	[smem:$0x3FAC] =	sst s7  }
0x10: {  	[smem:$0x3FAD] =	sst s8  }
0x11: {  	[smem:$0x3FAE] =	sst s9;
	s0 =	simm.s32 @!p0 $0x0  }
0x12: {  	s1 =	sld [smem:$0x3F94];
	s0 =	simm.s32 @p0 $0x1  }
0x13: {  	[smem:$0x3FAF] =	sst s0;
	s0 =	simm.s32 @!p1 $0x0  }
0x14: {  	s2 =	sld [smem:$0x3F93];
	s0 =	simm.s32 @p1 $0x1  }
0x15: {  	[smem:$0x3FB0] =	sst s0;
	s0 =	simm.s32 @!p2 $0x0  }
0x16: {  	s3 =	sld [smem:$0x3FDB];
	s0 =	simm.s32 @p2 $0x1  }
0x17: {  	s4 =	simm.s32 $0x1BF5;
	[smem:$0x3FB2] =	sst s0  }
0x18: {  	s0 =	sld [smem:$0x3F95];
	_ =	swait.ge [sflag:s4], $0x0  }
0x19: {  	s7 =	sld [smem:$0x3F96]  }
0x1a: {  	s8 =	sadd.s32 $0xFFFFE003, lr  }
0x1b: {  	s9 =	sadd.s32 $0xFFFFFEF7, lr;
	s5 =	simm.s32 $0xFFFFFFFF;
	p2 =	slt.u32 s8, $0xFFFFF086  }
0x1c: {  	p1 =	slt.u32 s9, $0xF7A;
	s5 =	simm.s32 @!p2 $0x0  }
0x1d: {  	s5 =	simm.s32 @p1 $0x1;
	p0 =	seq.s32 s7, s2  }
0x1e: {  	s7 =	smul.u32 @!p0 $0xF7A, s2;
	p2 =	seq.s32 @!p0 s5, $0x0  }
0x1f: {  	s9 =	smul.u32 $0xF7A, s1;
	s8 =	simm.s32 @!p0 $0x1BF5;
	p2 =	por !p2, p0  }
0x20: {  	[sflag:s8] =	ssyncset.s32 @!p0 $0xFFFFF086;
	s6 =	sadd.s32 @!p0 s3, s7;
	s7 =	simm.s32 @!p0 $0x108  }
0x21: {  	s3 =	sadd.s32 s3, s9;
	s6 =	sadd.s32 @!p0 $0x88, s6;
	s7 =	simm.s32 @p2 $0x1082  }
0x22: {  	[simem:s7], [sflag:s8] =	dma.local @!p0 [hbm:s6], $0xF7A  }
0x23: {  	s9 =	sor.u32 $0xD0000000, s2;
	s6 =	simm.s32 $0x108;
	_ =	swait.ge @!p0 [sflag:s8], $0x0  }
0x24: {  	s3 =	sadd.s32 $0x88, s3;
	s6 =	simm.s32 @!p1 $0x1082;
	[sflag:s4] =	ssyncset.s32 $0xFFFFF086  }
0x25: {  	[simem:s6], [sflag:s4] =	dma.local [hbm:s3], $0xF7A  }
0x26: {  	[smem:$0x3F96] =	sst s1;
	(tag) =	ssettag s2;
	_ =	strace s9  }
0x27: {  	s1 =	sld [smem:$0x3FA6]  }
0x28: {  	s2 =	sld [smem:$0x3FA7]  }
0x29: {  	s4 =	sld [smem:$0x3FA9]  }
0x2a: {  	p0 =	seq.s32 s5, $0x0;
	s5 =	sld [smem:$0x3FAA]  }
0x2b: {  	s6 =	sld [smem:$0x3FAB]  }
0x2c: {  	s7 =	sld [smem:$0x3FAC]  }
0x2d: {  	s3 =	simm.s32 $0x108;
	s8 =	sld [smem:$0x3FAD]  }
0x2e: {  	s3 =	simm.s32 @!p0 $0x1082;
	s9 =	sld [smem:$0x3FAE]  }
0x2f: {  	lr =	sadd.s32 s0, s3;
	s0 =	sld [smem:$0x3FA5]  }
0x30: {  	s3 =	sld [smem:$0x3FA8]  }
0x31: {  	[smem:$0x3FB1] =	sst s10  }
0x32: {  	s10 =	sld [smem:$0x3FAF];
	_ =	sdelay $0x3  }
0x33: {  	p0 =	seq.s32 s10, $0x1;
	s10 =	sld [smem:$0x3FB1];
	_ =	sdelay $0x3  }
0x34: {  	[smem:$0x3FB1] =	sst s10  }
0x35: {  	s10 =	sld [smem:$0x3FB0];
	_ =	sdelay $0x3  }
0x36: {  	p1 =	seq.s32 s10, $0x1;
	s10 =	sld [smem:$0x3FB1];
	_ =	sdelay $0x3  }
0x37: {  	[smem:$0x3FB1] =	sst s10  }
0x38: {  	s10 =	sld [smem:$0x3FB2]  }
0x39: {  	_ = 	snop;
	(pc) =	sbr.ind lr, $3  }
0x3a: {  	_ = 	snop  }
0x3b: {  	_ = 	snop  }
0x3c: {  	p2 =	seq.s32 s10, $0x1;
	s10 =	sld [smem:$0x3FB1]  }
0x3d: {  	_ =	shalt  }
0x3e: {  	_ =	shalt  }
0x3f: {  	_ =	shalt  }
0x40: {  	_ =	shalt  }
0x41: {  	_ =	shalt  }
0x42: {  	_ =	shalt  }
0x43: {  	_ =	shalt  }
0x44: {  	_ =	shalt  }
0x45: {  	_ =	shalt  }
0x46: {  	_ =	shalt  }
0x47: {  	_ =	shalt  }
0x48: {  	_ =	shalt  }
0x49: {  	_ =	shalt  }
0x4a: {  	_ =	shalt  }
0x4b: {  	_ =	shalt  }
0x4c: {  	_ =	shalt  }
0x4d: {  	_ =	shalt  }
0x4e: {  	_ =	shalt  }
0x4f: {  	_ =	shalt  }
0x50: {  	_ =	shalt  }
0x51: {  	_ =	shalt  }
0x52: {  	_ =	shalt  }
0x53: {  	_ =	shalt  }
0x54: {  	_ =	shalt  }
0x55: {  	_ =	shalt  }
0x56: {  	_ =	shalt  }
0x57: {  	_ =	shalt  }
0x58: {  	_ =	shalt  }
0x59: {  	_ =	shalt  }
0x5a: {  	_ =	shalt  }
0x5b: {  	_ =	shalt  }
0x5c: {  	_ =	shalt  }
0x5d: {  	_ =	shalt  }
0x5e: {  	_ =	shalt  }
0x5f: {  	_ =	shalt  }
0x60: {  	_ =	shalt  }
0x61: {  	_ =	shalt  }
0x62: {  	_ =	shalt  }
0x63: {  	_ =	shalt  }
0x64: {  	_ =	shalt  }
0x65: {  	_ =	shalt  }
0x66: {  	_ =	shalt  }
0x67: {  	_ =	shalt  }
0x68: {  	_ =	shalt  }
0x69: {  	_ =	shalt  }
0x6a: {  	_ =	shalt  }
0x6b: {  	_ =	shalt  }
0x6c: {  	_ =	shalt  }
0x6d: {  	_ =	shalt  }
0x6e: {  	_ =	shalt  }
0x6f: {  	_ =	shalt  }
0x70: {  	_ =	shalt  }
0x71: {  	_ =	shalt  }
0x72: {  	_ =	shalt  }
0x73: {  	_ =	shalt  }
0x74: {  	_ =	shalt  }
0x75: {  	_ =	shalt  }
0x76: {  	_ =	shalt  }
0x77: {  	_ =	shalt  }
0x78: {  	_ =	shalt  }
0x79: {  	_ =	shalt  }
0x7a: {  	_ =	shalt  }
0x7b: {  	_ =	shalt  }
0x7c: {  	_ =	shalt  }
0x7d: {  	_ =	shalt  }
0x7e: {  	_ =	shalt  }
0x7f: {  	_ =	shalt  }
0x80: {  	_ =	shalt  }
0x81: {  	_ =	shalt  }
0x82: {  	_ =	shalt  }
0x83: {  	_ =	shalt  }
0x84: {  	_ =	shalt  }
0x85: {  	_ =	shalt  }
0x86: {  	_ =	shalt  }
0x87: {  	_ =	shalt  }
.Lfunc_end0:
.L_simem_size_0:
called_computation.1_lowered:
.L_overlay_start_0:
0x88: {  	s2 =	sld [smem:$0x3FD9]  }
0x89: {  	s3 =	sld [smem:$0x3FFE];
	_ =	sdelay $0x1  }
0x8a: {  	s1 =	srdreg.scid  }
0x8b: {  	s0 =	sand.u32 $0x1, s1  }
0x8c: {  	s17 =	sshll.u32 s0, $0xA;
	s2 =	sadd.s32 s3, s2  }
0x8d: {  	s2 =	sadd.s32 s2, s17  }
0x8e: {  	[smem:$0x3FBD] =	sst s2  }
0x8f: {  	_ = 	snop  }
0x90: {  	s2 =	sld [smem:$0x3FD0];
	(tm) =	ssettm $0x1  }
0x91: {  	s18 =	sld [smem:$0x3FFB];
	_ =	sdelay $0x3  }
0x92: {  	_ =	strace s18  }
0x93: {  	s3 =	sld [smem:$0x3FFC];
	_ =	sdelay $0x3  }
0x94: {  	_ =	strace s3  }
0x95: {  	s3 =	sld [smem:$0x3FFD];
	_ =	sdelay $0x3  }
0x96: {  	_ =	strace s3  }
0x97: {  	_ =	strace $0x8FFFFFFF  }
0x98: {  	s19 =	sld [smem:$0x3FDB];
	_ =	sdelay $0x1  }
0x99: {  	s4 =	simm.s32 $_scs_section_size  }
0x9a: {  	s5 =	simm.s32 $_size__tile_overlayer_lowered;
	s6 =	simm.s32 $_tile_overlayer_lowered  }
0x9b: {  	s22 =	simm.s32 $0x1BFF;
	s21 =	sshll.u32 s6, $0x1;
	s3 =	sadd.s32 s4, s19  }
0x9c: {  	s7 =	simm.s32 $0x0;
	s20 =	sshll.u32 s5, $0x1;
	s5 =	sadd.s32 s21, s3  }
0x9d: {  	[timem:s7], [sflag:s22] =	dma.local [hbm:s5], s20  }
0x9e: {  	_ =	swait.ge [sflag:s22], s20  }
0x9f: {  	s4 =	ssub.s32 $0x0, s20;
	[sflag:s22] =	ssyncset.done $0x0  }
0xa0: {  	[sflag:s22] =	ssyncadd.s32 s4;
	_ =	sdelay $0x1  }
0xa1: {  	s23 =	simm.s32 $0x1B8B  }
0xa2: {  	_ =	swait.ge [sflag:s23], $0x1  }
0xa3: {  	[sflag:s23] =	ssyncset.done $0x0  }
0xa4: {  	s25 =	simm.s32 $0x1B8E;
	s24 =	sld [smem:$0x3FFE];
	[sflag:s23] =	ssyncadd.s32 $0xFFFFFFFF  }
0xa5: {  	s26 =	simm.s32 $execute0_lowered;
	[smem:$0x3FD2] =	sst s25  }
0xa6: {  	s5 =	sshll.u32 s26, $0x1;
	_ =	strace $0x80000049;
	[dreg:$0x1] =	wrdreg $0xFFFFFFFF  }
0xa7: {  	s28 =	simm.s32 $_size_execute0_lowered;
	s3 =	sadd.s32 s3, s5;
	[dreg:$0x0] =	wrdreg $0x0  }
0xa8: {  	s5 =	sshll.u32 s28, $0x1;
	[dreg:$0x2] =	wrdreg s3  }
0xa9: {  	[dreg:$0x3] =	wrdreg s5  }
0xaa: {  	[dreg:$0x4] =	wrdreg $0xC0  }
0xab: {  	_ =	task [dreg:s7], $0x5FFFF  }
0xac: {  	[dreg:$0x1] =	wrdreg $0xFFFFFFFF  }
0xad: {  	[dreg:$0x0] =	wrdreg $0x60  }
0xae: {  	[dreg:$0x2] =	wrdreg s24  }
0xaf: {  	[dreg:$0x3] =	wrdreg s2  }
0xb0: {  	[dreg:$0x4] =	wrdreg $0xA0000  }
0xb1: {  	[dreg:$0x5] =	wrdreg $0x9  }
0xb2: {  	_ =	task.clear_ibuf [dreg:s7], $0x6FFFF;
	_ =	strace $0x90000049  }
0xb3: {  	s29 =	simm.s32 $0x9;
	_ =	strace $0x8000004B  }
0xb4: {  	_ =	swait.ge [sflag:s29], $0x1  }
0xb5: {  	[sflag:s29] =	ssyncadd.s32 $0xFFFFFFFF  }
0xb6: {  	_ =	strace $0x9000004B  }
0xb7: {  	_ =	sfence  }
0xb8: {  	s30 =	sld [smem:$0x0];
	_ =	sdelay $0x2  }
0xb9: {  	s31 =	sshll.u32 s1, $0xD;
	s1 =	sshrl.u32 s1, $0x2  }
0xba: {  	s3 =	sand.u32 $0x4000, s31;
	s1 =	sadd.s32 s1, s30  }
0xbb: {  	s0 =	sor.u32 s3, s0;
	s1 =	sshll.u32 s1, $0x11  }
0xbc: {  	s0 =	sor.u32 s1, s0  }
0xbd: {  	s0 =	sadd.s32 $0x8F2B, s0  }
0xbe: {  	[sflag:s0] =	ssyncadd.remote.s32 $0x1  }
0xbf: {  	_ =	sfence.sel $0xFFFF  }
0xc0: {  	[dreg:$0x0] =	wrdreg $0xFFFFFFFF;
	(pc) =	sbr.abs _section_cstart, $3  }
0xc1: {  	[dreg:$0x1] =	wrdreg $0xFFFFFFFF  }
0xc2: {  	_ =	task.clear_ibuf [dreg:s7], $0x2FFFF;
	_ =	strace $0x9FFFFFFF  }
0xc3: {  	(tm) =	ssettm $0x7FFFFFFF  }
tec
execute0_lowered:
.L_overlay_start_1:
0x0: {  	(tag) =	ssettag $0x1  }
0x1: {  	s0 =	rddreg [dreg:$0x0]  }
0x2: {  	s2 =	rddreg [dreg:$0x1]  }
0x3: {  	s1 =	rddreg [dreg:$0x2]  }
0x4: {  	s3 =	srdreg.scid;
	s11 =	stileid.u32  }
0x5: {  	s28 =	simm.s32 $0x1;
	s29 =	simm.s32 $0x5;
	s30 =	simm.s32 $0x0  }
0x6: {  	s5 =	sand.u32 $0x1, s3;
	s3 =	simm.s32 $0x0;
	s10 =	smul.u32 $0x50000, s11  }
0x7: {  	s4 =	sshll.u32 s5, $0x4;
	s9 =	ssub.s32 $0x2, s5;
	s5 =	smul.u32 $0x50000, s5  }
0x8: {  	[smem:$0x7FF] =	sst s3;
	s6 =	sor.u32 s11, s4;
	s11 =	smul.u32 $0x5000, s11  }
0x9: {  	s8 =	sadd.s32 $0x2E00, s0;
	_ =	strace $0x8000004A;
	s7 =	smul.u32 $0x2800, s6  }
0xa: {  	s4 =	sadd.s32 $0x16E00, s0;
	s20 =	sshrl.u32 s9, $0x1;
	s6 =	smul.u32 $0xA00, s6  }
0xb: {  	s24 =	sshrl.u32 s10, $0x2;
	s25 =	sadd.s32 s11, s5;
	s0 =	sadd.s32 s7, s0  }
0xc: {  	s7 =	ssub.s32 s9, s20;
	s21 =	sadd.s32 s8, s6;
	s22 =	sadd.s32 s2, s6  }
0xd: {  	s6 =	sor.u32 $0x100, s6;
	s9 =	sadd.s32 s24, s1;
	[dreg:$0x4] =	wrdreg s21  }
0xe: {  	s24 =	simm.s32 $0x4;
	[dreg:$0x5] =	wrdreg s22;
	s23 =	sadd.s32 s8, s6  }
0xf: {  	s6 =	sadd.s32 s2, s6;
	s0 =	sadd.s32 $0xB7800, s0;
	[dreg:$0x6] =	wrdreg s23  }
0x10: {  	s26 =	smax.u32 s7, $0x1;
	s31 =	sadd.s32 $0x4000, s9;
	[dreg:$0x7] =	wrdreg s6  }
0x11: {  	s13 =	sadd.s32 $0x8000, s9;
	s14 =	sadd.s32 $0xC000, s9;
	[dreg:$0x8] =	wrdreg s0  }
0x12: {  	s15 =	sadd.s32 $0x10000, s9;
	s21 =	simm.s32 $0x2000;
	[dreg:$0x9] =	wrdreg s26  }
0x13: {  	s22 =	simm.s32 $0x2;
	[dreg:$0xa] =	wrdreg s31;
	s0 =	sadd.s32 $0x1000, s25  }
0x14: {  	s23 =	simm.s32 $0x3;
	s25 =	simm.s32 $0x80;
	s0 =	sshrl.u32 s0, $0x3  }
0x15: {  	v0 =	vimm.f32 $0.0e+00;
	s26 =	simm.s32 $0x6000;
	s6 =	sadd.s32 s0, s2;
	s17 =	sadd.s32 s0, s8  }
.LBB2_1:
0x16: {  	s0 =	rddreg [dreg:$0x4]  }
0x17: {  	s16 =	rddreg [dreg:$0x5]  }
0x18: {  	[tilespmem:s3], [sflag:$0x3] =	stream.linear.gather [hbm4b:s0+s3], $0x800, $0x38;
	[tilespmem:$0x1E000] =	vst v63  }
0x19: {  	s2 =	simm.s32 $0x1000;
	s18 =	rddreg [dreg:$0x6]  }
0x1a: {  	[tilespmem:s2], [sflag:$0x4] =	stream.linear.gather [hbm4b:s16+s3], $0x800, $0x38;
	[tilespmem:$0x1E000] =	vst v63  }
0x1b: {  	s19 =	simm.s32 $0x800;
	s20 =	rddreg [dreg:$0x7]  }
0x1c: {  	[tilespmem:s19], [sflag:$0x3] =	stream.linear.gather [hbm4b:s18+s3], $0x800, $0x38;
	[tilespmem:$0x1E000] =	vst v63  }
0x1d: {  	s31 =	simm.s32 $0x1800;
	s0 =	simm.s32 $0x0;
	s2 =	simm.s32 $0x200  }
0x1e: {  	[tilespmem:s31], [sflag:$0x4] =	stream.linear.gather [hbm4b:s20+s3], $0x800, $0x38;
	[tilespmem:$0x1E000] =	vst v63  }
.LBB2_2:
0x1f: {  	p0 =	sne.s32 s2, $0xFE00;
	[tilespmem:s0+$0x2070] =	vst v0  }
0x20: {  	[tilespmem:s0+$0x2000] =	vst v0  }
0x21: {  	[tilespmem:s0+$0x2010] =	vst v0  }
.Ltmp0:
0x22: {  	[tilespmem:s0+$0x2020] =	vst v0;
	(pc) =	sbr.rel @p0 .LBB2_2-.Ltmp0, $4  }
0x23: {  	[tilespmem:s0+$0x2030] =	vst v0  }
0x24: {  	[tilespmem:s0+$0x2040] =	vst v0  }
0x25: {  	[tilespmem:s0+$0x2050] =	vst v0  }
0x26: {  	[tilespmem:s0+$0x2060] =	vst v0;
	s0 =	sshra.s32 s2, $0x2;
	s2 =	sadd.s32 $0x200, s2  }
0x27: {  	[tilespmem:s0+$0x2070] =	vst v0  }
0x28: {  	[tilespmem:s0+$0x2000] =	vst v0  }
0x29: {  	[tilespmem:s0+$0x2010] =	vst v0  }
0x2a: {  	[tilespmem:s0+$0x2020] =	vst v0  }
0x2b: {  	[tilespmem:s0+$0x2030] =	vst v0  }
0x2c: {  	[tilespmem:s0+$0x2040] =	vst v0  }
0x2d: {  	[tilespmem:s0+$0x2050] =	vst v0  }
0x2e: {  	[tilespmem:s0+$0x2060] =	vst v0  }
0x2f: {  	[spmem:s9] =	stream.linear.scatter [tilespmem:s21], [sflag:$0x2], $0x4000, $0x38;
	[tilespmem:$0x1E000] =	vst v63  }
0x30: {  	s16 =	rddreg [dreg:$0xa]  }
0x31: {  	[spmem:s16] =	stream.linear.scatter [tilespmem:s21], [sflag:$0x2], $0x4000, $0x38;
	[tilespmem:$0x1E000] =	vst v63  }
0x32: {  	_ = 	snop  }
0x33: {  	[spmem:s13] =	stream.linear.scatter [tilespmem:s21], [sflag:$0x2], $0x4000, $0x38;
	[tilespmem:$0x1E000] =	vst v63  }
0x34: {  	_ = 	snop  }
0x35: {  	[spmem:s14] =	stream.linear.scatter [tilespmem:s21], [sflag:$0x2], $0x4000, $0x38;
	[tilespmem:$0x1E000] =	vst v63  }
0x36: {  	_ = 	snop  }
0x37: {  	[spmem:s15] =	stream.linear.scatter [tilespmem:s21], [sflag:$0x2], $0x4000, $0x38;
	[tilespmem:$0x1E000] =	vst v63  }
0x38: {  	_ =	swait.ge [sflag:s22], $0x4000  }
0x39: {  	[sflag:s22] =	ssyncset.done $0x0  }
0x3a: {  	[sflag:s22] =	ssyncadd.s32 $0xFFFFC000  }
0x3b: {  	_ =	swait.ge [sflag:s22], $0x4000  }
0x3c: {  	[sflag:s22] =	ssyncset.done $0x0  }
0x3d: {  	[sflag:s22] =	ssyncadd.s32 $0xFFFFC000  }
0x3e: {  	_ =	swait.ge [sflag:s22], $0x4000  }
0x3f: {  	[sflag:s22] =	ssyncset.done $0x0  }
0x40: {  	[sflag:s22] =	ssyncadd.s32 $0xFFFFC000  }
0x41: {  	_ =	swait.ge [sflag:s22], $0x4000  }
0x42: {  	[sflag:s22] =	ssyncset.done $0x0  }
0x43: {  	[sflag:s22] =	ssyncadd.s32 $0xFFFFC000  }
0x44: {  	_ =	swait.ge [sflag:s22], $0x4000  }
0x45: {  	[sflag:s22] =	ssyncset.done $0x0  }
0x46: {  	[sflag:s22] =	ssyncadd.s32 $0xFFFFC000  }
0x47: {  	[bflag:$0x0] =	sbarrier.arrive $0xFFFF  }
0x48: {  	_ =	swait.ge [sflag:s23], $0x800  }
0x49: {  	[sflag:s23] =	ssyncset.done $0x0  }
0x4a: {  	[sflag:s23] =	ssyncadd.s32 $0xFFFFF800  }
0x4b: {  	_ =	swait.ge [sflag:s24], $0x800  }
0x4c: {  	s5 =	simm.s32 $0x0;
	[sflag:s24] =	ssyncset.done $0x0  }
0x4d: {  	s0 =	sand.u32 $0x800, s5;
	[sflag:s24] =	ssyncadd.s32 $0xFFFFF800  }
0x4e: {  	[tilespmem:s21], [sflag:$0x1] =	stream.indirect.gather [hbm4b:s4+s25], $0x80, s5, s25, $0xb8;
	[tilespmem:$0x1E000] =	vst v63  }
0x4f: {  	s2 =	sor.u32 $0x80, s0  }
0x50: {  	[tilespmem:s26], [sflag:$0x2] =	stream.indirect.gather [hbm4b:s4+s25], $0x80, s2, s25, $0xb8;
	[tilespmem:$0x1E000] =	vst v63  }
0x51: {  	_ =	swait.ge [sflag:s28], $0x4000  }
0x52: {  	[sflag:s28] =	ssyncset.done $0x0  }
0x53: {  	s2 =	sor.u32 $0x1000, s0;
	[sflag:s28] =	ssyncadd.s32 $0xFFFFC000  }
0x54: {  	[spmem:s1] =	stream.indirect.scatter.add.f32 [tilespmem:s21], [sflag:$0x5], $0x80, s2, s25, $0xb8;
	[tilespmem:$0x1E000] =	vst v63  }
0x55: {  	_ =	swait.ge [sflag:s29], $0x4000  }
0x56: {  	[sflag:s29] =	ssyncset.done $0x0  }
0x57: {  	s7 =	sor.u32 $0x100, s0;
	[sflag:s29] =	ssyncadd.s32 $0xFFFFC000  }
0x58: {  	[tilespmem:s21], [sflag:$0x1] =	stream.indirect.gather [hbm4b:s4+s25], $0x80, s7, s25, $0xb8;
	[tilespmem:$0x1E000] =	vst v63  }
0x59: {  	_ =	swait.ge [sflag:s22], $0x4000  }
0x5a: {  	[sflag:s22] =	ssyncset.done $0x0  }
0x5b: {  	s18 =	sor.u32 $0x1080, s0;
	[sflag:s22] =	ssyncadd.s32 $0xFFFFC000  }
0x5c: {  	[spmem:s1] =	stream.indirect.scatter.add.f32 [tilespmem:s26], [sflag:$0x5], $0x80, s18, s25, $0xb8;
	[tilespmem:$0x1E000] =	vst v63  }
0x5d: {  	_ =	swait.ge [sflag:s29], $0x4000  }
0x5e: {  	[sflag:s29] =	ssyncset.done $0x0  }
0x5f: {  	s19 =	sor.u32 $0x180, s0;
	[sflag:s29] =	ssyncadd.s32 $0xFFFFC000  }
0x60: {  	[tilespmem:s26], [sflag:$0x2] =	stream.indirect.gather [hbm4b:s4+s25], $0x80, s19, s25, $0xb8;
	[tilespmem:$0x1E000] =	vst v63  }
0x61: {  	_ =	swait.ge [sflag:s28], $0x4000  }
0x62: {  	[sflag:s28] =	ssyncset.done $0x0  }
0x63: {  	s20 =	sor.u32 $0x1100, s0;
	[sflag:s28] =	ssyncadd.s32 $0xFFFFC000  }
0x64: {  	[spmem:s1] =	stream.indirect.scatter.add.f32 [tilespmem:s21], [sflag:$0x5], $0x80, s20, s25, $0xb8;
	[tilespmem:$0x1E000] =	vst v63  }
0x65: {  	_ =	swait.ge [sflag:s29], $0x4000  }
0x66: {  	[sflag:s29] =	ssyncset.done $0x0  }
0x67: {  	s8 =	sor.u32 $0x200, s0;
	[sflag:s29] =	ssyncadd.s32 $0xFFFFC000  }
0x68: {  	[tilespmem:s21], [sflag:$0x1] =	stream.indirect.gather [hbm4b:s4+s25], $0x80, s8, s25, $0xb8;
	[tilespmem:$0x1E000] =	vst v63  }
0x69: {  	_ =	swait.ge [sflag:s22], $0x4000  }
0x6a: {  	[sflag:s22] =	ssyncset.done $0x0  }
0x6b: {  	s10 =	sor.u32 $0x1180, s0;
	[sflag:s22] =	ssyncadd.s32 $0xFFFFC000  }
0x6c: {  	[spmem:s1] =	stream.indirect.scatter.add.f32 [tilespmem:s26], [sflag:$0x5], $0x80, s10, s25, $0xb8;
	[tilespmem:$0x1E000] =	vst v63  }
0x6d: {  	_ =	swait.ge [sflag:s29], $0x4000  }
0x6e: {  	[sflag:s29] =	ssyncset.done $0x0  }
0x6f: {  	s11 =	sor.u32 $0x280, s0;
	[sflag:s29] =	ssyncadd.s32 $0xFFFFC000  }
0x70: {  	[tilespmem:s26], [sflag:$0x2] =	stream.indirect.gather [hbm4b:s4+s25], $0x80, s11, s25, $0xb8;
	[tilespmem:$0x1E000] =	vst v63  }
0x71: {  	_ =	swait.ge [sflag:s28], $0x4000  }
0x72: {  	[sflag:s28] =	ssyncset.done $0x0  }
0x73: {  	s12 =	sor.u32 $0x1200, s0;
	[sflag:s28] =	ssyncadd.s32 $0xFFFFC000  }
0x74: {  	[spmem:s1] =	stream.indirect.scatter.add.f32 [tilespmem:s21], [sflag:$0x5], $0x80, s12, s25, $0xb8;
	[tilespmem:$0x1E000] =	vst v63  }
0x75: {  	_ =	swait.ge [sflag:s29], $0x4000  }
0x76: {  	[sflag:s29] =	ssyncset.done $0x0  }
0x77: {  	s16 =	sor.u32 $0x300, s0;
	[sflag:s29] =	ssyncadd.s32 $0xFFFFC000  }
0x78: {  	[tilespmem:s21], [sflag:$0x1] =	stream.indirect.gather [hbm4b:s4+s25], $0x80, s16, s25, $0xb8;
	[tilespmem:$0x1E000] =	vst v63  }
0x79: {  	_ =	swait.ge [sflag:s22], $0x4000  }
0x7a: {  	[sflag:s22] =	ssyncset.done $0x0  }
0x7b: {  	s18 =	sor.u32 $0x1280, s0;
	[sflag:s22] =	ssyncadd.s32 $0xFFFFC000  }
0x7c: {  	[spmem:s1] =	stream.indirect.scatter.add.f32 [tilespmem:s26], [sflag:$0x5], $0x80, s18, s25, $0xb8;
	[tilespmem:$0x1E000] =	vst v63  }
0x7d: {  	_ =	swait.ge [sflag:s29], $0x4000  }
0x7e: {  	[sflag:s29] =	ssyncset.done $0x0  }
0x7f: {  	s19 =	sor.u32 $0x380, s0;
	[sflag:s29] =	ssyncadd.s32 $0xFFFFC000  }
0x80: {  	[tilespmem:s26], [sflag:$0x2] =	stream.indirect.gather [hbm4b:s4+s25], $0x80, s19, s25, $0xb8;
	[tilespmem:$0x1E000] =	vst v63  }
0x81: {  	_ =	swait.ge [sflag:s28], $0x4000  }
0x82: {  	[sflag:s28] =	ssyncset.done $0x0  }
0x83: {  	s20 =	sor.u32 $0x1300, s0;
	[sflag:s28] =	ssyncadd.s32 $0xFFFFC000  }
0x84: {  	[spmem:s1] =	stream.indirect.scatter.add.f32 [tilespmem:s21], [sflag:$0x5], $0x80, s20, s25, $0xb8;
	[tilespmem:$0x1E000] =	vst v63  }
0x85: {  	_ =	swait.ge [sflag:s29], $0x4000  }
0x86: {  	[sflag:s29] =	ssyncset.done $0x0  }
0x87: {  	s8 =	sor.u32 $0x400, s0;
	[sflag:s29] =	ssyncadd.s32 $0xFFFFC000  }
0x88: {  	[tilespmem:s21], [sflag:$0x1] =	stream.indirect.gather [hbm4b:s4+s25], $0x80, s8, s25, $0xb8;
	[tilespmem:$0x1E000] =	vst v63  }
0x89: {  	_ =	swait.ge [sflag:s22], $0x4000  }
0x8a: {  	[sflag:s22] =	ssyncset.done $0x0  }
0x8b: {  	s10 =	sor.u32 $0x1380, s0;
	[sflag:s22] =	ssyncadd.s32 $0xFFFFC000  }
0x8c: {  	[spmem:s1] =	stream.indirect.scatter.add.f32 [tilespmem:s26], [sflag:$0x5], $0x80, s10, s25, $0xb8;
	[tilespmem:$0x1E000] =	vst v63  }
0x8d: {  	_ =	swait.ge [sflag:s29], $0x4000  }
0x8e: {  	[sflag:s29] =	ssyncset.done $0x0  }
0x8f: {  	s11 =	sor.u32 $0x480, s0;
	[sflag:s29] =	ssyncadd.s32 $0xFFFFC000  }
0x90: {  	[tilespmem:s26], [sflag:$0x2] =	stream.indirect.gather [hbm4b:s4+s25], $0x80, s11, s25, $0xb8;
	[tilespmem:$0x1E000] =	vst v63  }
0x91: {  	_ =	swait.ge [sflag:s28], $0x4000  }
0x92: {  	[sflag:s28] =	ssyncset.done $0x0  }
0x93: {  	s12 =	sor.u32 $0x1400, s0;
	[sflag:s28] =	ssyncadd.s32 $0xFFFFC000  }
0x94: {  	[spmem:s1] =	stream.indirect.scatter.add.f32 [tilespmem:s21], [sflag:$0x5], $0x80, s12, s25, $0xb8;
	[tilespmem:$0x1E000] =	vst v63  }
0x95: {  	_ =	swait.ge [sflag:s29], $0x4000  }
0x96: {  	[sflag:s29] =	ssyncset.done $0x0  }
0x97: {  	s16 =	sor.u32 $0x500, s0;
	[sflag:s29] =	ssyncadd.s32 $0xFFFFC000  }
0x98: {  	[tilespmem:s21], [sflag:$0x1] =	stream.indirect.gather [hbm4b:s4+s25], $0x80, s16, s25, $0xb8;
	[tilespmem:$0x1E000] =	vst v63  }
0x99: {  	_ =	swait.ge [sflag:s22], $0x4000  }
0x9a: {  	[sflag:s22] =	ssyncset.done $0x0  }
0x9b: {  	s18 =	sor.u32 $0x1480, s0;
	[sflag:s22] =	ssyncadd.s32 $0xFFFFC000  }
0x9c: {  	[spmem:s1] =	stream.indirect.scatter.add.f32 [tilespmem:s26], [sflag:$0x5], $0x80, s18, s25, $0xb8;
	[tilespmem:$0x1E000] =	vst v63  }
0x9d: {  	_ =	swait.ge [sflag:s29], $0x4000  }
0x9e: {  	[sflag:s29] =	ssyncset.done $0x0  }
0x9f: {  	s19 =	sor.u32 $0x580, s0;
	[sflag:s29] =	ssyncadd.s32 $0xFFFFC000  }
0xa0: {  	[tilespmem:s26], [sflag:$0x2] =	stream.indirect.gather [hbm4b:s4+s25], $0x80, s19, s25, $0xb8;
	[tilespmem:$0x1E000] =	vst v63  }
0xa1: {  	_ =	swait.ge [sflag:s28], $0x4000  }
0xa2: {  	[sflag:s28] =	ssyncset.done $0x0  }
0xa3: {  	s20 =	sor.u32 $0x1500, s0;
	[sflag:s28] =	ssyncadd.s32 $0xFFFFC000  }
0xa4: {  	[spmem:s1] =	stream.indirect.scatter.add.f32 [tilespmem:s21], [sflag:$0x5], $0x80, s20, s25, $0xb8;
	[tilespmem:$0x1E000] =	vst v63  }
0xa5: {  	_ =	swait.ge [sflag:s29], $0x4000  }
0xa6: {  	[sflag:s29] =	ssyncset.done $0x0  }
0xa7: {  	s8 =	sor.u32 $0x600, s0;
	[sflag:s29] =	ssyncadd.s32 $0xFFFFC000  }
0xa8: {  	[tilespmem:s21], [sflag:$0x1] =	stream.indirect.gather [hbm4b:s4+s25], $0x80, s8, s25, $0xb8;
	[tilespmem:$0x1E000] =	vst v63  }
0xa9: {  	_ =	swait.ge [sflag:s22], $0x4000  }
0xaa: {  	[sflag:s22] =	ssyncset.done $0x0  }
0xab: {  	s10 =	sor.u32 $0x1580, s0;
	[sflag:s22] =	ssyncadd.s32 $0xFFFFC000  }
0xac: {  	[spmem:s1] =	stream.indirect.scatter.add.f32 [tilespmem:s26], [sflag:$0x5], $0x80, s10, s25, $0xb8;
	[tilespmem:$0x1E000] =	vst v63  }
0xad: {  	_ =	swait.ge [sflag:s29], $0x4000  }
0xae: {  	[sflag:s29] =	ssyncset.done $0x0  }
0xaf: {  	s11 =	sor.u32 $0x680, s0;
	[sflag:s29] =	ssyncadd.s32 $0xFFFFC000  }
0xb0: {  	[tilespmem:s26], [sflag:$0x2] =	stream.indirect.gather [hbm4b:s4+s25], $0x80, s11, s25, $0xb8;
	[tilespmem:$0x1E000] =	vst v63  }
0xb1: {  	_ =	swait.ge [sflag:s28], $0x4000  }
0xb2: {  	[sflag:s28] =	ssyncset.done $0x0  }
0xb3: {  	s12 =	sor.u32 $0x1600, s0;
	[sflag:s28] =	ssyncadd.s32 $0xFFFFC000  }
0xb4: {  	[spmem:s1] =	stream.indirect.scatter.add.f32 [tilespmem:s21], [sflag:$0x5], $0x80, s12, s25, $0xb8;
	[tilespmem:$0x1E000] =	vst v63  }
0xb5: {  	_ =	swait.ge [sflag:s29], $0x4000  }
0xb6: {  	[sflag:s29] =	ssyncset.done $0x0  }
0xb7: {  	s16 =	sor.u32 $0x700, s0;
	[sflag:s29] =	ssyncadd.s32 $0xFFFFC000  }
0xb8: {  	[tilespmem:s21], [sflag:$0x1] =	stream.indirect.gather [hbm4b:s4+s25], $0x80, s16, s25, $0xb8;
	[tilespmem:$0x1E000] =	vst v63  }
0xb9: {  	_ =	swait.ge [sflag:s22], $0x4000  }
0xba: {  	[sflag:s22] =	ssyncset.done $0x0  }
0xbb: {  	s18 =	sor.u32 $0x1680, s0;
	[sflag:s22] =	ssyncadd.s32 $0xFFFFC000  }
0xbc: {  	[spmem:s1] =	stream.indirect.scatter.add.f32 [tilespmem:s26], [sflag:$0x5], $0x80, s18, s25, $0xb8;
	[tilespmem:$0x1E000] =	vst v63  }
0xbd: {  	_ =	swait.ge [sflag:s29], $0x4000  }
0xbe: {  	p0 =	por $0x0, $0x0;
	[sflag:s29] =	ssyncset.done $0x0  }
0xbf: {  	s7 =	simm.s32 @!p0 $0x3;
	[sflag:s29] =	ssyncadd.s32 $0xFFFFC000  }
0xc0: {  	_ =	swait.ge @!p0 [sflag:s7], $0x800  }
0xc1: {  	[sflag:s7] =	ssyncset.done @!p0 $0x0  }
0xc2: {  	[sflag:s7] =	ssyncadd.s32 @!p0 $0xFFFFF800;
	s7 =	simm.s32 @!p0 $0x4  }
0xc3: {  	_ =	swait.ge @!p0 [sflag:s7], $0x800  }
0xc4: {  	[sflag:s7] =	ssyncset.done @!p0 $0x0  }
0xc5: {  	s19 =	sor.u32 $0x780, s0;
	[sflag:s7] =	ssyncadd.s32 @!p0 $0xFFFFF800  }
0xc6: {  	[tilespmem:s26], [sflag:$0x2] =	stream.indirect.gather [hbm4b:s4+s25], $0x80, s19, s25, $0xb8;
	[tilespmem:$0x1E000] =	vst v63  }
0xc7: {  	_ =	swait.ge [sflag:s28], $0x4000  }
0xc8: {  	[sflag:s28] =	ssyncset.done $0x0  }
0xc9: {  	s8 =	sadd.s32 $0x1700, s0;
	[sflag:s28] =	ssyncadd.s32 $0xFFFFC000  }
0xca: {  	[spmem:s1] =	stream.indirect.scatter.add.f32 [tilespmem:s21], [sflag:$0x5], $0x80, s8, s25, $0xb8;
	[tilespmem:$0x1E000] =	vst v63  }
0xcb: {  	s5 =	sxor.u32 @!p0 $0xFFFFFFFF, s5;
	_ =	swait.ge [sflag:s29], $0x4000  }
0xcc: {  	s5 =	sand.u32 @!p0 $0x800, s5;
	[sflag:s29] =	ssyncset.done $0x0  }
0xcd: {  	s16 =	simm.s32 @!p0 $0x2000;
	s8 =	simm.s32 @!p0 $0x80;
	[sflag:s29] =	ssyncadd.s32 $0xFFFFC000  }
0xce: {  	[tilespmem:s16], [sflag:$0x1] =	stream.indirect.gather @!p0 [hbm4b:s4+s8], $0x80, s5, s8, $0xb8;
	[tilespmem:$0x1E000] =	vst v63  }
0xcf: {  	_ =	swait.ge [sflag:s22], $0x4000  }
0xd0: {  	[sflag:s22] =	ssyncset.done $0x0  }
0xd1: {  	s20 =	sor.u32 $0x1000, s19;
	[sflag:s22] =	ssyncadd.s32 $0xFFFFC000  }
0xd2: {  	[spmem:s1] =	stream.indirect.scatter.add.f32 [tilespmem:s26], [sflag:$0x5], $0x80, s20, s25, $0xb8;
	[tilespmem:$0x1E000] =	vst v63  }
0xd3: {  	p1 =	por $0x0, $0x0;
	s31 =	sadd.s32 $0x100, s6;
	_ =	swait.ge [sflag:s29], $0x4000  }
0xd4: {  	s19 =	simm.s32 $0x1;
	s8 =	simm.s32 @!p1 $0x0;
	[sflag:s29] =	ssyncset.done $0x0  }
0xd5: {  	s5 =	simm.s32 $0x1000;
	s20 =	simm.s32 $0x800;
	[sflag:s29] =	ssyncadd.s32 $0xFFFFC000  }
0xd6: {  	[tilespmem:s0], [sflag:$0x3] =	stream.linear.gather @!p1 [hbm4b:s17+s8], $0x800, $0x38;
	[tilespmem:$0x1E000] =	vst v63  }
0xd7: {  	s16 =	smov.u32 s6;
	s18 =	sand.u32 $0x800, s20;
	s0 =	sadd.s32 $0x100, s17  }
.LBB2_4:
0xd8: {  	[tilespmem:s2], [sflag:$0x4] =	stream.linear.gather @!p1 [hbm4b:s16+s8], $0x800, $0x38;
	[tilespmem:$0x1E000] =	vst v63  }
0xd9: {  	s7 =	smov.u32 s18;
	s8 =	smov.u32 s5;
	s16 =	smov.u32 s31  }
0xda: {  	s5 =	sadd.s32 $0x800, s5;
	s18 =	sand.u32 $0x800, s8;
	s2 =	sor.u32 $0x80, s7  }
0xdb: {  	[tilespmem:s26], [sflag:$0x2] =	stream.indirect.gather [hbm4b:s4+s25], $0x80, s2, s25, $0xb8;
	[tilespmem:$0x1E000] =	vst v63  }
0xdc: {  	p0 =	sne.s32 s5, $0x5000;
	_ =	swait.ge [sflag:s28], $0x4000  }
0xdd: {  	[sflag:s28] =	ssyncset.done $0x0  }
0xde: {  	s2 =	sor.u32 $0x1000, s7;
	[sflag:s28] =	ssyncadd.s32 $0xFFFFC000  }
0xdf: {  	[spmem:s1] =	stream.indirect.scatter.add.f32 [tilespmem:s21], [sflag:$0x5], $0x80, s2, s25, $0xb8;
	[tilespmem:$0x1E000] =	vst v63  }
0xe0: {  	_ =	swait.ge [sflag:s29], $0x4000  }
0xe1: {  	[sflag:s29] =	ssyncset.done $0x0  }
0xe2: {  	s10 =	sor.u32 $0x100, s7;
	[sflag:s29] =	ssyncadd.s32 $0xFFFFC000  }
0xe3: {  	[tilespmem:s21], [sflag:$0x1] =	stream.indirect.gather [hbm4b:s4+s25], $0x80, s10, s25, $0xb8;
	[tilespmem:$0x1E000] =	vst v63  }
0xe4: {  	_ =	swait.ge [sflag:s22], $0x4000  }
0xe5: {  	[sflag:s22] =	ssyncset.done $0x0  }
0xe6: {  	s10 =	sor.u32 $0x1080, s7;
	[sflag:s22] =	ssyncadd.s32 $0xFFFFC000  }
0xe7: {  	[spmem:s1] =	stream.indirect.scatter.add.f32 [tilespmem:s26], [sflag:$0x5], $0x80, s10, s25, $0xb8;
	[tilespmem:$0x1E000] =	vst v63  }
0xe8: {  	_ =	swait.ge [sflag:s29], $0x4000  }
0xe9: {  	[sflag:s29] =	ssyncset.done $0x0  }
0xea: {  	s10 =	sor.u32 $0x180, s7;
	[sflag:s29] =	ssyncadd.s32 $0xFFFFC000  }
0xeb: {  	[tilespmem:s26], [sflag:$0x2] =	stream.indirect.gather [hbm4b:s4+s25], $0x80, s10, s25, $0xb8;
	[tilespmem:$0x1E000] =	vst v63  }
0xec: {  	_ =	swait.ge [sflag:s28], $0x4000  }
0xed: {  	[sflag:s28] =	ssyncset.done $0x0  }
0xee: {  	s10 =	sor.u32 $0x1100, s7;
	[sflag:s28] =	ssyncadd.s32 $0xFFFFC000  }
0xef: {  	[spmem:s1] =	stream.indirect.scatter.add.f32 [tilespmem:s21], [sflag:$0x5], $0x80, s10, s25, $0xb8;
	[tilespmem:$0x1E000] =	vst v63  }
0xf0: {  	_ =	swait.ge [sflag:s29], $0x4000  }
0xf1: {  	[sflag:s29] =	ssyncset.done $0x0  }
0xf2: {  	s10 =	sor.u32 $0x200, s7;
	[sflag:s29] =	ssyncadd.s32 $0xFFFFC000  }
0xf3: {  	[tilespmem:s21], [sflag:$0x1] =	stream.indirect.gather [hbm4b:s4+s25], $0x80, s10, s25, $0xb8;
	[tilespmem:$0x1E000] =	vst v63  }
0xf4: {  	_ =	swait.ge [sflag:s22], $0x4000  }
0xf5: {  	[sflag:s22] =	ssyncset.done $0x0  }
0xf6: {  	s10 =	sor.u32 $0x1180, s7;
	[sflag:s22] =	ssyncadd.s32 $0xFFFFC000  }
0xf7: {  	[spmem:s1] =	stream.indirect.scatter.add.f32 [tilespmem:s26], [sflag:$0x5], $0x80, s10, s25, $0xb8;
	[tilespmem:$0x1E000] =	vst v63  }
0xf8: {  	_ =	swait.ge [sflag:s29], $0x4000  }
0xf9: {  	[sflag:s29] =	ssyncset.done $0x0  }
0xfa: {  	s10 =	sor.u32 $0x280, s7;
	[sflag:s29] =	ssyncadd.s32 $0xFFFFC000  }
0xfb: {  	[tilespmem:s26], [sflag:$0x2] =	stream.indirect.gather [hbm4b:s4+s25], $0x80, s10, s25, $0xb8;
	[tilespmem:$0x1E000] =	vst v63  }
0xfc: {  	_ =	swait.ge [sflag:s28], $0x4000  }
0xfd: {  	[sflag:s28] =	ssyncset.done $0x0  }
0xfe: {  	s10 =	sor.u32 $0x1200, s7;
	[sflag:s28] =	ssyncadd.s32 $0xFFFFC000  }
0xff: {  	[spmem:s1] =	stream.indirect.scatter.add.f32 [tilespmem:s21], [sflag:$0x5], $0x80, s10, s25, $0xb8;
	[tilespmem:$0x1E000] =	vst v63  }
0x100: {  	_ =	swait.ge [sflag:s29], $0x4000  }
0x101: {  	[sflag:s29] =	ssyncset.done $0x0  }
0x102: {  	s10 =	sor.u32 $0x300, s7;
	[sflag:s29] =	ssyncadd.s32 $0xFFFFC000  }
0x103: {  	[tilespmem:s21], [sflag:$0x1] =	stream.indirect.gather [hbm4b:s4+s25], $0x80, s10, s25, $0xb8;
	[tilespmem:$0x1E000] =	vst v63  }
0x104: {  	_ =	swait.ge [sflag:s22], $0x4000  }
0x105: {  	[sflag:s22] =	ssyncset.done $0x0  }
0x106: {  	s10 =	sor.u32 $0x1280, s7;
	[sflag:s22] =	ssyncadd.s32 $0xFFFFC000  }
0x107: {  	[spmem:s1] =	stream.indirect.scatter.add.f32 [tilespmem:s26], [sflag:$0x5], $0x80, s10, s25, $0xb8;
	[tilespmem:$0x1E000] =	vst v63  }
0x108: {  	_ =	swait.ge [sflag:s29], $0x4000  }
0x109: {  	[sflag:s29] =	ssyncset.done $0x0  }
0x10a: {  	s10 =	sor.u32 $0x380, s7;
	[sflag:s29] =	ssyncadd.s32 $0xFFFFC000  }
0x10b: {  	[tilespmem:s26], [sflag:$0x2] =	stream.indirect.gather [hbm4b:s4+s25], $0x80, s10, s25, $0xb8;
	[tilespmem:$0x1E000] =	vst v63  }
0x10c: {  	_ =	swait.ge [sflag:s28], $0x4000  }
0x10d: {  	[sflag:s28] =	ssyncset.done $0x0  }
0x10e: {  	s10 =	sor.u32 $0x1300, s7;
	[sflag:s28] =	ssyncadd.s32 $0xFFFFC000  }
0x10f: {  	[spmem:s1] =	stream.indirect.scatter.add.f32 [tilespmem:s21], [sflag:$0x5], $0x80, s10, s25, $0xb8;
	[tilespmem:$0x1E000] =	vst v63  }
0x110: {  	_ =	swait.ge [sflag:s29], $0x4000  }
0x111: {  	[sflag:s29] =	ssyncset.done $0x0  }
0x112: {  	s10 =	sor.u32 $0x400, s7;
	[sflag:s29] =	ssyncadd.s32 $0xFFFFC000  }
0x113: {  	[tilespmem:s21], [sflag:$0x1] =	stream.indirect.gather [hbm4b:s4+s25], $0x80, s10, s25, $0xb8;
	[tilespmem:$0x1E000] =	vst v63  }
0x114: {  	_ =	swait.ge [sflag:s22], $0x4000  }
0x115: {  	[sflag:s22] =	ssyncset.done $0x0  }
0x116: {  	s10 =	sor.u32 $0x1380, s7;
	[sflag:s22] =	ssyncadd.s32 $0xFFFFC000  }
0x117: {  	[spmem:s1] =	stream.indirect.scatter.add.f32 [tilespmem:s26], [sflag:$0x5], $0x80, s10, s25, $0xb8;
	[tilespmem:$0x1E000] =	vst v63  }
0x118: {  	_ =	swait.ge [sflag:s29], $0x4000  }
0x119: {  	[sflag:s29] =	ssyncset.done $0x0  }
0x11a: {  	s10 =	sor.u32 $0x480, s7;
	[sflag:s29] =	ssyncadd.s32 $0xFFFFC000  }
0x11b: {  	[tilespmem:s26], [sflag:$0x2] =	stream.indirect.gather [hbm4b:s4+s25], $0x80, s10, s25, $0xb8;
	[tilespmem:$0x1E000] =	vst v63  }
0x11c: {  	_ =	swait.ge [sflag:s28], $0x4000  }
0x11d: {  	[sflag:s28] =	ssyncset.done $0x0  }
0x11e: {  	s10 =	sor.u32 $0x1400, s7;
	[sflag:s28] =	ssyncadd.s32 $0xFFFFC000  }
0x11f: {  	[spmem:s1] =	stream.indirect.scatter.add.f32 [tilespmem:s21], [sflag:$0x5], $0x80, s10, s25, $0xb8;
	[tilespmem:$0x1E000] =	vst v63  }
0x120: {  	_ =	swait.ge [sflag:s29], $0x4000  }
0x121: {  	[sflag:s29] =	ssyncset.done $0x0  }
0x122: {  	s10 =	sor.u32 $0x500, s7;
	[sflag:s29] =	ssyncadd.s32 $0xFFFFC000  }
0x123: {  	[tilespmem:s21], [sflag:$0x1] =	stream.indirect.gather [hbm4b:s4+s25], $0x80, s10, s25, $0xb8;
	[tilespmem:$0x1E000] =	vst v63  }
0x124: {  	_ =	swait.ge [sflag:s22], $0x4000  }
0x125: {  	[sflag:s22] =	ssyncset.done $0x0  }
0x126: {  	s10 =	sor.u32 $0x1480, s7;
	[sflag:s22] =	ssyncadd.s32 $0xFFFFC000  }
0x127: {  	[spmem:s1] =	stream.indirect.scatter.add.f32 [tilespmem:s26], [sflag:$0x5], $0x80, s10, s25, $0xb8;
	[tilespmem:$0x1E000] =	vst v63  }
0x128: {  	_ =	swait.ge [sflag:s29], $0x4000  }
0x129: {  	[sflag:s29] =	ssyncset.done $0x0  }
0x12a: {  	s10 =	sor.u32 $0x580, s7;
	[sflag:s29] =	ssyncadd.s32 $0xFFFFC000  }
0x12b: {  	[tilespmem:s26], [sflag:$0x2] =	stream.indirect.gather [hbm4b:s4+s25], $0x80, s10, s25, $0xb8;
	[tilespmem:$0x1E000] =	vst v63  }
0x12c: {  	_ =	swait.ge [sflag:s28], $0x4000  }
0x12d: {  	[sflag:s28] =	ssyncset.done $0x0  }
0x12e: {  	s10 =	sor.u32 $0x1500, s7;
	[sflag:s28] =	ssyncadd.s32 $0xFFFFC000  }
0x12f: {  	[spmem:s1] =	stream.indirect.scatter.add.f32 [tilespmem:s21], [sflag:$0x5], $0x80, s10, s25, $0xb8;
	[tilespmem:$0x1E000] =	vst v63  }
0x130: {  	_ =	swait.ge [sflag:s29], $0x4000  }
0x131: {  	[sflag:s29] =	ssyncset.done $0x0  }
0x132: {  	s10 =	sor.u32 $0x600, s7;
	[sflag:s29] =	ssyncadd.s32 $0xFFFFC000  }
0x133: {  	[tilespmem:s21], [sflag:$0x1] =	stream.indirect.gather [hbm4b:s4+s25], $0x80, s10, s25, $0xb8;
	[tilespmem:$0x1E000] =	vst v63  }
0x134: {  	_ =	swait.ge [sflag:s22], $0x4000  }
0x135: {  	[sflag:s22] =	ssyncset.done $0x0  }
0x136: {  	s10 =	sor.u32 $0x1580, s7;
	[sflag:s22] =	ssyncadd.s32 $0xFFFFC000  }
0x137: {  	[spmem:s1] =	stream.indirect.scatter.add.f32 [tilespmem:s26], [sflag:$0x5], $0x80, s10, s25, $0xb8;
	[tilespmem:$0x1E000] =	vst v63  }
0x138: {  	_ =	swait.ge [sflag:s29], $0x4000  }
0x139: {  	[sflag:s29] =	ssyncset.done $0x0  }
0x13a: {  	s10 =	sor.u32 $0x680, s7;
	[sflag:s29] =	ssyncadd.s32 $0xFFFFC000  }
0x13b: {  	[tilespmem:s26], [sflag:$0x2] =	stream.indirect.gather [hbm4b:s4+s25], $0x80, s10, s25, $0xb8;
	[tilespmem:$0x1E000] =	vst v63  }
0x13c: {  	_ =	swait.ge [sflag:s28], $0x4000  }
0x13d: {  	[sflag:s28] =	ssyncset.done $0x0  }
0x13e: {  	s10 =	sor.u32 $0x1600, s7;
	[sflag:s28] =	ssyncadd.s32 $0xFFFFC000  }
0x13f: {  	[spmem:s1] =	stream.indirect.scatter.add.f32 [tilespmem:s21], [sflag:$0x5], $0x80, s10, s25, $0xb8;
	[tilespmem:$0x1E000] =	vst v63  }
0x140: {  	_ =	swait.ge [sflag:s29], $0x4000  }
0x141: {  	[sflag:s29] =	ssyncset.done $0x0  }
0x142: {  	s10 =	sor.u32 $0x700, s7;
	[sflag:s29] =	ssyncadd.s32 $0xFFFFC000  }
0x143: {  	[tilespmem:s21], [sflag:$0x1] =	stream.indirect.gather [hbm4b:s4+s25], $0x80, s10, s25, $0xb8;
	[tilespmem:$0x1E000] =	vst v63  }
0x144: {  	_ =	swait.ge [sflag:s22], $0x4000  }
0x145: {  	[sflag:s22] =	ssyncset.done $0x0  }
0x146: {  	s10 =	sor.u32 $0x1680, s7;
	[sflag:s22] =	ssyncadd.s32 $0xFFFFC000  }
0x147: {  	[spmem:s1] =	stream.indirect.scatter.add.f32 [tilespmem:s26], [sflag:$0x5], $0x80, s10, s25, $0xb8;
	[tilespmem:$0x1E000] =	vst v63  }
0x148: {  	_ =	swait.ge [sflag:s29], $0x4000  }
0x149: {  	p1 =	seq.s32 s20, $0x4800;
	[sflag:s29] =	ssyncset.done $0x0  }
0x14a: {  	s20 =	sxor.u32 @!p1 $0xFFFFFFFF, s20;
	s10 =	simm.s32 @!p1 $0x3;
	[sflag:s29] =	ssyncadd.s32 $0xFFFFC000  }
0x14b: {  	s11 =	sand.u32 @!p1 $0x800, s20;
	s20 =	smov.u32 s8;
	_ =	swait.ge @!p1 [sflag:s10], $0x800  }
0x14c: {  	[sflag:s10] =	ssyncset.done @!p1 $0x0  }
0x14d: {  	s8 =	simm.s32 @!p1 $0x4;
	[sflag:s10] =	ssyncadd.s32 @!p1 $0xFFFFF800  }
0x14e: {  	_ =	swait.ge @!p1 [sflag:s8], $0x800  }
0x14f: {  	[sflag:s8] =	ssyncset.done @!p1 $0x0  }
0x150: {  	[sflag:s8] =	ssyncadd.s32 @!p1 $0xFFFFF800;
	s8 =	sor.u32 $0x780, s7  }
0x151: {  	[tilespmem:s26], [sflag:$0x2] =	stream.indirect.gather [hbm4b:s4+s25], $0x80, s8, s25, $0xb8;
	[tilespmem:$0x1E000] =	vst v63  }
0x152: {  	_ =	swait.ge [sflag:s28], $0x4000  }
0x153: {  	[sflag:s28] =	ssyncset.done $0x0  }
0x154: {  	s10 =	sadd.s32 $0x1700, s7;
	[sflag:s28] =	ssyncadd.s32 $0xFFFFC000  }
0x155: {  	[spmem:s1] =	stream.indirect.scatter.add.f32 [tilespmem:s21], [sflag:$0x5], $0x80, s10, s25, $0xb8;
	[tilespmem:$0x1E000] =	vst v63  }
0x156: {  	_ =	swait.ge [sflag:s29], $0x4000  }
0x157: {  	[sflag:s29] =	ssyncset.done $0x0  }
0x158: {  	s12 =	simm.s32 @!p1 $0x2000;
	s10 =	simm.s32 @!p1 $0x80;
	[sflag:s29] =	ssyncadd.s32 $0xFFFFC000  }
0x159: {  	[tilespmem:s12], [sflag:$0x1] =	stream.indirect.gather @!p1 [hbm4b:s4+s10], $0x80, s11, s10, $0xb8;
	[tilespmem:$0x1E000] =	vst v63  }
0x15a: {  	_ =	swait.ge [sflag:s22], $0x4000  }
0x15b: {  	[sflag:s22] =	ssyncset.done $0x0  }
0x15c: {  	s8 =	sor.u32 $0x1000, s8;
	[sflag:s22] =	ssyncadd.s32 $0xFFFFC000  }
0x15d: {  	[spmem:s1] =	stream.indirect.scatter.add.f32 [tilespmem:s26], [sflag:$0x5], $0x80, s8, s25, $0xb8;
	[tilespmem:$0x1E000] =	vst v63  }
.Ltmp1:
0x15e: {  	_ =	swait.ge [sflag:s29], $0x4000;
	(pc) =	sbr.rel @p0 .LBB2_4-.Ltmp1, $4  }
0x15f: {  	p1 =	sgt.u32 s19, $0x7;
	[sflag:s29] =	ssyncset.done $0x0  }
0x160: {  	s8 =	simm.s32 @!p1 $0x0;
	[sflag:s29] =	ssyncadd.s32 $0xFFFFC000  }
0x161: {  	[tilespmem:s7], [sflag:$0x3] =	stream.linear.gather @!p1 [hbm4b:s0+s8], $0x800, $0x38;
	[tilespmem:$0x1E000] =	vst v63  }
0x162: {  	s31 =	sadd.s32 $0x100, s31;
	s19 =	sadd.s32 $0x1, s19;
	s0 =	sadd.s32 $0x100, s0  }
0x163: {  	[tilespmem:s2], [sflag:$0x4] =	stream.linear.gather @!p1 [hbm4b:s16+s8], $0x800, $0x38;
	[tilespmem:$0x1E000] =	vst v63  }
0x164: {  	s11 =	sor.u32 $0x80, s18  }
0x165: {  	[tilespmem:s26], [sflag:$0x2] =	stream.indirect.gather [hbm4b:s4+s25], $0x80, s11, s25, $0xb8;
	[tilespmem:$0x1E000] =	vst v63  }
0x166: {  	_ =	swait.ge [sflag:s28], $0x4000  }
0x167: {  	[sflag:s28] =	ssyncset.done $0x0  }
0x168: {  	s2 =	sor.u32 $0x1000, s18;
	[sflag:s28] =	ssyncadd.s32 $0xFFFFC000  }
0x169: {  	[spmem:s1] =	stream.indirect.scatter.add.f32 [tilespmem:s21], [sflag:$0x5], $0x80, s2, s25, $0xb8;
	[tilespmem:$0x1E000] =	vst v63  }
0x16a: {  	_ =	swait.ge [sflag:s29], $0x4000  }
0x16b: {  	[sflag:s29] =	ssyncset.done $0x0  }
0x16c: {  	s5 =	sor.u32 $0x100, s18;
	[sflag:s29] =	ssyncadd.s32 $0xFFFFC000  }
0x16d: {  	[tilespmem:s21], [sflag:$0x1] =	stream.indirect.gather [hbm4b:s4+s25], $0x80, s5, s25, $0xb8;
	[tilespmem:$0x1E000] =	vst v63  }
0x16e: {  	_ =	swait.ge [sflag:s22], $0x4000  }
0x16f: {  	[sflag:s22] =	ssyncset.done $0x0  }
0x170: {  	s12 =	sor.u32 $0x1080, s18;
	[sflag:s22] =	ssyncadd.s32 $0xFFFFC000  }
0x171: {  	[spmem:s1] =	stream.indirect.scatter.add.f32 [tilespmem:s26], [sflag:$0x5], $0x80, s12, s25, $0xb8;
	[tilespmem:$0x1E000] =	vst v63  }
0x172: {  	_ =	swait.ge [sflag:s29], $0x4000  }
0x173: {  	[sflag:s29] =	ssyncset.done $0x0  }
0x174: {  	s16 =	sor.u32 $0x180, s18;
	[sflag:s29] =	ssyncadd.s32 $0xFFFFC000  }
0x175: {  	[tilespmem:s26], [sflag:$0x2] =	stream.indirect.gather [hbm4b:s4+s25], $0x80, s16, s25, $0xb8;
	[tilespmem:$0x1E000] =	vst v63  }
0x176: {  	_ =	swait.ge [sflag:s28], $0x4000  }
0x177: {  	[sflag:s28] =	ssyncset.done $0x0  }
0x178: {  	s7 =	sor.u32 $0x1100, s18;
	[sflag:s28] =	ssyncadd.s32 $0xFFFFC000  }
0x179: {  	[spmem:s1] =	stream.indirect.scatter.add.f32 [tilespmem:s21], [sflag:$0x5], $0x80, s7, s25, $0xb8;
	[tilespmem:$0x1E000] =	vst v63  }
0x17a: {  	_ =	swait.ge [sflag:s29], $0x4000  }
0x17b: {  	[sflag:s29] =	ssyncset.done $0x0  }
0x17c: {  	s8 =	sor.u32 $0x200, s18;
	[sflag:s29] =	ssyncadd.s32 $0xFFFFC000  }
0x17d: {  	[tilespmem:s21], [sflag:$0x1] =	stream.indirect.gather [hbm4b:s4+s25], $0x80, s8, s25, $0xb8;
	[tilespmem:$0x1E000] =	vst v63  }
0x17e: {  	_ =	swait.ge [sflag:s22], $0x4000  }
0x17f: {  	[sflag:s22] =	ssyncset.done $0x0  }
0x180: {  	s10 =	sor.u32 $0x1180, s18;
	[sflag:s22] =	ssyncadd.s32 $0xFFFFC000  }
0x181: {  	[spmem:s1] =	stream.indirect.scatter.add.f32 [tilespmem:s26], [sflag:$0x5], $0x80, s10, s25, $0xb8;
	[tilespmem:$0x1E000] =	vst v63  }
0x182: {  	_ =	swait.ge [sflag:s29], $0x4000  }
0x183: {  	[sflag:s29] =	ssyncset.done $0x0  }
0x184: {  	s11 =	sor.u32 $0x280, s18;
	[sflag:s29] =	ssyncadd.s32 $0xFFFFC000  }
0x185: {  	[tilespmem:s26], [sflag:$0x2] =	stream.indirect.gather [hbm4b:s4+s25], $0x80, s11, s25, $0xb8;
	[tilespmem:$0x1E000] =	vst v63  }
0x186: {  	_ =	swait.ge [sflag:s28], $0x4000  }
0x187: {  	[sflag:s28] =	ssyncset.done $0x0  }
0x188: {  	s12 =	sor.u32 $0x1200, s18;
	[sflag:s28] =	ssyncadd.s32 $0xFFFFC000  }
0x189: {  	[spmem:s1] =	stream.indirect.scatter.add.f32 [tilespmem:s21], [sflag:$0x5], $0x80, s12, s25, $0xb8;
	[tilespmem:$0x1E000] =	vst v63  }
0x18a: {  	_ =	swait.ge [sflag:s29], $0x4000  }
0x18b: {  	[sflag:s29] =	ssyncset.done $0x0  }
0x18c: {  	s16 =	sor.u32 $0x300, s18;
	[sflag:s29] =	ssyncadd.s32 $0xFFFFC000  }
0x18d: {  	[tilespmem:s21], [sflag:$0x1] =	stream.indirect.gather [hbm4b:s4+s25], $0x80, s16, s25, $0xb8;
	[tilespmem:$0x1E000] =	vst v63  }
0x18e: {  	_ =	swait.ge [sflag:s22], $0x4000  }
0x18f: {  	[sflag:s22] =	ssyncset.done $0x0  }
0x190: {  	s7 =	sor.u32 $0x1280, s18;
	[sflag:s22] =	ssyncadd.s32 $0xFFFFC000  }
0x191: {  	[spmem:s1] =	stream.indirect.scatter.add.f32 [tilespmem:s26], [sflag:$0x5], $0x80, s7, s25, $0xb8;
	[tilespmem:$0x1E000] =	vst v63  }
0x192: {  	_ =	swait.ge [sflag:s29], $0x4000  }
0x193: {  	[sflag:s29] =	ssyncset.done $0x0  }
0x194: {  	s8 =	sor.u32 $0x380, s18;
	[sflag:s29] =	ssyncadd.s32 $0xFFFFC000  }
0x195: {  	[tilespmem:s26], [sflag:$0x2] =	stream.indirect.gather [hbm4b:s4+s25], $0x80, s8, s25, $0xb8;
	[tilespmem:$0x1E000] =	vst v63  }
0x196: {  	_ =	swait.ge [sflag:s28], $0x4000  }
0x197: {  	[sflag:s28] =	ssyncset.done $0x0  }
0x198: {  	s10 =	sor.u32 $0x1300, s18;
	[sflag:s28] =	ssyncadd.s32 $0xFFFFC000  }
0x199: {  	[spmem:s1] =	stream.indirect.scatter.add.f32 [tilespmem:s21], [sflag:$0x5], $0x80, s10, s25, $0xb8;
	[tilespmem:$0x1E000] =	vst v63  }
0x19a: {  	_ =	swait.ge [sflag:s29], $0x4000  }
0x19b: {  	[sflag:s29] =	ssyncset.done $0x0  }
0x19c: {  	s11 =	sor.u32 $0x400, s18;
	[sflag:s29] =	ssyncadd.s32 $0xFFFFC000  }
0x19d: {  	[tilespmem:s21], [sflag:$0x1] =	stream.indirect.gather [hbm4b:s4+s25], $0x80, s11, s25, $0xb8;
	[tilespmem:$0x1E000] =	vst v63  }
0x19e: {  	_ =	swait.ge [sflag:s22], $0x4000  }
0x19f: {  	[sflag:s22] =	ssyncset.done $0x0  }
0x1a0: {  	s12 =	sor.u32 $0x1380, s18;
	[sflag:s22] =	ssyncadd.s32 $0xFFFFC000  }
0x1a1: {  	[spmem:s1] =	stream.indirect.scatter.add.f32 [tilespmem:s26], [sflag:$0x5], $0x80, s12, s25, $0xb8;
	[tilespmem:$0x1E000] =	vst v63  }
0x1a2: {  	_ =	swait.ge [sflag:s29], $0x4000  }
0x1a3: {  	[sflag:s29] =	ssyncset.done $0x0  }
0x1a4: {  	s16 =	sor.u32 $0x480, s18;
	[sflag:s29] =	ssyncadd.s32 $0xFFFFC000  }
0x1a5: {  	[tilespmem:s26], [sflag:$0x2] =	stream.indirect.gather [hbm4b:s4+s25], $0x80, s16, s25, $0xb8;
	[tilespmem:$0x1E000] =	vst v63  }
0x1a6: {  	_ =	swait.ge [sflag:s28], $0x4000  }
0x1a7: {  	[sflag:s28] =	ssyncset.done $0x0  }
0x1a8: {  	s7 =	sor.u32 $0x1400, s18;
	[sflag:s28] =	ssyncadd.s32 $0xFFFFC000  }
0x1a9: {  	[spmem:s1] =	stream.indirect.scatter.add.f32 [tilespmem:s21], [sflag:$0x5], $0x80, s7, s25, $0xb8;
	[tilespmem:$0x1E000] =	vst v63  }
0x1aa: {  	_ =	swait.ge [sflag:s29], $0x4000  }
0x1ab: {  	[sflag:s29] =	ssyncset.done $0x0  }
0x1ac: {  	s8 =	sor.u32 $0x500, s18;
	[sflag:s29] =	ssyncadd.s32 $0xFFFFC000  }
0x1ad: {  	[tilespmem:s21], [sflag:$0x1] =	stream.indirect.gather [hbm4b:s4+s25], $0x80, s8, s25, $0xb8;
	[tilespmem:$0x1E000] =	vst v63  }
0x1ae: {  	_ =	swait.ge [sflag:s22], $0x4000  }
0x1af: {  	[sflag:s22] =	ssyncset.done $0x0  }
0x1b0: {  	s10 =	sor.u32 $0x1480, s18;
	[sflag:s22] =	ssyncadd.s32 $0xFFFFC000  }
0x1b1: {  	[spmem:s1] =	stream.indirect.scatter.add.f32 [tilespmem:s26], [sflag:$0x5], $0x80, s10, s25, $0xb8;
	[tilespmem:$0x1E000] =	vst v63  }
0x1b2: {  	_ =	swait.ge [sflag:s29], $0x4000  }
0x1b3: {  	[sflag:s29] =	ssyncset.done $0x0  }
0x1b4: {  	s11 =	sor.u32 $0x580, s18;
	[sflag:s29] =	ssyncadd.s32 $0xFFFFC000  }
0x1b5: {  	[tilespmem:s26], [sflag:$0x2] =	stream.indirect.gather [hbm4b:s4+s25], $0x80, s11, s25, $0xb8;
	[tilespmem:$0x1E000] =	vst v63  }
0x1b6: {  	_ =	swait.ge [sflag:s28], $0x4000  }
0x1b7: {  	[sflag:s28] =	ssyncset.done $0x0  }
0x1b8: {  	s12 =	sor.u32 $0x1500, s18;
	[sflag:s28] =	ssyncadd.s32 $0xFFFFC000  }
0x1b9: {  	[spmem:s1] =	stream.indirect.scatter.add.f32 [tilespmem:s21], [sflag:$0x5], $0x80, s12, s25, $0xb8;
	[tilespmem:$0x1E000] =	vst v63  }
0x1ba: {  	_ =	swait.ge [sflag:s29], $0x4000  }
0x1bb: {  	[sflag:s29] =	ssyncset.done $0x0  }
0x1bc: {  	s16 =	sor.u32 $0x600, s18;
	[sflag:s29] =	ssyncadd.s32 $0xFFFFC000  }
0x1bd: {  	[tilespmem:s21], [sflag:$0x1] =	stream.indirect.gather [hbm4b:s4+s25], $0x80, s16, s25, $0xb8;
	[tilespmem:$0x1E000] =	vst v63  }
0x1be: {  	_ =	swait.ge [sflag:s22], $0x4000  }
0x1bf: {  	[sflag:s22] =	ssyncset.done $0x0  }
0x1c0: {  	s7 =	sor.u32 $0x1580, s18;
	[sflag:s22] =	ssyncadd.s32 $0xFFFFC000  }
0x1c1: {  	[spmem:s1] =	stream.indirect.scatter.add.f32 [tilespmem:s26], [sflag:$0x5], $0x80, s7, s25, $0xb8;
	[tilespmem:$0x1E000] =	vst v63  }
0x1c2: {  	_ =	swait.ge [sflag:s29], $0x4000  }
0x1c3: {  	[sflag:s29] =	ssyncset.done $0x0  }
0x1c4: {  	s8 =	sor.u32 $0x680, s18;
	[sflag:s29] =	ssyncadd.s32 $0xFFFFC000  }
0x1c5: {  	[tilespmem:s26], [sflag:$0x2] =	stream.indirect.gather [hbm4b:s4+s25], $0x80, s8, s25, $0xb8;
	[tilespmem:$0x1E000] =	vst v63  }
0x1c6: {  	_ =	swait.ge [sflag:s28], $0x4000  }
0x1c7: {  	[sflag:s28] =	ssyncset.done $0x0  }
0x1c8: {  	s10 =	sor.u32 $0x1600, s18;
	[sflag:s28] =	ssyncadd.s32 $0xFFFFC000  }
0x1c9: {  	[spmem:s1] =	stream.indirect.scatter.add.f32 [tilespmem:s21], [sflag:$0x5], $0x80, s10, s25, $0xb8;
	[tilespmem:$0x1E000] =	vst v63  }
0x1ca: {  	_ =	swait.ge [sflag:s29], $0x4000  }
0x1cb: {  	[sflag:s29] =	ssyncset.done $0x0  }
0x1cc: {  	s11 =	sor.u32 $0x700, s18;
	[sflag:s29] =	ssyncadd.s32 $0xFFFFC000  }
0x1cd: {  	[tilespmem:s21], [sflag:$0x1] =	stream.indirect.gather [hbm4b:s4+s25], $0x80, s11, s25, $0xb8;
	[tilespmem:$0x1E000] =	vst v63  }
0x1ce: {  	_ =	swait.ge [sflag:s22], $0x4000  }
0x1cf: {  	[sflag:s22] =	ssyncset.done $0x0  }
0x1d0: {  	s12 =	sor.u32 $0x1680, s18;
	[sflag:s22] =	ssyncadd.s32 $0xFFFFC000  }
0x1d1: {  	[spmem:s1] =	stream.indirect.scatter.add.f32 [tilespmem:s26], [sflag:$0x5], $0x80, s12, s25, $0xb8;
	[tilespmem:$0x1E000] =	vst v63  }
0x1d2: {  	_ =	swait.ge [sflag:s29], $0x4000  }
0x1d3: {  	p0 =	seq.s32 s20, $0x4800;
	[sflag:s29] =	ssyncset.done $0x0  }
0x1d4: {  	s5 =	simm.s32 @!p0 $0x3;
	[sflag:s29] =	ssyncadd.s32 $0xFFFFC000  }
0x1d5: {  	_ =	swait.ge @!p0 [sflag:s5], $0x800  }
0x1d6: {  	[sflag:s5] =	ssyncset.done @!p0 $0x0  }
0x1d7: {  	[sflag:s5] =	ssyncadd.s32 @!p0 $0xFFFFF800;
	s5 =	simm.s32 @!p0 $0x4  }
0x1d8: {  	_ =	swait.ge @!p0 [sflag:s5], $0x800  }
0x1d9: {  	[sflag:s5] =	ssyncset.done @!p0 $0x0  }
0x1da: {  	s16 =	sor.u32 $0x780, s18;
	[sflag:s5] =	ssyncadd.s32 @!p0 $0xFFFFF800  }
0x1db: {  	[tilespmem:s26], [sflag:$0x2] =	stream.indirect.gather [hbm4b:s4+s25], $0x80, s16, s25, $0xb8;
	[tilespmem:$0x1E000] =	vst v63  }
0x1dc: {  	_ =	swait.ge [sflag:s28], $0x4000  }
0x1dd: {  	[sflag:s28] =	ssyncset.done $0x0  }
0x1de: {  	s7 =	sadd.s32 $0x1700, s18;
	[sflag:s28] =	ssyncadd.s32 $0xFFFFC000  }
0x1df: {  	[spmem:s1] =	stream.indirect.scatter.add.f32 [tilespmem:s21], [sflag:$0x5], $0x80, s7, s25, $0xb8;
	[tilespmem:$0x1E000] =	vst v63  }
0x1e0: {  	_ =	swait.ge [sflag:s29], $0x4000  }
0x1e1: {  	s8 =	simm.s32 @!p0 $0x80;
	s7 =	sxor.u32 @!p0 $0xFFFFFFFF, s20;
	[sflag:s29] =	ssyncset.done $0x0  }
0x1e2: {  	s10 =	simm.s32 @!p0 $0x2000;
	s7 =	sand.u32 @!p0 $0x800, s7;
	[sflag:s29] =	ssyncadd.s32 $0xFFFFC000  }
0x1e3: {  	[tilespmem:s10], [sflag:$0x1] =	stream.indirect.gather @!p0 [hbm4b:s4+s8], $0x80, s7, s8, $0xb8;
	[tilespmem:$0x1E000] =	vst v63  }
0x1e4: {  	_ =	swait.ge [sflag:s22], $0x4000  }
0x1e5: {  	[sflag:s22] =	ssyncset.done $0x0  }
0x1e6: {  	s5 =	sor.u32 $0x1000, s16;
	[sflag:s22] =	ssyncadd.s32 $0xFFFFC000  }
0x1e7: {  	[spmem:s1] =	stream.indirect.scatter.add.f32 [tilespmem:s26], [sflag:$0x5], $0x80, s5, s25, $0xb8;
	[tilespmem:$0x1E000] =	vst v63  }
0x1e8: {  	_ =	swait.ge [sflag:s29], $0x4000  }
0x1e9: {  	p0 =	sgt.u32 s19, $0x7;
	[sflag:s29] =	ssyncset.done $0x0  }
0x1ea: {  	s5 =	simm.s32 @!p0 $0x0;
	[sflag:s29] =	ssyncadd.s32 $0xFFFFC000  }
0x1eb: {  	[tilespmem:s18], [sflag:$0x3] =	stream.linear.gather @!p0 [hbm4b:s0+s5], $0x800, $0x38;
	[tilespmem:$0x1E000] =	vst v63  }
0x1ec: {  	s18 =	stileid.u32  }
0x1ed: {  	[tilespmem:s2], [sflag:$0x4] =	stream.linear.gather @!p0 [hbm4b:s31+s5], $0x800, $0x38;
	[tilespmem:$0x1E000] =	vst v63  }
0x1ee: {  	s0 =	sshll.u32 s18, $0x6;
	[bflag:$0x0] =	sbarrier.arrive $0xFFFF  }
0x1ef: {  	s19 =	sshrl.u32 s9, $0x3;
	s0 =	sor.u32 $0x1C05, s0;
	s20 =	rddreg [dreg:$0x8]  }
0x1f0: {  	[hbm:s20], [sflag:s0] =	dma.local [spmem:s19], $0x2800  }
0x1f1: {  	_ =	swait.ge [sflag:s29], $0x2800  }
0x1f2: {  	s30 =	sadd.s32 $0x1, s30;
	s31 =	rddreg [dreg:$0x9]  }
0x1f3: {  	p0 =	sne.s32 s30, s31  }
.Ltmp2:
0x1f4: {  	_ = 	snop;
	(pc) =	sbr.rel @p0 .LBB2_1-.Ltmp2, $3  }
0x1f5: {  	_ =	sdelay $0x1  }
0x1f6: {  	[sflag:s29] =	ssyncset.done $0x0  }
0x1f7: {  	[sflag:s29] =	ssyncadd.s32 $0xFFFFD800  }
0x1f8: {  	_ =	sfence.sel $0x180000  }
0x1f9: {  	[bflag:$0x0] =	sbarrier.arrive $0xFFFF  }
0x1fa: {  	_ =	strace $0x9000004A  }
0x1fb: {  	s0 =	stileid.u32;
	[bflag:$0x2] =	sbarrier.arrive $0xFFFF  }
0x1fc: {  	p0 =	sne.s32 s0, $0x0;
	s0 =	rddreg [dreg:$0x3]  }
0x1fd: {  	s0 =	sadd.s32 @!p0 $0x100000, s0  }
0x1fe: {  	[sflag:s0] =	ssyncadd.tile.s32 @!p0 $0x1;
	_ =	shalt  }
.Lfunc_end2:
_tile_overlayer_lowered:
.L_overlay_start_2:
0x1ff: {  	(tag) =	ssettag $0x2  }
0x200: {  	s0 =	rddreg [dreg:$0x0];
	s2 =	stileid.u32  }
0x201: {  	s1 =	rddreg [dreg:$0x1];
	p0 =	sne.s32 s2, $0x0  }
0x202: {  	s3 =	rddreg [dreg:$0x2];
	[bflag:$0x3] =	sbarrier.arrive $0xFFFF;
	s2 =	simm.s32 @!p0 $0x1C05  }
0x203: {  	[timem:s3], [sflag:s2] =	dma.local @!p0 [hbm:s0], s1  }
0x204: {  	s0 =	simm.s32 @!p0 $0x5  }
0x205: {  	_ =	swait.ge @!p0 [sflag:s0], s1  }
0x206: {  	s1 =	ssub.s32 @!p0 $0x0, s1;
	[sflag:s0] =	ssyncset.done @!p0 $0x0  }
0x207: {  	[sflag:s0] =	ssyncadd.s32 @!p0 s1  }
0x208: {  	[bflag:$0x3] =	sbarrier.arrive $0xFFFF  }
0x209: {  	_ =	shalt  }

// kernel: kernel.14.cloned.1.call-start
scs
__scs_entry_jumppad:
0x0: {  	(pc) =	sbr.rel $0x88, $3  }
0x1: {  	(tag) =	ssettag $0x0;
	lr =	simm.s32 $0x1  }
0x2: {  	[smem:$0x3F96] =	sst lr;
	_ =	strace $0xD0000000  }
0x3: {  	_ = 	snop  }
0x4: {  	_ = 	snop  }
0x5: {  	_ = 	snop  }
0x6: {  	_ = 	snop  }
0x7: {  	_ = 	snop  }
__scs_overlays_trampoline_lowered:
0x8: {  	[smem:$0x3FA5] =	sst s0  }
0x9: {  	[smem:$0x3FA6] =	sst s1  }
0xa: {  	[smem:$0x3FA7] =	sst s2  }
0xb: {  	[smem:$0x3FA8] =	sst s3  }
0xc: {  	[smem:$0x3FA9] =	sst s4  }
0xd: {  	[smem:$0x3FAA] =	sst s5  }
0xe: {  	[smem:$0x3FAB] =	sst s6  }
0xf: {  	[smem:$0x3FAC] =	sst s7  }
0x10: {  	[smem:$0x3FAD] =	sst s8  }
0x11: {  	[smem:$0x3FAE] =	sst s9;
	s0 =	simm.s32 @!p0 $0x0  }
0x12: {  	s1 =	sld [smem:$0x3F94];
	s0 =	simm.s32 @p0 $0x1  }
0x13: {  	[smem:$0x3FAF] =	sst s0;
	s0 =	simm.s32 @!p1 $0x0  }
0x14: {  	s2 =	sld [smem:$0x3F93];
	s0 =	simm.s32 @p1 $0x1  }
0x15: {  	[smem:$0x3FB0] =	sst s0;
	s0 =	simm.s32 @!p2 $0x0  }
0x16: {  	s3 =	sld [smem:$0x3FDB];
	s0 =	simm.s32 @p2 $0x1  }
0x17: {  	s4 =	simm.s32 $0x1BF5;
	[smem:$0x3FB2] =	sst s0  }
0x18: {  	s0 =	sld [smem:$0x3F95];
	_ =	swait.ge [sflag:s4], $0x0  }
0x19: {  	s7 =	sld [smem:$0x3F96]  }
0x1a: {  	s8 =	sadd.s32 $0xFFFFE003, lr  }
0x1b: {  	s9 =	sadd.s32 $0xFFFFFEF7, lr;
	s5 =	simm.s32 $0xFFFFFFFF;
	p2 =	slt.u32 s8, $0xFFFFF086  }
0x1c: {  	p1 =	slt.u32 s9, $0xF7A;
	s5 =	simm.s32 @!p2 $0x0  }
0x1d: {  	s5 =	simm.s32 @p1 $0x1;
	p0 =	seq.s32 s7, s2  }
0x1e: {  	s7 =	smul.u32 @!p0 $0xF7A, s2;
	p2 =	seq.s32 @!p0 s5, $0x0  }
0x1f: {  	s9 =	smul.u32 $0xF7A, s1;
	s8 =	simm.s32 @!p0 $0x1BF5;
	p2 =	por !p2, p0  }
0x20: {  	[sflag:s8] =	ssyncset.s32 @!p0 $0xFFFFF086;
	s6 =	sadd.s32 @!p0 s3, s7;
	s7 =	simm.s32 @!p0 $0x108  }
0x21: {  	s3 =	sadd.s32 s3, s9;
	s6 =	sadd.s32 @!p0 $0x88, s6;
	s7 =	simm.s32 @p2 $0x1082  }
0x22: {  	[simem:s7], [sflag:s8] =	dma.local @!p0 [hbm:s6], $0xF7A  }
0x23: {  	s9 =	sor.u32 $0xD0000000, s2;
	s6 =	simm.s32 $0x108;
	_ =	swait.ge @!p0 [sflag:s8], $0x0  }
0x24: {  	s3 =	sadd.s32 $0x88, s3;
	s6 =	simm.s32 @!p1 $0x1082;
	[sflag:s4] =	ssyncset.s32 $0xFFFFF086  }
0x25: {  	[simem:s6], [sflag:s4] =	dma.local [hbm:s3], $0xF7A  }
0x26: {  	[smem:$0x3F96] =	sst s1;
	(tag) =	ssettag s2;
	_ =	strace s9  }
0x27: {  	s1 =	sld [smem:$0x3FA6]  }
0x28: {  	s2 =	sld [smem:$0x3FA7]  }
0x29: {  	s4 =	sld [smem:$0x3FA9]  }
0x2a: {  	p0 =	seq.s32 s5, $0x0;
	s5 =	sld [smem:$0x3FAA]  }
0x2b: {  	s6 =	sld [smem:$0x3FAB]  }
0x2c: {  	s7 =	sld [smem:$0x3FAC]  }
0x2d: {  	s3 =	simm.s32 $0x108;
	s8 =	sld [smem:$0x3FAD]  }
0x2e: {  	s3 =	simm.s32 @!p0 $0x1082;
	s9 =	sld [smem:$0x3FAE]  }
0x2f: {  	lr =	sadd.s32 s0, s3;
	s0 =	sld [smem:$0x3FA5]  }
0x30: {  	s3 =	sld [smem:$0x3FA8]  }
0x31: {  	[smem:$0x3FB1] =	sst s10  }
0x32: {  	s10 =	sld [smem:$0x3FAF];
	_ =	sdelay $0x3  }
0x33: {  	p0 =	seq.s32 s10, $0x1;
	s10 =	sld [smem:$0x3FB1];
	_ =	sdelay $0x3  }
0x34: {  	[smem:$0x3FB1] =	sst s10  }
0x35: {  	s10 =	sld [smem:$0x3FB0];
	_ =	sdelay $0x3  }
0x36: {  	p1 =	seq.s32 s10, $0x1;
	s10 =	sld [smem:$0x3FB1];
	_ =	sdelay $0x3  }
0x37: {  	[smem:$0x3FB1] =	sst s10  }
0x38: {  	s10 =	sld [smem:$0x3FB2]  }
0x39: {  	_ = 	snop;
	(pc) =	sbr.ind lr, $3  }
0x3a: {  	_ = 	snop  }
0x3b: {  	_ = 	snop  }
0x3c: {  	p2 =	seq.s32 s10, $0x1;
	s10 =	sld [smem:$0x3FB1]  }
0x3d: {  	_ =	shalt  }
0x3e: {  	_ =	shalt  }
0x3f: {  	_ =	shalt  }
0x40: {  	_ =	shalt  }
0x41: {  	_ =	shalt  }
0x42: {  	_ =	shalt  }
0x43: {  	_ =	shalt  }
0x44: {  	_ =	shalt  }
0x45: {  	_ =	shalt  }
0x46: {  	_ =	shalt  }
0x47: {  	_ =	shalt  }
0x48: {  	_ =	shalt  }
0x49: {  	_ =	shalt  }
0x4a: {  	_ =	shalt  }
0x4b: {  	_ =	shalt  }
0x4c: {  	_ =	shalt  }
0x4d: {  	_ =	shalt  }
0x4e: {  	_ =	shalt  }
0x4f: {  	_ =	shalt  }
0x50: {  	_ =	shalt  }
0x51: {  	_ =	shalt  }
0x52: {  	_ =	shalt  }
0x53: {  	_ =	shalt  }
0x54: {  	_ =	shalt  }
0x55: {  	_ =	shalt  }
0x56: {  	_ =	shalt  }
0x57: {  	_ =	shalt  }
0x58: {  	_ =	shalt  }
0x59: {  	_ =	shalt  }
0x5a: {  	_ =	shalt  }
0x5b: {  	_ =	shalt  }
0x5c: {  	_ =	shalt  }
0x5d: {  	_ =	shalt  }
0x5e: {  	_ =	shalt  }
0x5f: {  	_ =	shalt  }
0x60: {  	_ =	shalt  }
0x61: {  	_ =	shalt  }
0x62: {  	_ =	shalt  }
0x63: {  	_ =	shalt  }
0x64: {  	_ =	shalt  }
0x65: {  	_ =	shalt  }
0x66: {  	_ =	shalt  }
0x67: {  	_ =	shalt  }
0x68: {  	_ =	shalt  }
0x69: {  	_ =	shalt  }
0x6a: {  	_ =	shalt  }
0x6b: {  	_ =	shalt  }
0x6c: {  	_ =	shalt  }
0x6d: {  	_ =	shalt  }
0x6e: {  	_ =	shalt  }
0x6f: {  	_ =	shalt  }
0x70: {  	_ =	shalt  }
0x71: {  	_ =	shalt  }
0x72: {  	_ =	shalt  }
0x73: {  	_ =	shalt  }
0x74: {  	_ =	shalt  }
0x75: {  	_ =	shalt  }
0x76: {  	_ =	shalt  }
0x77: {  	_ =	shalt  }
0x78: {  	_ =	shalt  }
0x79: {  	_ =	shalt  }
0x7a: {  	_ =	shalt  }
0x7b: {  	_ =	shalt  }
0x7c: {  	_ =	shalt  }
0x7d: {  	_ =	shalt  }
0x7e: {  	_ =	shalt  }
0x7f: {  	_ =	shalt  }
0x80: {  	_ =	shalt  }
0x81: {  	_ =	shalt  }
0x82: {  	_ =	shalt  }
0x83: {  	_ =	shalt  }
0x84: {  	_ =	shalt  }
0x85: {  	_ =	shalt  }
0x86: {  	_ =	shalt  }
0x87: {  	_ =	shalt  }
.Lfunc_end0:
.L_simem_size_0:
called_computation.2_lowered:
.L_overlay_start_0:
0x88: {  	s2 =	sld [smem:$0x3FD9]  }
0x89: {  	s3 =	sld [smem:$0x3FFE];
	_ =	sdelay $0x1  }
0x8a: {  	s1 =	srdreg.scid  }
0x8b: {  	s0 =	sand.u32 $0x1, s1  }
0x8c: {  	s17 =	sshll.u32 s0, $0xA;
	s2 =	sadd.s32 s3, s2  }
0x8d: {  	s2 =	sadd.s32 s2, s17  }
0x8e: {  	[smem:$0x3FBD] =	sst s2  }
0x8f: {  	_ = 	snop  }
0x90: {  	s2 =	sld [smem:$0x3FD0];
	(tm) =	ssettm $0x1  }
0x91: {  	s18 =	sld [smem:$0x3FFB];
	_ =	sdelay $0x3  }
0x92: {  	_ =	strace s18  }
0x93: {  	s3 =	sld [smem:$0x3FFC];
	_ =	sdelay $0x3  }
0x94: {  	_ =	strace s3  }
0x95: {  	s3 =	sld [smem:$0x3FFD];
	_ =	sdelay $0x3  }
0x96: {  	_ =	strace s3  }
0x97: {  	_ =	strace $0x8FFFFFFF  }
0x98: {  	s19 =	sld [smem:$0x3FDB];
	_ =	sdelay $0x1  }
0x99: {  	s4 =	simm.s32 $_scs_section_size  }
0x9a: {  	s5 =	simm.s32 $_size__tile_overlayer_lowered;
	s6 =	simm.s32 $_tile_overlayer_lowered  }
0x9b: {  	s22 =	simm.s32 $0x1BFF;
	s21 =	sshll.u32 s6, $0x1;
	s3 =	sadd.s32 s4, s19  }
0x9c: {  	s7 =	simm.s32 $0x0;
	s20 =	sshll.u32 s5, $0x1;
	s5 =	sadd.s32 s21, s3  }
0x9d: {  	[timem:s7], [sflag:s22] =	dma.local [hbm:s5], s20  }
0x9e: {  	_ =	swait.ge [sflag:s22], s20  }
0x9f: {  	s4 =	ssub.s32 $0x0, s20;
	[sflag:s22] =	ssyncset.done $0x0  }
0xa0: {  	[sflag:s22] =	ssyncadd.s32 s4;
	_ =	sdelay $0x1  }
0xa1: {  	s23 =	simm.s32 $0x1B8B  }
0xa2: {  	_ =	swait.ge [sflag:s23], $0x1  }
0xa3: {  	[sflag:s23] =	ssyncset.done $0x0  }
0xa4: {  	s25 =	simm.s32 $0x1B8E;
	s24 =	sld [smem:$0x3FFE];
	[sflag:s23] =	ssyncadd.s32 $0xFFFFFFFF  }
0xa5: {  	s26 =	simm.s32 $execute0_lowered;
	[smem:$0x3FD2] =	sst s25  }
0xa6: {  	s5 =	sshll.u32 s26, $0x1;
	_ =	strace $0x8000004C;
	[dreg:$0x1] =	wrdreg $0xFFFFFFFF  }
0xa7: {  	s28 =	simm.s32 $_size_execute0_lowered;
	s3 =	sadd.s32 s3, s5;
	[dreg:$0x0] =	wrdreg $0x0  }
0xa8: {  	s5 =	sshll.u32 s28, $0x1;
	[dreg:$0x2] =	wrdreg s3  }
0xa9: {  	[dreg:$0x3] =	wrdreg s5  }
0xaa: {  	[dreg:$0x4] =	wrdreg $0xC0  }
0xab: {  	_ =	task [dreg:s7], $0x5FFFF  }
0xac: {  	[dreg:$0x1] =	wrdreg $0xFFFFFFFF  }
0xad: {  	[dreg:$0x0] =	wrdreg $0x60  }
0xae: {  	[dreg:$0x2] =	wrdreg s24  }
0xaf: {  	[dreg:$0x3] =	wrdreg s2  }
0xb0: {  	[dreg:$0x4] =	wrdreg $0xA0000  }
0xb1: {  	[dreg:$0x5] =	wrdreg $0x9  }
0xb2: {  	_ =	task.clear_ibuf [dreg:s7], $0x6FFFF;
	_ =	strace $0x9000004C  }
0xb3: {  	s29 =	simm.s32 $0x9;
	_ =	strace $0x8000004E  }
0xb4: {  	_ =	swait.ge [sflag:s29], $0x1  }
0xb5: {  	[sflag:s29] =	ssyncadd.s32 $0xFFFFFFFF  }
0xb6: {  	_ =	strace $0x9000004E  }
0xb7: {  	_ =	sfence  }
0xb8: {  	s30 =	sld [smem:$0x0];
	_ =	sdelay $0x2  }
0xb9: {  	s31 =	sshll.u32 s1, $0xD;
	s1 =	sshrl.u32 s1, $0x2  }
0xba: {  	s3 =	sand.u32 $0x4000, s31;
	s1 =	sadd.s32 s1, s30  }
0xbb: {  	s0 =	sor.u32 s3, s0;
	s1 =	sshll.u32 s1, $0x11  }
0xbc: {  	s0 =	sor.u32 s1, s0  }
0xbd: {  	s0 =	sadd.s32 $0x8F2B, s0  }
0xbe: {  	[sflag:s0] =	ssyncadd.remote.s32 $0x1  }
0xbf: {  	_ =	sfence.sel $0xFFFF  }
0xc0: {  	[dreg:$0x0] =	wrdreg $0xFFFFFFFF;
	(pc) =	sbr.abs _section_cstart, $3  }
0xc1: {  	[dreg:$0x1] =	wrdreg $0xFFFFFFFF  }
0xc2: {  	_ =	task.clear_ibuf [dreg:s7], $0x2FFFF;
	_ =	strace $0x9FFFFFFF  }
0xc3: {  	(tm) =	ssettm $0x7FFFFFFF  }
tec
execute0_lowered:
.L_overlay_start_1:
0x0: {  	(tag) =	ssettag $0x1  }
0x1: {  	s0 =	rddreg [dreg:$0x0]  }
0x2: {  	s2 =	rddreg [dreg:$0x1]  }
0x3: {  	s1 =	rddreg [dreg:$0x2]  }
0x4: {  	s3 =	srdreg.scid;
	s11 =	stileid.u32  }
0x5: {  	s28 =	simm.s32 $0x1;
	s29 =	simm.s32 $0x5;
	s30 =	simm.s32 $0x0  }
0x6: {  	s5 =	sand.u32 $0x1, s3;
	s3 =	simm.s32 $0x0;
	s10 =	smul.u32 $0x50000, s11  }
0x7: {  	s4 =	sshll.u32 s5, $0x4;
	s9 =	ssub.s32 $0x2, s5;
	s5 =	smul.u32 $0x50000, s5  }
0x8: {  	[smem:$0x7FF] =	sst s3;
	s6 =	sor.u32 s11, s4;
	s11 =	smul.u32 $0x5000, s11  }
0x9: {  	s8 =	sadd.s32 $0x2E00, s0;
	_ =	strace $0x8000004D;
	s7 =	smul.u32 $0x2800, s6  }
0xa: {  	s4 =	sadd.s32 $0x16E00, s0;
	s20 =	sshrl.u32 s9, $0x1;
	s6 =	smul.u32 $0xA00, s6  }
0xb: {  	s24 =	sshrl.u32 s10, $0x2;
	s25 =	sadd.s32 s11, s5;
	s0 =	sadd.s32 s7, s0  }
0xc: {  	s7 =	ssub.s32 s9, s20;
	s21 =	sadd.s32 s8, s6;
	s22 =	sadd.s32 s2, s6  }
0xd: {  	s6 =	sor.u32 $0x100, s6;
	s9 =	sadd.s32 s24, s1;
	[dreg:$0x4] =	wrdreg s21  }
0xe: {  	s24 =	simm.s32 $0x4;
	[dreg:$0x5] =	wrdreg s22;
	s23 =	sadd.s32 s8, s6  }
0xf: {  	s6 =	sadd.s32 s2, s6;
	s0 =	sadd.s32 $0xB7800, s0;
	[dreg:$0x6] =	wrdreg s23  }
0x10: {  	s26 =	smax.u32 s7, $0x1;
	s31 =	sadd.s32 $0x4000, s9;
	[dreg:$0x7] =	wrdreg s6  }
0x11: {  	s13 =	sadd.s32 $0x8000, s9;
	s14 =	sadd.s32 $0xC000, s9;
	[dreg:$0x8] =	wrdreg s0  }
0x12: {  	s15 =	sadd.s32 $0x10000, s9;
	s21 =	simm.s32 $0x2000;
	[dreg:$0x9] =	wrdreg s26  }
0x13: {  	s22 =	simm.s32 $0x2;
	[dreg:$0xa] =	wrdreg s31;
	s0 =	sadd.s32 $0x1000, s25  }
0x14: {  	s23 =	simm.s32 $0x3;
	s25 =	simm.s32 $0x80;
	s0 =	sshrl.u32 s0, $0x3  }
0x15: {  	v0 =	vimm.f32 $0.0e+00;
	s26 =	simm.s32 $0x6000;
	s6 =	sadd.s32 s0, s2;
	s17 =	sadd.s32 s0, s8  }
.LBB2_1:
0x16: {  	s0 =	rddreg [dreg:$0x4]  }
0x17: {  	s16 =	rddreg [dreg:$0x5]  }
0x18: {  	[tilespmem:s3], [sflag:$0x3] =	stream.linear.gather [hbm4b:s0+s3], $0x800, $0x38;
	[tilespmem:$0x1E000] =	vst v63  }
0x19: {  	s2 =	simm.s32 $0x1000;
	s18 =	rddreg [dreg:$0x6]  }
0x1a: {  	[tilespmem:s2], [sflag:$0x4] =	stream.linear.gather [hbm4b:s16+s3], $0x800, $0x38;
	[tilespmem:$0x1E000] =	vst v63  }
0x1b: {  	s19 =	simm.s32 $0x800;
	s20 =	rddreg [dreg:$0x7]  }
0x1c: {  	[tilespmem:s19], [sflag:$0x3] =	stream.linear.gather [hbm4b:s18+s3], $0x800, $0x38;
	[tilespmem:$0x1E000] =	vst v63  }
0x1d: {  	s31 =	simm.s32 $0x1800;
	s0 =	simm.s32 $0x0;
	s2 =	simm.s32 $0x200  }
0x1e: {  	[tilespmem:s31], [sflag:$0x4] =	stream.linear.gather [hbm4b:s20+s3], $0x800, $0x38;
	[tilespmem:$0x1E000] =	vst v63  }
.LBB2_2:
0x1f: {  	p0 =	sne.s32 s2, $0xFE00;
	[tilespmem:s0+$0x2070] =	vst v0  }
0x20: {  	[tilespmem:s0+$0x2000] =	vst v0  }
0x21: {  	[tilespmem:s0+$0x2010] =	vst v0  }
.Ltmp0:
0x22: {  	[tilespmem:s0+$0x2020] =	vst v0;
	(pc) =	sbr.rel @p0 .LBB2_2-.Ltmp0, $4  }
0x23: {  	[tilespmem:s0+$0x2030] =	vst v0  }
0x24: {  	[tilespmem:s0+$0x2040] =	vst v0  }
0x25: {  	[tilespmem:s0+$0x2050] =	vst v0  }
0x26: {  	[tilespmem:s0+$0x2060] =	vst v0;
	s0 =	sshra.s32 s2, $0x2;
	s2 =	sadd.s32 $0x200, s2  }
0x27: {  	[tilespmem:s0+$0x2070] =	vst v0  }
0x28: {  	[tilespmem:s0+$0x2000] =	vst v0  }
0x29: {  	[tilespmem:s0+$0x2010] =	vst v0  }
0x2a: {  	[tilespmem:s0+$0x2020] =	vst v0  }
0x2b: {  	[tilespmem:s0+$0x2030] =	vst v0  }
0x2c: {  	[tilespmem:s0+$0x2040] =	vst v0  }
0x2d: {  	[tilespmem:s0+$0x2050] =	vst v0  }
0x2e: {  	[tilespmem:s0+$0x2060] =	vst v0  }
0x2f: {  	[spmem:s9] =	stream.linear.scatter [tilespmem:s21], [sflag:$0x2], $0x4000, $0x38;
	[tilespmem:$0x1E000] =	vst v63  }
0x30: {  	s16 =	rddreg [dreg:$0xa]  }
0x31: {  	[spmem:s16] =	stream.linear.scatter [tilespmem:s21], [sflag:$0x2], $0x4000, $0x38;
	[tilespmem:$0x1E000] =	vst v63  }
0x32: {  	_ = 	snop  }
0x33: {  	[spmem:s13] =	stream.linear.scatter [tilespmem:s21], [sflag:$0x2], $0x4000, $0x38;
	[tilespmem:$0x1E000] =	vst v63  }
0x34: {  	_ = 	snop  }
0x35: {  	[spmem:s14] =	stream.linear.scatter [tilespmem:s21], [sflag:$0x2], $0x4000, $0x38;
	[tilespmem:$0x1E000] =	vst v63  }
0x36: {  	_ = 	snop  }
0x37: {  	[spmem:s15] =	stream.linear.scatter [tilespmem:s21], [sflag:$0x2], $0x4000, $0x38;
	[tilespmem:$0x1E000] =	vst v63  }
0x38: {  	_ =	swait.ge [sflag:s22], $0x4000  }
0x39: {  	[sflag:s22] =	ssyncset.done $0x0  }
0x3a: {  	[sflag:s22] =	ssyncadd.s32 $0xFFFFC000  }
0x3b: {  	_ =	swait.ge [sflag:s22], $0x4000  }
0x3c: {  	[sflag:s22] =	ssyncset.done $0x0  }
0x3d: {  	[sflag:s22] =	ssyncadd.s32 $0xFFFFC000  }
0x3e: {  	_ =	swait.ge [sflag:s22], $0x4000  }
0x3f: {  	[sflag:s22] =	ssyncset.done $0x0  }
0x40: {  	[sflag:s22] =	ssyncadd.s32 $0xFFFFC000  }
0x41: {  	_ =	swait.ge [sflag:s22], $0x4000  }
0x42: {  	[sflag:s22] =	ssyncset.done $0x0  }
0x43: {  	[sflag:s22] =	ssyncadd.s32 $0xFFFFC000  }
0x44: {  	_ =	swait.ge [sflag:s22], $0x4000  }
0x45: {  	[sflag:s22] =	ssyncset.done $0x0  }
0x46: {  	[sflag:s22] =	ssyncadd.s32 $0xFFFFC000  }
0x47: {  	[bflag:$0x0] =	sbarrier.arrive $0xFFFF  }
0x48: {  	_ =	swait.ge [sflag:s23], $0x800  }
0x49: {  	[sflag:s23] =	ssyncset.done $0x0  }
0x4a: {  	[sflag:s23] =	ssyncadd.s32 $0xFFFFF800  }
0x4b: {  	_ =	swait.ge [sflag:s24], $0x800  }
0x4c: {  	s5 =	simm.s32 $0x0;
	[sflag:s24] =	ssyncset.done $0x0  }
0x4d: {  	s0 =	sand.u32 $0x800, s5;
	[sflag:s24] =	ssyncadd.s32 $0xFFFFF800  }
0x4e: {  	[tilespmem:s21], [sflag:$0x1] =	stream.indirect.gather [hbm4b:s4+s25], $0x80, s5, s25, $0xb8;
	[tilespmem:$0x1E000] =	vst v63  }
0x4f: {  	s2 =	sor.u32 $0x80, s0  }
0x50: {  	[tilespmem:s26], [sflag:$0x2] =	stream.indirect.gather [hbm4b:s4+s25], $0x80, s2, s25, $0xb8;
	[tilespmem:$0x1E000] =	vst v63  }
0x51: {  	_ =	swait.ge [sflag:s28], $0x4000  }
0x52: {  	[sflag:s28] =	ssyncset.done $0x0  }
0x53: {  	s2 =	sor.u32 $0x1000, s0;
	[sflag:s28] =	ssyncadd.s32 $0xFFFFC000  }
0x54: {  	[spmem:s1] =	stream.indirect.scatter.add.f32 [tilespmem:s21], [sflag:$0x5], $0x80, s2, s25, $0xb8;
	[tilespmem:$0x1E000] =	vst v63  }
0x55: {  	_ =	swait.ge [sflag:s29], $0x4000  }
0x56: {  	[sflag:s29] =	ssyncset.done $0x0  }
0x57: {  	s7 =	sor.u32 $0x100, s0;
	[sflag:s29] =	ssyncadd.s32 $0xFFFFC000  }
0x58: {  	[tilespmem:s21], [sflag:$0x1] =	stream.indirect.gather [hbm4b:s4+s25], $0x80, s7, s25, $0xb8;
	[tilespmem:$0x1E000] =	vst v63  }
0x59: {  	_ =	swait.ge [sflag:s22], $0x4000  }
0x5a: {  	[sflag:s22] =	ssyncset.done $0x0  }
0x5b: {  	s18 =	sor.u32 $0x1080, s0;
	[sflag:s22] =	ssyncadd.s32 $0xFFFFC000  }
0x5c: {  	[spmem:s1] =	stream.indirect.scatter.add.f32 [tilespmem:s26], [sflag:$0x5], $0x80, s18, s25, $0xb8;
	[tilespmem:$0x1E000] =	vst v63  }
0x5d: {  	_ =	swait.ge [sflag:s29], $0x4000  }
0x5e: {  	[sflag:s29] =	ssyncset.done $0x0  }
0x5f: {  	s19 =	sor.u32 $0x180, s0;
	[sflag:s29] =	ssyncadd.s32 $0xFFFFC000  }
0x60: {  	[tilespmem:s26], [sflag:$0x2] =	stream.indirect.gather [hbm4b:s4+s25], $0x80, s19, s25, $0xb8;
	[tilespmem:$0x1E000] =	vst v63  }
0x61: {  	_ =	swait.ge [sflag:s28], $0x4000  }
0x62: {  	[sflag:s28] =	ssyncset.done $0x0  }
0x63: {  	s20 =	sor.u32 $0x1100, s0;
	[sflag:s28] =	ssyncadd.s32 $0xFFFFC000  }
0x64: {  	[spmem:s1] =	stream.indirect.scatter.add.f32 [tilespmem:s21], [sflag:$0x5], $0x80, s20, s25, $0xb8;
	[tilespmem:$0x1E000] =	vst v63  }
0x65: {  	_ =	swait.ge [sflag:s29], $0x4000  }
0x66: {  	[sflag:s29] =	ssyncset.done $0x0  }
0x67: {  	s8 =	sor.u32 $0x200, s0;
	[sflag:s29] =	ssyncadd.s32 $0xFFFFC000  }
0x68: {  	[tilespmem:s21], [sflag:$0x1] =	stream.indirect.gather [hbm4b:s4+s25], $0x80, s8, s25, $0xb8;
	[tilespmem:$0x1E000] =	vst v63  }
0x69: {  	_ =	swait.ge [sflag:s22], $0x4000  }
0x6a: {  	[sflag:s22] =	ssyncset.done $0x0  }
0x6b: {  	s10 =	sor.u32 $0x1180, s0;
	[sflag:s22] =	ssyncadd.s32 $0xFFFFC000  }
0x6c: {  	[spmem:s1] =	stream.indirect.scatter.add.f32 [tilespmem:s26], [sflag:$0x5], $0x80, s10, s25, $0xb8;
	[tilespmem:$0x1E000] =	vst v63  }
0x6d: {  	_ =	swait.ge [sflag:s29], $0x4000  }
0x6e: {  	[sflag:s29] =	ssyncset.done $0x0  }
0x6f: {  	s11 =	sor.u32 $0x280, s0;
	[sflag:s29] =	ssyncadd.s32 $0xFFFFC000  }
0x70: {  	[tilespmem:s26], [sflag:$0x2] =	stream.indirect.gather [hbm4b:s4+s25], $0x80, s11, s25, $0xb8;
	[tilespmem:$0x1E000] =	vst v63  }
0x71: {  	_ =	swait.ge [sflag:s28], $0x4000  }
0x72: {  	[sflag:s28] =	ssyncset.done $0x0  }
0x73: {  	s12 =	sor.u32 $0x1200, s0;
	[sflag:s28] =	ssyncadd.s32 $0xFFFFC000  }
0x74: {  	[spmem:s1] =	stream.indirect.scatter.add.f32 [tilespmem:s21], [sflag:$0x5], $0x80, s12, s25, $0xb8;
	[tilespmem:$0x1E000] =	vst v63  }
0x75: {  	_ =	swait.ge [sflag:s29], $0x4000  }
0x76: {  	[sflag:s29] =	ssyncset.done $0x0  }
0x77: {  	s16 =	sor.u32 $0x300, s0;
	[sflag:s29] =	ssyncadd.s32 $0xFFFFC000  }
0x78: {  	[tilespmem:s21], [sflag:$0x1] =	stream.indirect.gather [hbm4b:s4+s25], $0x80, s16, s25, $0xb8;
	[tilespmem:$0x1E000] =	vst v63  }
0x79: {  	_ =	swait.ge [sflag:s22], $0x4000  }
0x7a: {  	[sflag:s22] =	ssyncset.done $0x0  }
0x7b: {  	s18 =	sor.u32 $0x1280, s0;
	[sflag:s22] =	ssyncadd.s32 $0xFFFFC000  }
0x7c: {  	[spmem:s1] =	stream.indirect.scatter.add.f32 [tilespmem:s26], [sflag:$0x5], $0x80, s18, s25, $0xb8;
	[tilespmem:$0x1E000] =	vst v63  }
0x7d: {  	_ =	swait.ge [sflag:s29], $0x4000  }
0x7e: {  	[sflag:s29] =	ssyncset.done $0x0  }
0x7f: {  	s19 =	sor.u32 $0x380, s0;
	[sflag:s29] =	ssyncadd.s32 $0xFFFFC000  }
0x80: {  	[tilespmem:s26], [sflag:$0x2] =	stream.indirect.gather [hbm4b:s4+s25], $0x80, s19, s25, $0xb8;
	[tilespmem:$0x1E000] =	vst v63  }
0x81: {  	_ =	swait.ge [sflag:s28], $0x4000  }
0x82: {  	[sflag:s28] =	ssyncset.done $0x0  }
0x83: {  	s20 =	sor.u32 $0x1300, s0;
	[sflag:s28] =	ssyncadd.s32 $0xFFFFC000  }
0x84: {  	[spmem:s1] =	stream.indirect.scatter.add.f32 [tilespmem:s21], [sflag:$0x5], $0x80, s20, s25, $0xb8;
	[tilespmem:$0x1E000] =	vst v63  }
0x85: {  	_ =	swait.ge [sflag:s29], $0x4000  }
0x86: {  	[sflag:s29] =	ssyncset.done $0x0  }
0x87: {  	s8 =	sor.u32 $0x400, s0;
	[sflag:s29] =	ssyncadd.s32 $0xFFFFC000  }
0x88: {  	[tilespmem:s21], [sflag:$0x1] =	stream.indirect.gather [hbm4b:s4+s25], $0x80, s8, s25, $0xb8;
	[tilespmem:$0x1E000] =	vst v63  }
0x89: {  	_ =	swait.ge [sflag:s22], $0x4000  }
0x8a: {  	[sflag:s22] =	ssyncset.done $0x0  }
0x8b: {  	s10 =	sor.u32 $0x1380, s0;
	[sflag:s22] =	ssyncadd.s32 $0xFFFFC000  }
0x8c: {  	[spmem:s1] =	stream.indirect.scatter.add.f32 [tilespmem:s26], [sflag:$0x5], $0x80, s10, s25, $0xb8;
	[tilespmem:$0x1E000] =	vst v63  }
0x8d: {  	_ =	swait.ge [sflag:s29], $0x4000  }
0x8e: {  	[sflag:s29] =	ssyncset.done $0x0  }
0x8f: {  	s11 =	sor.u32 $0x480, s0;
	[sflag:s29] =	ssyncadd.s32 $0xFFFFC000  }
0x90: {  	[tilespmem:s26], [sflag:$0x2] =	stream.indirect.gather [hbm4b:s4+s25], $0x80, s11, s25, $0xb8;
	[tilespmem:$0x1E000] =	vst v63  }
0x91: {  	_ =	swait.ge [sflag:s28], $0x4000  }
0x92: {  	[sflag:s28] =	ssyncset.done $0x0  }
0x93: {  	s12 =	sor.u32 $0x1400, s0;
	[sflag:s28] =	ssyncadd.s32 $0xFFFFC000  }
0x94: {  	[spmem:s1] =	stream.indirect.scatter.add.f32 [tilespmem:s21], [sflag:$0x5], $0x80, s12, s25, $0xb8;
	[tilespmem:$0x1E000] =	vst v63  }
0x95: {  	_ =	swait.ge [sflag:s29], $0x4000  }
0x96: {  	[sflag:s29] =	ssyncset.done $0x0  }
0x97: {  	s16 =	sor.u32 $0x500, s0;
	[sflag:s29] =	ssyncadd.s32 $0xFFFFC000  }
0x98: {  	[tilespmem:s21], [sflag:$0x1] =	stream.indirect.gather [hbm4b:s4+s25], $0x80, s16, s25, $0xb8;
	[tilespmem:$0x1E000] =	vst v63  }
0x99: {  	_ =	swait.ge [sflag:s22], $0x4000  }
0x9a: {  	[sflag:s22] =	ssyncset.done $0x0  }
0x9b: {  	s18 =	sor.u32 $0x1480, s0;
	[sflag:s22] =	ssyncadd.s32 $0xFFFFC000  }
0x9c: {  	[spmem:s1] =	stream.indirect.scatter.add.f32 [tilespmem:s26], [sflag:$0x5], $0x80, s18, s25, $0xb8;
	[tilespmem:$0x1E000] =	vst v63  }
0x9d: {  	_ =	swait.ge [sflag:s29], $0x4000  }
0x9e: {  	[sflag:s29] =	ssyncset.done $0x0  }
0x9f: {  	s19 =	sor.u32 $0x580, s0;
	[sflag:s29] =	ssyncadd.s32 $0xFFFFC000  }
0xa0: {  	[tilespmem:s26], [sflag:$0x2] =	stream.indirect.gather [hbm4b:s4+s25], $0x80, s19, s25, $0xb8;
	[tilespmem:$0x1E000] =	vst v63  }
0xa1: {  	_ =	swait.ge [sflag:s28], $0x4000  }
0xa2: {  	[sflag:s28] =	ssyncset.done $0x0  }
0xa3: {  	s20 =	sor.u32 $0x1500, s0;
	[sflag:s28] =	ssyncadd.s32 $0xFFFFC000  }
0xa4: {  	[spmem:s1] =	stream.indirect.scatter.add.f32 [tilespmem:s21], [sflag:$0x5], $0x80, s20, s25, $0xb8;
	[tilespmem:$0x1E000] =	vst v63  }
0xa5: {  	_ =	swait.ge [sflag:s29], $0x4000  }
0xa6: {  	[sflag:s29] =	ssyncset.done $0x0  }
0xa7: {  	s8 =	sor.u32 $0x600, s0;
	[sflag:s29] =	ssyncadd.s32 $0xFFFFC000  }
0xa8: {  	[tilespmem:s21], [sflag:$0x1] =	stream.indirect.gather [hbm4b:s4+s25], $0x80, s8, s25, $0xb8;
	[tilespmem:$0x1E000] =	vst v63  }
0xa9: {  	_ =	swait.ge [sflag:s22], $0x4000  }
0xaa: {  	[sflag:s22] =	ssyncset.done $0x0  }
0xab: {  	s10 =	sor.u32 $0x1580, s0;
	[sflag:s22] =	ssyncadd.s32 $0xFFFFC000  }
0xac: {  	[spmem:s1] =	stream.indirect.scatter.add.f32 [tilespmem:s26], [sflag:$0x5], $0x80, s10, s25, $0xb8;
	[tilespmem:$0x1E000] =	vst v63  }
0xad: {  	_ =	swait.ge [sflag:s29], $0x4000  }
0xae: {  	[sflag:s29] =	ssyncset.done $0x0  }
0xaf: {  	s11 =	sor.u32 $0x680, s0;
	[sflag:s29] =	ssyncadd.s32 $0xFFFFC000  }
0xb0: {  	[tilespmem:s26], [sflag:$0x2] =	stream.indirect.gather [hbm4b:s4+s25], $0x80, s11, s25, $0xb8;
	[tilespmem:$0x1E000] =	vst v63  }
0xb1: {  	_ =	swait.ge [sflag:s28], $0x4000  }
0xb2: {  	[sflag:s28] =	ssyncset.done $0x0  }
0xb3: {  	s12 =	sor.u32 $0x1600, s0;
	[sflag:s28] =	ssyncadd.s32 $0xFFFFC000  }
0xb4: {  	[spmem:s1] =	stream.indirect.scatter.add.f32 [tilespmem:s21], [sflag:$0x5], $0x80, s12, s25, $0xb8;
	[tilespmem:$0x1E000] =	vst v63  }
0xb5: {  	_ =	swait.ge [sflag:s29], $0x4000  }
0xb6: {  	[sflag:s29] =	ssyncset.done $0x0  }
0xb7: {  	s16 =	sor.u32 $0x700, s0;
	[sflag:s29] =	ssyncadd.s32 $0xFFFFC000  }
0xb8: {  	[tilespmem:s21], [sflag:$0x1] =	stream.indirect.gather [hbm4b:s4+s25], $0x80, s16, s25, $0xb8;
	[tilespmem:$0x1E000] =	vst v63  }
0xb9: {  	_ =	swait.ge [sflag:s22], $0x4000  }
0xba: {  	[sflag:s22] =	ssyncset.done $0x0  }
0xbb: {  	s18 =	sor.u32 $0x1680, s0;
	[sflag:s22] =	ssyncadd.s32 $0xFFFFC000  }
0xbc: {  	[spmem:s1] =	stream.indirect.scatter.add.f32 [tilespmem:s26], [sflag:$0x5], $0x80, s18, s25, $0xb8;
	[tilespmem:$0x1E000] =	vst v63  }
0xbd: {  	_ =	swait.ge [sflag:s29], $0x4000  }
0xbe: {  	p0 =	por $0x0, $0x0;
	[sflag:s29] =	ssyncset.done $0x0  }
0xbf: {  	s7 =	simm.s32 @!p0 $0x3;
	[sflag:s29] =	ssyncadd.s32 $0xFFFFC000  }
0xc0: {  	_ =	swait.ge @!p0 [sflag:s7], $0x800  }
0xc1: {  	[sflag:s7] =	ssyncset.done @!p0 $0x0  }
0xc2: {  	[sflag:s7] =	ssyncadd.s32 @!p0 $0xFFFFF800;
	s7 =	simm.s32 @!p0 $0x4  }
0xc3: {  	_ =	swait.ge @!p0 [sflag:s7], $0x800  }
0xc4: {  	[sflag:s7] =	ssyncset.done @!p0 $0x0  }
0xc5: {  	s19 =	sor.u32 $0x780, s0;
	[sflag:s7] =	ssyncadd.s32 @!p0 $0xFFFFF800  }
0xc6: {  	[tilespmem:s26], [sflag:$0x2] =	stream.indirect.gather [hbm4b:s4+s25], $0x80, s19, s25, $0xb8;
	[tilespmem:$0x1E000] =	vst v63  }
0xc7: {  	_ =	swait.ge [sflag:s28], $0x4000  }
0xc8: {  	[sflag:s28] =	ssyncset.done $0x0  }
0xc9: {  	s8 =	sadd.s32 $0x1700, s0;
	[sflag:s28] =	ssyncadd.s32 $0xFFFFC000  }
0xca: {  	[spmem:s1] =	stream.indirect.scatter.add.f32 [tilespmem:s21], [sflag:$0x5], $0x80, s8, s25, $0xb8;
	[tilespmem:$0x1E000] =	vst v63  }
0xcb: {  	s5 =	sxor.u32 @!p0 $0xFFFFFFFF, s5;
	_ =	swait.ge [sflag:s29], $0x4000  }
0xcc: {  	s5 =	sand.u32 @!p0 $0x800, s5;
	[sflag:s29] =	ssyncset.done $0x0  }
0xcd: {  	s16 =	simm.s32 @!p0 $0x2000;
	s8 =	simm.s32 @!p0 $0x80;
	[sflag:s29] =	ssyncadd.s32 $0xFFFFC000  }
0xce: {  	[tilespmem:s16], [sflag:$0x1] =	stream.indirect.gather @!p0 [hbm4b:s4+s8], $0x80, s5, s8, $0xb8;
	[tilespmem:$0x1E000] =	vst v63  }
0xcf: {  	_ =	swait.ge [sflag:s22], $0x4000  }
0xd0: {  	[sflag:s22] =	ssyncset.done $0x0  }
0xd1: {  	s20 =	sor.u32 $0x1000, s19;
	[sflag:s22] =	ssyncadd.s32 $0xFFFFC000  }
0xd2: {  	[spmem:s1] =	stream.indirect.scatter.add.f32 [tilespmem:s26], [sflag:$0x5], $0x80, s20, s25, $0xb8;
	[tilespmem:$0x1E000] =	vst v63  }
0xd3: {  	p1 =	por $0x0, $0x0;
	s31 =	sadd.s32 $0x100, s6;
	_ =	swait.ge [sflag:s29], $0x4000  }
0xd4: {  	s19 =	simm.s32 $0x1;
	s8 =	simm.s32 @!p1 $0x0;
	[sflag:s29] =	ssyncset.done $0x0  }
0xd5: {  	s5 =	simm.s32 $0x1000;
	s20 =	simm.s32 $0x800;
	[sflag:s29] =	ssyncadd.s32 $0xFFFFC000  }
0xd6: {  	[tilespmem:s0], [sflag:$0x3] =	stream.linear.gather @!p1 [hbm4b:s17+s8], $0x800, $0x38;
	[tilespmem:$0x1E000] =	vst v63  }
0xd7: {  	s16 =	smov.u32 s6;
	s18 =	sand.u32 $0x800, s20;
	s0 =	sadd.s32 $0x100, s17  }
.LBB2_4:
0xd8: {  	[tilespmem:s2], [sflag:$0x4] =	stream.linear.gather @!p1 [hbm4b:s16+s8], $0x800, $0x38;
	[tilespmem:$0x1E000] =	vst v63  }
0xd9: {  	s7 =	smov.u32 s18;
	s8 =	smov.u32 s5;
	s16 =	smov.u32 s31  }
0xda: {  	s5 =	sadd.s32 $0x800, s5;
	s18 =	sand.u32 $0x800, s8;
	s2 =	sor.u32 $0x80, s7  }
0xdb: {  	[tilespmem:s26], [sflag:$0x2] =	stream.indirect.gather [hbm4b:s4+s25], $0x80, s2, s25, $0xb8;
	[tilespmem:$0x1E000] =	vst v63  }
0xdc: {  	p0 =	sne.s32 s5, $0x5000;
	_ =	swait.ge [sflag:s28], $0x4000  }
0xdd: {  	[sflag:s28] =	ssyncset.done $0x0  }
0xde: {  	s2 =	sor.u32 $0x1000, s7;
	[sflag:s28] =	ssyncadd.s32 $0xFFFFC000  }
0xdf: {  	[spmem:s1] =	stream.indirect.scatter.add.f32 [tilespmem:s21], [sflag:$0x5], $0x80, s2, s25, $0xb8;
	[tilespmem:$0x1E000] =	vst v63  }
0xe0: {  	_ =	swait.ge [sflag:s29], $0x4000  }
0xe1: {  	[sflag:s29] =	ssyncset.done $0x0  }
0xe2: {  	s10 =	sor.u32 $0x100, s7;
	[sflag:s29] =	ssyncadd.s32 $0xFFFFC000  }
0xe3: {  	[tilespmem:s21], [sflag:$0x1] =	stream.indirect.gather [hbm4b:s4+s25], $0x80, s10, s25, $0xb8;
	[tilespmem:$0x1E000] =	vst v63  }
0xe4: {  	_ =	swait.ge [sflag:s22], $0x4000  }
0xe5: {  	[sflag:s22] =	ssyncset.done $0x0  }
0xe6: {  	s10 =	sor.u32 $0x1080, s7;
	[sflag:s22] =	ssyncadd.s32 $0xFFFFC000  }
0xe7: {  	[spmem:s1] =	stream.indirect.scatter.add.f32 [tilespmem:s26], [sflag:$0x5], $0x80, s10, s25, $0xb8;
	[tilespmem:$0x1E000] =	vst v63  }
0xe8: {  	_ =	swait.ge [sflag:s29], $0x4000  }
0xe9: {  	[sflag:s29] =	ssyncset.done $0x0  }
0xea: {  	s10 =	sor.u32 $0x180, s7;
	[sflag:s29] =	ssyncadd.s32 $0xFFFFC000  }
0xeb: {  	[tilespmem:s26], [sflag:$0x2] =	stream.indirect.gather [hbm4b:s4+s25], $0x80, s10, s25, $0xb8;
	[tilespmem:$0x1E000] =	vst v63  }
0xec: {  	_ =	swait.ge [sflag:s28], $0x4000  }
0xed: {  	[sflag:s28] =	ssyncset.done $0x0  }
0xee: {  	s10 =	sor.u32 $0x1100, s7;
	[sflag:s28] =	ssyncadd.s32 $0xFFFFC000  }
0xef: {  	[spmem:s1] =	stream.indirect.scatter.add.f32 [tilespmem:s21], [sflag:$0x5], $0x80, s10, s25, $0xb8;
	[tilespmem:$0x1E000] =	vst v63  }
0xf0: {  	_ =	swait.ge [sflag:s29], $0x4000  }
0xf1: {  	[sflag:s29] =	ssyncset.done $0x0  }
0xf2: {  	s10 =	sor.u32 $0x200, s7;
	[sflag:s29] =	ssyncadd.s32 $0xFFFFC000  }
0xf3: {  	[tilespmem:s21], [sflag:$0x1] =	stream.indirect.gather [hbm4b:s4+s25], $0x80, s10, s25, $0xb8;
	[tilespmem:$0x1E000] =	vst v63  }
0xf4: {  	_ =	swait.ge [sflag:s22], $0x4000  }
0xf5: {  	[sflag:s22] =	ssyncset.done $0x0  }
0xf6: {  	s10 =	sor.u32 $0x1180, s7;
	[sflag:s22] =	ssyncadd.s32 $0xFFFFC000  }
0xf7: {  	[spmem:s1] =	stream.indirect.scatter.add.f32 [tilespmem:s26], [sflag:$0x5], $0x80, s10, s25, $0xb8;
	[tilespmem:$0x1E000] =	vst v63  }
0xf8: {  	_ =	swait.ge [sflag:s29], $0x4000  }
0xf9: {  	[sflag:s29] =	ssyncset.done $0x0  }
0xfa: {  	s10 =	sor.u32 $0x280, s7;
	[sflag:s29] =	ssyncadd.s32 $0xFFFFC000  }
0xfb: {  	[tilespmem:s26], [sflag:$0x2] =	stream.indirect.gather [hbm4b:s4+s25], $0x80, s10, s25, $0xb8;
	[tilespmem:$0x1E000] =	vst v63  }
0xfc: {  	_ =	swait.ge [sflag:s28], $0x4000  }
0xfd: {  	[sflag:s28] =	ssyncset.done $0x0  }
0xfe: {  	s10 =	sor.u32 $0x1200, s7;
	[sflag:s28] =	ssyncadd.s32 $0xFFFFC000  }
0xff: {  	[spmem:s1] =	stream.indirect.scatter.add.f32 [tilespmem:s21], [sflag:$0x5], $0x80, s10, s25, $0xb8;
	[tilespmem:$0x1E000] =	vst v63  }
0x100: {  	_ =	swait.ge [sflag:s29], $0x4000  }
0x101: {  	[sflag:s29] =	ssyncset.done $0x0  }
0x102: {  	s10 =	sor.u32 $0x300, s7;
	[sflag:s29] =	ssyncadd.s32 $0xFFFFC000  }
0x103: {  	[tilespmem:s21], [sflag:$0x1] =	stream.indirect.gather [hbm4b:s4+s25], $0x80, s10, s25, $0xb8;
	[tilespmem:$0x1E000] =	vst v63  }
0x104: {  	_ =	swait.ge [sflag:s22], $0x4000  }
0x105: {  	[sflag:s22] =	ssyncset.done $0x0  }
0x106: {  	s10 =	sor.u32 $0x1280, s7;
	[sflag:s22] =	ssyncadd.s32 $0xFFFFC000  }
0x107: {  	[spmem:s1] =	stream.indirect.scatter.add.f32 [tilespmem:s26], [sflag:$0x5], $0x80, s10, s25, $0xb8;
	[tilespmem:$0x1E000] =	vst v63  }
0x108: {  	_ =	swait.ge [sflag:s29], $0x4000  }
0x109: {  	[sflag:s29] =	ssyncset.done $0x0  }
0x10a: {  	s10 =	sor.u32 $0x380, s7;
	[sflag:s29] =	ssyncadd.s32 $0xFFFFC000  }
0x10b: {  	[tilespmem:s26], [sflag:$0x2] =	stream.indirect.gather [hbm4b:s4+s25], $0x80, s10, s25, $0xb8;
	[tilespmem:$0x1E000] =	vst v63  }
0x10c: {  	_ =	swait.ge [sflag:s28], $0x4000  }
0x10d: {  	[sflag:s28] =	ssyncset.done $0x0  }
0x10e: {  	s10 =	sor.u32 $0x1300, s7;
	[sflag:s28] =	ssyncadd.s32 $0xFFFFC000  }
0x10f: {  	[spmem:s1] =	stream.indirect.scatter.add.f32 [tilespmem:s21], [sflag:$0x5], $0x80, s10, s25, $0xb8;
	[tilespmem:$0x1E000] =	vst v63  }
0x110: {  	_ =	swait.ge [sflag:s29], $0x4000  }
0x111: {  	[sflag:s29] =	ssyncset.done $0x0  }
0x112: {  	s10 =	sor.u32 $0x400, s7;
	[sflag:s29] =	ssyncadd.s32 $0xFFFFC000  }
0x113: {  	[tilespmem:s21], [sflag:$0x1] =	stream.indirect.gather [hbm4b:s4+s25], $0x80, s10, s25, $0xb8;
	[tilespmem:$0x1E000] =	vst v63  }
0x114: {  	_ =	swait.ge [sflag:s22], $0x4000  }
0x115: {  	[sflag:s22] =	ssyncset.done $0x0  }
0x116: {  	s10 =	sor.u32 $0x1380, s7;
	[sflag:s22] =	ssyncadd.s32 $0xFFFFC000  }
0x117: {  	[spmem:s1] =	stream.indirect.scatter.add.f32 [tilespmem:s26], [sflag:$0x5], $0x80, s10, s25, $0xb8;
	[tilespmem:$0x1E000] =	vst v63  }
0x118: {  	_ =	swait.ge [sflag:s29], $0x4000  }
0x119: {  	[sflag:s29] =	ssyncset.done $0x0  }
0x11a: {  	s10 =	sor.u32 $0x480, s7;
	[sflag:s29] =	ssyncadd.s32 $0xFFFFC000  }
0x11b: {  	[tilespmem:s26], [sflag:$0x2] =	stream.indirect.gather [hbm4b:s4+s25], $0x80, s10, s25, $0xb8;
	[tilespmem:$0x1E000] =	vst v63  }
0x11c: {  	_ =	swait.ge [sflag:s28], $0x4000  }
0x11d: {  	[sflag:s28] =	ssyncset.done $0x0  }
0x11e: {  	s10 =	sor.u32 $0x1400, s7;
	[sflag:s28] =	ssyncadd.s32 $0xFFFFC000  }
0x11f: {  	[spmem:s1] =	stream.indirect.scatter.add.f32 [tilespmem:s21], [sflag:$0x5], $0x80, s10, s25, $0xb8;
	[tilespmem:$0x1E000] =	vst v63  }
0x120: {  	_ =	swait.ge [sflag:s29], $0x4000  }
0x121: {  	[sflag:s29] =	ssyncset.done $0x0  }
0x122: {  	s10 =	sor.u32 $0x500, s7;
	[sflag:s29] =	ssyncadd.s32 $0xFFFFC000  }
0x123: {  	[tilespmem:s21], [sflag:$0x1] =	stream.indirect.gather [hbm4b:s4+s25], $0x80, s10, s25, $0xb8;
	[tilespmem:$0x1E000] =	vst v63  }
0x124: {  	_ =	swait.ge [sflag:s22], $0x4000  }
0x125: {  	[sflag:s22] =	ssyncset.done $0x0  }
0x126: {  	s10 =	sor.u32 $0x1480, s7;
	[sflag:s22] =	ssyncadd.s32 $0xFFFFC000  }
0x127: {  	[spmem:s1] =	stream.indirect.scatter.add.f32 [tilespmem:s26], [sflag:$0x5], $0x80, s10, s25, $0xb8;
	[tilespmem:$0x1E000] =	vst v63  }
0x128: {  	_ =	swait.ge [sflag:s29], $0x4000  }
0x129: {  	[sflag:s29] =	ssyncset.done $0x0  }
0x12a: {  	s10 =	sor.u32 $0x580, s7;
	[sflag:s29] =	ssyncadd.s32 $0xFFFFC000  }
0x12b: {  	[tilespmem:s26], [sflag:$0x2] =	stream.indirect.gather [hbm4b:s4+s25], $0x80, s10, s25, $0xb8;
	[tilespmem:$0x1E000] =	vst v63  }
0x12c: {  	_ =	swait.ge [sflag:s28], $0x4000  }
0x12d: {  	[sflag:s28] =	ssyncset.done $0x0  }
0x12e: {  	s10 =	sor.u32 $0x1500, s7;
	[sflag:s28] =	ssyncadd.s32 $0xFFFFC000  }
0x12f: {  	[spmem:s1] =	stream.indirect.scatter.add.f32 [tilespmem:s21], [sflag:$0x5], $0x80, s10, s25, $0xb8;
	[tilespmem:$0x1E000] =	vst v63  }
0x130: {  	_ =	swait.ge [sflag:s29], $0x4000  }
0x131: {  	[sflag:s29] =	ssyncset.done $0x0  }
0x132: {  	s10 =	sor.u32 $0x600, s7;
	[sflag:s29] =	ssyncadd.s32 $0xFFFFC000  }
0x133: {  	[tilespmem:s21], [sflag:$0x1] =	stream.indirect.gather [hbm4b:s4+s25], $0x80, s10, s25, $0xb8;
	[tilespmem:$0x1E000] =	vst v63  }
0x134: {  	_ =	swait.ge [sflag:s22], $0x4000  }
0x135: {  	[sflag:s22] =	ssyncset.done $0x0  }
0x136: {  	s10 =	sor.u32 $0x1580, s7;
	[sflag:s22] =	ssyncadd.s32 $0xFFFFC000  }
0x137: {  	[spmem:s1] =	stream.indirect.scatter.add.f32 [tilespmem:s26], [sflag:$0x5], $0x80, s10, s25, $0xb8;
	[tilespmem:$0x1E000] =	vst v63  }
0x138: {  	_ =	swait.ge [sflag:s29], $0x4000  }
0x139: {  	[sflag:s29] =	ssyncset.done $0x0  }
0x13a: {  	s10 =	sor.u32 $0x680, s7;
	[sflag:s29] =	ssyncadd.s32 $0xFFFFC000  }
0x13b: {  	[tilespmem:s26], [sflag:$0x2] =	stream.indirect.gather [hbm4b:s4+s25], $0x80, s10, s25, $0xb8;
	[tilespmem:$0x1E000] =	vst v63  }
0x13c: {  	_ =	swait.ge [sflag:s28], $0x4000  }
0x13d: {  	[sflag:s28] =	ssyncset.done $0x0  }
0x13e: {  	s10 =	sor.u32 $0x1600, s7;
	[sflag:s28] =	ssyncadd.s32 $0xFFFFC000  }
0x13f: {  	[spmem:s1] =	stream.indirect.scatter.add.f32 [tilespmem:s21], [sflag:$0x5], $0x80, s10, s25, $0xb8;
	[tilespmem:$0x1E000] =	vst v63  }
0x140: {  	_ =	swait.ge [sflag:s29], $0x4000  }
0x141: {  	[sflag:s29] =	ssyncset.done $0x0  }
0x142: {  	s10 =	sor.u32 $0x700, s7;
	[sflag:s29] =	ssyncadd.s32 $0xFFFFC000  }
0x143: {  	[tilespmem:s21], [sflag:$0x1] =	stream.indirect.gather [hbm4b:s4+s25], $0x80, s10, s25, $0xb8;
	[tilespmem:$0x1E000] =	vst v63  }
0x144: {  	_ =	swait.ge [sflag:s22], $0x4000  }
0x145: {  	[sflag:s22] =	ssyncset.done $0x0  }
0x146: {  	s10 =	sor.u32 $0x1680, s7;
	[sflag:s22] =	ssyncadd.s32 $0xFFFFC000  }
0x147: {  	[spmem:s1] =	stream.indirect.scatter.add.f32 [tilespmem:s26], [sflag:$0x5], $0x80, s10, s25, $0xb8;
	[tilespmem:$0x1E000] =	vst v63  }
0x148: {  	_ =	swait.ge [sflag:s29], $0x4000  }
0x149: {  	p1 =	seq.s32 s20, $0x4800;
	[sflag:s29] =	ssyncset.done $0x0  }
0x14a: {  	s20 =	sxor.u32 @!p1 $0xFFFFFFFF, s20;
	s10 =	simm.s32 @!p1 $0x3;
	[sflag:s29] =	ssyncadd.s32 $0xFFFFC000  }
0x14b: {  	s11 =	sand.u32 @!p1 $0x800, s20;
	s20 =	smov.u32 s8;
	_ =	swait.ge @!p1 [sflag:s10], $0x800  }
0x14c: {  	[sflag:s10] =	ssyncset.done @!p1 $0x0  }
0x14d: {  	s8 =	simm.s32 @!p1 $0x4;
	[sflag:s10] =	ssyncadd.s32 @!p1 $0xFFFFF800  }
0x14e: {  	_ =	swait.ge @!p1 [sflag:s8], $0x800  }
0x14f: {  	[sflag:s8] =	ssyncset.done @!p1 $0x0  }
0x150: {  	[sflag:s8] =	ssyncadd.s32 @!p1 $0xFFFFF800;
	s8 =	sor.u32 $0x780, s7  }
0x151: {  	[tilespmem:s26], [sflag:$0x2] =	stream.indirect.gather [hbm4b:s4+s25], $0x80, s8, s25, $0xb8;
	[tilespmem:$0x1E000] =	vst v63  }
0x152: {  	_ =	swait.ge [sflag:s28], $0x4000  }
0x153: {  	[sflag:s28] =	ssyncset.done $0x0  }
0x154: {  	s10 =	sadd.s32 $0x1700, s7;
	[sflag:s28] =	ssyncadd.s32 $0xFFFFC000  }
0x155: {  	[spmem:s1] =	stream.indirect.scatter.add.f32 [tilespmem:s21], [sflag:$0x5], $0x80, s10, s25, $0xb8;
	[tilespmem:$0x1E000] =	vst v63  }
0x156: {  	_ =	swait.ge [sflag:s29], $0x4000  }
0x157: {  	[sflag:s29] =	ssyncset.done $0x0  }
0x158: {  	s12 =	simm.s32 @!p1 $0x2000;
	s10 =	simm.s32 @!p1 $0x80;
	[sflag:s29] =	ssyncadd.s32 $0xFFFFC000  }
0x159: {  	[tilespmem:s12], [sflag:$0x1] =	stream.indirect.gather @!p1 [hbm4b:s4+s10], $0x80, s11, s10, $0xb8;
	[tilespmem:$0x1E000] =	vst v63  }
0x15a: {  	_ =	swait.ge [sflag:s22], $0x4000  }
0x15b: {  	[sflag:s22] =	ssyncset.done $0x0  }
0x15c: {  	s8 =	sor.u32 $0x1000, s8;
	[sflag:s22] =	ssyncadd.s32 $0xFFFFC000  }
0x15d: {  	[spmem:s1] =	stream.indirect.scatter.add.f32 [tilespmem:s26], [sflag:$0x5], $0x80, s8, s25, $0xb8;
	[tilespmem:$0x1E000] =	vst v63  }
.Ltmp1:
0x15e: {  	_ =	swait.ge [sflag:s29], $0x4000;
	(pc) =	sbr.rel @p0 .LBB2_4-.Ltmp1, $4  }
0x15f: {  	p1 =	sgt.u32 s19, $0x7;
	[sflag:s29] =	ssyncset.done $0x0  }
0x160: {  	s8 =	simm.s32 @!p1 $0x0;
	[sflag:s29] =	ssyncadd.s32 $0xFFFFC000  }
0x161: {  	[tilespmem:s7], [sflag:$0x3] =	stream.linear.gather @!p1 [hbm4b:s0+s8], $0x800, $0x38;
	[tilespmem:$0x1E000] =	vst v63  }
0x162: {  	s31 =	sadd.s32 $0x100, s31;
	s19 =	sadd.s32 $0x1, s19;
	s0 =	sadd.s32 $0x100, s0  }
0x163: {  	[tilespmem:s2], [sflag:$0x4] =	stream.linear.gather @!p1 [hbm4b:s16+s8], $0x800, $0x38;
	[tilespmem:$0x1E000] =	vst v63  }
0x164: {  	s11 =	sor.u32 $0x80, s18  }
0x165: {  	[tilespmem:s26], [sflag:$0x2] =	stream.indirect.gather [hbm4b:s4+s25], $0x80, s11, s25, $0xb8;
	[tilespmem:$0x1E000] =	vst v63  }
0x166: {  	_ =	swait.ge [sflag:s28], $0x4000  }
0x167: {  	[sflag:s28] =	ssyncset.done $0x0  }
0x168: {  	s2 =	sor.u32 $0x1000, s18;
	[sflag:s28] =	ssyncadd.s32 $0xFFFFC000  }
0x169: {  	[spmem:s1] =	stream.indirect.scatter.add.f32 [tilespmem:s21], [sflag:$0x5], $0x80, s2, s25, $0xb8;
	[tilespmem:$0x1E000] =	vst v63  }
0x16a: {  	_ =	swait.ge [sflag:s29], $0x4000  }
0x16b: {  	[sflag:s29] =	ssyncset.done $0x0  }
0x16c: {  	s5 =	sor.u32 $0x100, s18;
	[sflag:s29] =	ssyncadd.s32 $0xFFFFC000  }
0x16d: {  	[tilespmem:s21], [sflag:$0x1] =	stream.indirect.gather [hbm4b:s4+s25], $0x80, s5, s25, $0xb8;
	[tilespmem:$0x1E000] =	vst v63  }
0x16e: {  	_ =	swait.ge [sflag:s22], $0x4000  }
0x16f: {  	[sflag:s22] =	ssyncset.done $0x0  }
0x170: {  	s12 =	sor.u32 $0x1080, s18;
	[sflag:s22] =	ssyncadd.s32 $0xFFFFC000  }
0x171: {  	[spmem:s1] =	stream.indirect.scatter.add.f32 [tilespmem:s26], [sflag:$0x5], $0x80, s12, s25, $0xb8;
	[tilespmem:$0x1E000] =	vst v63  }
0x172: {  	_ =	swait.ge [sflag:s29], $0x4000  }
0x173: {  	[sflag:s29] =	ssyncset.done $0x0  }
0x174: {  	s16 =	sor.u32 $0x180, s18;
	[sflag:s29] =	ssyncadd.s32 $0xFFFFC000  }
0x175: {  	[tilespmem:s26], [sflag:$0x2] =	stream.indirect.gather [hbm4b:s4+s25], $0x80, s16, s25, $0xb8;
	[tilespmem:$0x1E000] =	vst v63  }
0x176: {  	_ =	swait.ge [sflag:s28], $0x4000  }
0x177: {  	[sflag:s28] =	ssyncset.done $0x0  }
0x178: {  	s7 =	sor.u32 $0x1100, s18;
	[sflag:s28] =	ssyncadd.s32 $0xFFFFC000  }
0x179: {  	[spmem:s1] =	stream.indirect.scatter.add.f32 [tilespmem:s21], [sflag:$0x5], $0x80, s7, s25, $0xb8;
	[tilespmem:$0x1E000] =	vst v63  }
0x17a: {  	_ =	swait.ge [sflag:s29], $0x4000  }
0x17b: {  	[sflag:s29] =	ssyncset.done $0x0  }
0x17c: {  	s8 =	sor.u32 $0x200, s18;
	[sflag:s29] =	ssyncadd.s32 $0xFFFFC000  }
0x17d: {  	[tilespmem:s21], [sflag:$0x1] =	stream.indirect.gather [hbm4b:s4+s25], $0x80, s8, s25, $0xb8;
	[tilespmem:$0x1E000] =	vst v63  }
0x17e: {  	_ =	swait.ge [sflag:s22], $0x4000  }
0x17f: {  	[sflag:s22] =	ssyncset.done $0x0  }
0x180: {  	s10 =	sor.u32 $0x1180, s18;
	[sflag:s22] =	ssyncadd.s32 $0xFFFFC000  }
0x181: {  	[spmem:s1] =	stream.indirect.scatter.add.f32 [tilespmem:s26], [sflag:$0x5], $0x80, s10, s25, $0xb8;
	[tilespmem:$0x1E000] =	vst v63  }
0x182: {  	_ =	swait.ge [sflag:s29], $0x4000  }
0x183: {  	[sflag:s29] =	ssyncset.done $0x0  }
0x184: {  	s11 =	sor.u32 $0x280, s18;
	[sflag:s29] =	ssyncadd.s32 $0xFFFFC000  }
0x185: {  	[tilespmem:s26], [sflag:$0x2] =	stream.indirect.gather [hbm4b:s4+s25], $0x80, s11, s25, $0xb8;
	[tilespmem:$0x1E000] =	vst v63  }
0x186: {  	_ =	swait.ge [sflag:s28], $0x4000  }
0x187: {  	[sflag:s28] =	ssyncset.done $0x0  }
0x188: {  	s12 =	sor.u32 $0x1200, s18;
	[sflag:s28] =	ssyncadd.s32 $0xFFFFC000  }
0x189: {  	[spmem:s1] =	stream.indirect.scatter.add.f32 [tilespmem:s21], [sflag:$0x5], $0x80, s12, s25, $0xb8;
	[tilespmem:$0x1E000] =	vst v63  }
0x18a: {  	_ =	swait.ge [sflag:s29], $0x4000  }
0x18b: {  	[sflag:s29] =	ssyncset.done $0x0  }
0x18c: {  	s16 =	sor.u32 $0x300, s18;
	[sflag:s29] =	ssyncadd.s32 $0xFFFFC000  }
0x18d: {  	[tilespmem:s21], [sflag:$0x1] =	stream.indirect.gather [hbm4b:s4+s25], $0x80, s16, s25, $0xb8;
	[tilespmem:$0x1E000] =	vst v63  }
0x18e: {  	_ =	swait.ge [sflag:s22], $0x4000  }
0x18f: {  	[sflag:s22] =	ssyncset.done $0x0  }
0x190: {  	s7 =	sor.u32 $0x1280, s18;
	[sflag:s22] =	ssyncadd.s32 $0xFFFFC000  }
0x191: {  	[spmem:s1] =	stream.indirect.scatter.add.f32 [tilespmem:s26], [sflag:$0x5], $0x80, s7, s25, $0xb8;
	[tilespmem:$0x1E000] =	vst v63  }
0x192: {  	_ =	swait.ge [sflag:s29], $0x4000  }
0x193: {  	[sflag:s29] =	ssyncset.done $0x0  }
0x194: {  	s8 =	sor.u32 $0x380, s18;
	[sflag:s29] =	ssyncadd.s32 $0xFFFFC000  }
0x195: {  	[tilespmem:s26], [sflag:$0x2] =	stream.indirect.gather [hbm4b:s4+s25], $0x80, s8, s25, $0xb8;
	[tilespmem:$0x1E000] =	vst v63  }
0x196: {  	_ =	swait.ge [sflag:s28], $0x4000  }
0x197: {  	[sflag:s28] =	ssyncset.done $0x0  }
0x198: {  	s10 =	sor.u32 $0x1300, s18;
	[sflag:s28] =	ssyncadd.s32 $0xFFFFC000  }
0x199: {  	[spmem:s1] =	stream.indirect.scatter.add.f32 [tilespmem:s21], [sflag:$0x5], $0x80, s10, s25, $0xb8;
	[tilespmem:$0x1E000] =	vst v63  }
0x19a: {  	_ =	swait.ge [sflag:s29], $0x4000  }
0x19b: {  	[sflag:s29] =	ssyncset.done $0x0  }
0x19c: {  	s11 =	sor.u32 $0x400, s18;
	[sflag:s29] =	ssyncadd.s32 $0xFFFFC000  }
0x19d: {  	[tilespmem:s21], [sflag:$0x1] =	stream.indirect.gather [hbm4b:s4+s25], $0x80, s11, s25, $0xb8;
	[tilespmem:$0x1E000] =	vst v63  }
0x19e: {  	_ =	swait.ge [sflag:s22], $0x4000  }
0x19f: {  	[sflag:s22] =	ssyncset.done $0x0  }
0x1a0: {  	s12 =	sor.u32 $0x1380, s18;
	[sflag:s22] =	ssyncadd.s32 $0xFFFFC000  }
0x1a1: {  	[spmem:s1] =	stream.indirect.scatter.add.f32 [tilespmem:s26], [sflag:$0x5], $0x80, s12, s25, $0xb8;
	[tilespmem:$0x1E000] =	vst v63  }
0x1a2: {  	_ =	swait.ge [sflag:s29], $0x4000  }
0x1a3: {  	[sflag:s29] =	ssyncset.done $0x0  }
0x1a4: {  	s16 =	sor.u32 $0x480, s18;
	[sflag:s29] =	ssyncadd.s32 $0xFFFFC000  }
0x1a5: {  	[tilespmem:s26], [sflag:$0x2] =	stream.indirect.gather [hbm4b:s4+s25], $0x80, s16, s25, $0xb8;
	[tilespmem:$0x1E000] =	vst v63  }
0x1a6: {  	_ =	swait.ge [sflag:s28], $0x4000  }
0x1a7: {  	[sflag:s28] =	ssyncset.done $0x0  }
0x1a8: {  	s7 =	sor.u32 $0x1400, s18;
	[sflag:s28] =	ssyncadd.s32 $0xFFFFC000  }
0x1a9: {  	[spmem:s1] =	stream.indirect.scatter.add.f32 [tilespmem:s21], [sflag:$0x5], $0x80, s7, s25, $0xb8;
	[tilespmem:$0x1E000] =	vst v63  }
0x1aa: {  	_ =	swait.ge [sflag:s29], $0x4000  }
0x1ab: {  	[sflag:s29] =	ssyncset.done $0x0  }
0x1ac: {  	s8 =	sor.u32 $0x500, s18;
	[sflag:s29] =	ssyncadd.s32 $0xFFFFC000  }
0x1ad: {  	[tilespmem:s21], [sflag:$0x1] =	stream.indirect.gather [hbm4b:s4+s25], $0x80, s8, s25, $0xb8;
	[tilespmem:$0x1E000] =	vst v63  }
0x1ae: {  	_ =	swait.ge [sflag:s22], $0x4000  }
0x1af: {  	[sflag:s22] =	ssyncset.done $0x0  }
0x1b0: {  	s10 =	sor.u32 $0x1480, s18;
	[sflag:s22] =	ssyncadd.s32 $0xFFFFC000  }
0x1b1: {  	[spmem:s1] =	stream.indirect.scatter.add.f32 [tilespmem:s26], [sflag:$0x5], $0x80, s10, s25, $0xb8;
	[tilespmem:$0x1E000] =	vst v63  }
0x1b2: {  	_ =	swait.ge [sflag:s29], $0x4000  }
0x1b3: {  	[sflag:s29] =	ssyncset.done $0x0  }
0x1b4: {  	s11 =	sor.u32 $0x580, s18;
	[sflag:s29] =	ssyncadd.s32 $0xFFFFC000  }
0x1b5: {  	[tilespmem:s26], [sflag:$0x2] =	stream.indirect.gather [hbm4b:s4+s25], $0x80, s11, s25, $0xb8;
	[tilespmem:$0x1E000] =	vst v63  }
0x1b6: {  	_ =	swait.ge [sflag:s28], $0x4000  }
0x1b7: {  	[sflag:s28] =	ssyncset.done $0x0  }
0x1b8: {  	s12 =	sor.u32 $0x1500, s18;
	[sflag:s28] =	ssyncadd.s32 $0xFFFFC000  }
0x1b9: {  	[spmem:s1] =	stream.indirect.scatter.add.f32 [tilespmem:s21], [sflag:$0x5], $0x80, s12, s25, $0xb8;
	[tilespmem:$0x1E000] =	vst v63  }
0x1ba: {  	_ =	swait.ge [sflag:s29], $0x4000  }
0x1bb: {  	[sflag:s29] =	ssyncset.done $0x0  }
0x1bc: {  	s16 =	sor.u32 $0x600, s18;
	[sflag:s29] =	ssyncadd.s32 $0xFFFFC000  }
0x1bd: {  	[tilespmem:s21], [sflag:$0x1] =	stream.indirect.gather [hbm4b:s4+s25], $0x80, s16, s25, $0xb8;
	[tilespmem:$0x1E000] =	vst v63  }
0x1be: {  	_ =	swait.ge [sflag:s22], $0x4000  }
0x1bf: {  	[sflag:s22] =	ssyncset.done $0x0  }
0x1c0: {  	s7 =	sor.u32 $0x1580, s18;
	[sflag:s22] =	ssyncadd.s32 $0xFFFFC000  }
0x1c1: {  	[spmem:s1] =	stream.indirect.scatter.add.f32 [tilespmem:s26], [sflag:$0x5], $0x80, s7, s25, $0xb8;
	[tilespmem:$0x1E000] =	vst v63  }
0x1c2: {  	_ =	swait.ge [sflag:s29], $0x4000  }
0x1c3: {  	[sflag:s29] =	ssyncset.done $0x0  }
0x1c4: {  	s8 =	sor.u32 $0x680, s18;
	[sflag:s29] =	ssyncadd.s32 $0xFFFFC000  }
0x1c5: {  	[tilespmem:s26], [sflag:$0x2] =	stream.indirect.gather [hbm4b:s4+s25], $0x80, s8, s25, $0xb8;
	[tilespmem:$0x1E000] =	vst v63  }
0x1c6: {  	_ =	swait.ge [sflag:s28], $0x4000  }
0x1c7: {  	[sflag:s28] =	ssyncset.done $0x0  }
0x1c8: {  	s10 =	sor.u32 $0x1600, s18;
	[sflag:s28] =	ssyncadd.s32 $0xFFFFC000  }
0x1c9: {  	[spmem:s1] =	stream.indirect.scatter.add.f32 [tilespmem:s21], [sflag:$0x5], $0x80, s10, s25, $0xb8;
	[tilespmem:$0x1E000] =	vst v63  }
0x1ca: {  	_ =	swait.ge [sflag:s29], $0x4000  }
0x1cb: {  	[sflag:s29] =	ssyncset.done $0x0  }
0x1cc: {  	s11 =	sor.u32 $0x700, s18;
	[sflag:s29] =	ssyncadd.s32 $0xFFFFC000  }
0x1cd: {  	[tilespmem:s21], [sflag:$0x1] =	stream.indirect.gather [hbm4b:s4+s25], $0x80, s11, s25, $0xb8;
	[tilespmem:$0x1E000] =	vst v63  }
0x1ce: {  	_ =	swait.ge [sflag:s22], $0x4000  }
0x1cf: {  	[sflag:s22] =	ssyncset.done $0x0  }
0x1d0: {  	s12 =	sor.u32 $0x1680, s18;
	[sflag:s22] =	ssyncadd.s32 $0xFFFFC000  }
0x1d1: {  	[spmem:s1] =	stream.indirect.scatter.add.f32 [tilespmem:s26], [sflag:$0x5], $0x80, s12, s25, $0xb8;
	[tilespmem:$0x1E000] =	vst v63  }
0x1d2: {  	_ =	swait.ge [sflag:s29], $0x4000  }
0x1d3: {  	p0 =	seq.s32 s20, $0x4800;
	[sflag:s29] =	ssyncset.done $0x0  }
0x1d4: {  	s5 =	simm.s32 @!p0 $0x3;
	[sflag:s29] =	ssyncadd.s32 $0xFFFFC000  }
0x1d5: {  	_ =	swait.ge @!p0 [sflag:s5], $0x800  }
0x1d6: {  	[sflag:s5] =	ssyncset.done @!p0 $0x0  }
0x1d7: {  	[sflag:s5] =	ssyncadd.s32 @!p0 $0xFFFFF800;
	s5 =	simm.s32 @!p0 $0x4  }
0x1d8: {  	_ =	swait.ge @!p0 [sflag:s5], $0x800  }
0x1d9: {  	[sflag:s5] =	ssyncset.done @!p0 $0x0  }
0x1da: {  	s16 =	sor.u32 $0x780, s18;
	[sflag:s5] =	ssyncadd.s32 @!p0 $0xFFFFF800  }
0x1db: {  	[tilespmem:s26], [sflag:$0x2] =	stream.indirect.gather [hbm4b:s4+s25], $0x80, s16, s25, $0xb8;
	[tilespmem:$0x1E000] =	vst v63  }
0x1dc: {  	_ =	swait.ge [sflag:s28], $0x4000  }
0x1dd: {  	[sflag:s28] =	ssyncset.done $0x0  }
0x1de: {  	s7 =	sadd.s32 $0x1700, s18;
	[sflag:s28] =	ssyncadd.s32 $0xFFFFC000  }
0x1df: {  	[spmem:s1] =	stream.indirect.scatter.add.f32 [tilespmem:s21], [sflag:$0x5], $0x80, s7, s25, $0xb8;
	[tilespmem:$0x1E000] =	vst v63  }
0x1e0: {  	_ =	swait.ge [sflag:s29], $0x4000  }
0x1e1: {  	s8 =	simm.s32 @!p0 $0x80;
	s7 =	sxor.u32 @!p0 $0xFFFFFFFF, s20;
	[sflag:s29] =	ssyncset.done $0x0  }
0x1e2: {  	s10 =	simm.s32 @!p0 $0x2000;
	s7 =	sand.u32 @!p0 $0x800, s7;
	[sflag:s29] =	ssyncadd.s32 $0xFFFFC000  }
0x1e3: {  	[tilespmem:s10], [sflag:$0x1] =	stream.indirect.gather @!p0 [hbm4b:s4+s8], $0x80, s7, s8, $0xb8;
	[tilespmem:$0x1E000] =	vst v63  }
0x1e4: {  	_ =	swait.ge [sflag:s22], $0x4000  }
0x1e5: {  	[sflag:s22] =	ssyncset.done $0x0  }
0x1e6: {  	s5 =	sor.u32 $0x1000, s16;
	[sflag:s22] =	ssyncadd.s32 $0xFFFFC000  }
0x1e7: {  	[spmem:s1] =	stream.indirect.scatter.add.f32 [tilespmem:s26], [sflag:$0x5], $0x80, s5, s25, $0xb8;
	[tilespmem:$0x1E000] =	vst v63  }
0x1e8: {  	_ =	swait.ge [sflag:s29], $0x4000  }
0x1e9: {  	p0 =	sgt.u32 s19, $0x7;
	[sflag:s29] =	ssyncset.done $0x0  }
0x1ea: {  	s5 =	simm.s32 @!p0 $0x0;
	[sflag:s29] =	ssyncadd.s32 $0xFFFFC000  }
0x1eb: {  	[tilespmem:s18], [sflag:$0x3] =	stream.linear.gather @!p0 [hbm4b:s0+s5], $0x800, $0x38;
	[tilespmem:$0x1E000] =	vst v63  }
0x1ec: {  	s18 =	stileid.u32  }
0x1ed: {  	[tilespmem:s2], [sflag:$0x4] =	stream.linear.gather @!p0 [hbm4b:s31+s5], $0x800, $0x38;
	[tilespmem:$0x1E000] =	vst v63  }
0x1ee: {  	s0 =	sshll.u32 s18, $0x6;
	[bflag:$0x0] =	sbarrier.arrive $0xFFFF  }
0x1ef: {  	s19 =	sshrl.u32 s9, $0x3;
	s0 =	sor.u32 $0x1C05, s0;
	s20 =	rddreg [dreg:$0x8]  }
0x1f0: {  	[hbm:s20], [sflag:s0] =	dma.local [spmem:s19], $0x2800  }
0x1f1: {  	_ =	swait.ge [sflag:s29], $0x2800  }
0x1f2: {  	s30 =	sadd.s32 $0x1, s30;
	s31 =	rddreg [dreg:$0x9]  }
0x1f3: {  	p0 =	sne.s32 s30, s31  }
.Ltmp2:
0x1f4: {  	_ = 	snop;
	(pc) =	sbr.rel @p0 .LBB2_1-.Ltmp2, $3  }
0x1f5: {  	_ =	sdelay $0x1  }
0x1f6: {  	[sflag:s29] =	ssyncset.done $0x0  }
0x1f7: {  	[sflag:s29] =	ssyncadd.s32 $0xFFFFD800  }
0x1f8: {  	_ =	sfence.sel $0x180000  }
0x1f9: {  	[bflag:$0x0] =	sbarrier.arrive $0xFFFF  }
0x1fa: {  	_ =	strace $0x9000004D  }
0x1fb: {  	s0 =	stileid.u32;
	[bflag:$0x2] =	sbarrier.arrive $0xFFFF  }
0x1fc: {  	p0 =	sne.s32 s0, $0x0;
	s0 =	rddreg [dreg:$0x3]  }
0x1fd: {  	s0 =	sadd.s32 @!p0 $0x100000, s0  }
0x1fe: {  	[sflag:s0] =	ssyncadd.tile.s32 @!p0 $0x1;
	_ =	shalt  }
.Lfunc_end2:
_tile_overlayer_lowered:
.L_overlay_start_2:
0x1ff: {  	(tag) =	ssettag $0x2  }
0x200: {  	s0 =	rddreg [dreg:$0x0];
	s2 =	stileid.u32  }
0x201: {  	s1 =	rddreg [dreg:$0x1];
	p0 =	sne.s32 s2, $0x0  }
0x202: {  	s3 =	rddreg [dreg:$0x2];
	[bflag:$0x3] =	sbarrier.arrive $0xFFFF;
	s2 =	simm.s32 @!p0 $0x1C05  }
0x203: {  	[timem:s3], [sflag:s2] =	dma.local @!p0 [hbm:s0], s1  }
0x204: {  	s0 =	simm.s32 @!p0 $0x5  }
0x205: {  	_ =	swait.ge @!p0 [sflag:s0], s1  }
0x206: {  	s1 =	ssub.s32 @!p0 $0x0, s1;
	[sflag:s0] =	ssyncset.done @!p0 $0x0  }
0x207: {  	[sflag:s0] =	ssyncadd.s32 @!p0 s1  }
0x208: {  	[bflag:$0x3] =	sbarrier.arrive $0xFFFF  }
0x209: {  	_ =	shalt  }

// kernel: kernel.8.cloned.1.call-start
scs
__scs_entry_jumppad:
0x0: {  	(pc) =	sbr.rel $0x88, $3  }
0x1: {  	(tag) =	ssettag $0x0;
	lr =	simm.s32 $0x1  }
0x2: {  	[smem:$0x3F96] =	sst lr;
	_ =	strace $0xD0000000  }
0x3: {  	_ = 	snop  }
0x4: {  	_ = 	snop  }
0x5: {  	_ = 	snop  }
0x6: {  	_ = 	snop  }
0x7: {  	_ = 	snop  }
__scs_overlays_trampoline_lowered:
0x8: {  	[smem:$0x3FA5] =	sst s0  }
0x9: {  	[smem:$0x3FA6] =	sst s1  }
0xa: {  	[smem:$0x3FA7] =	sst s2  }
0xb: {  	[smem:$0x3FA8] =	sst s3  }
0xc: {  	[smem:$0x3FA9] =	sst s4  }
0xd: {  	[smem:$0x3FAA] =	sst s5  }
0xe: {  	[smem:$0x3FAB] =	sst s6  }
0xf: {  	[smem:$0x3FAC] =	sst s7  }
0x10: {  	[smem:$0x3FAD] =	sst s8  }
0x11: {  	[smem:$0x3FAE] =	sst s9;
	s0 =	simm.s32 @!p0 $0x0  }
0x12: {  	s1 =	sld [smem:$0x3F94];
	s0 =	simm.s32 @p0 $0x1  }
0x13: {  	[smem:$0x3FAF] =	sst s0;
	s0 =	simm.s32 @!p1 $0x0  }
0x14: {  	s2 =	sld [smem:$0x3F93];
	s0 =	simm.s32 @p1 $0x1  }
0x15: {  	[smem:$0x3FB0] =	sst s0;
	s0 =	simm.s32 @!p2 $0x0  }
0x16: {  	s3 =	sld [smem:$0x3FDB];
	s0 =	simm.s32 @p2 $0x1  }
0x17: {  	s4 =	simm.s32 $0x1BF5;
	[smem:$0x3FB2] =	sst s0  }
0x18: {  	s0 =	sld [smem:$0x3F95];
	_ =	swait.ge [sflag:s4], $0x0  }
0x19: {  	s7 =	sld [smem:$0x3F96]  }
0x1a: {  	s8 =	sadd.s32 $0xFFFFE003, lr  }
0x1b: {  	s9 =	sadd.s32 $0xFFFFFEF7, lr;
	s5 =	simm.s32 $0xFFFFFFFF;
	p2 =	slt.u32 s8, $0xFFFFF086  }
0x1c: {  	p1 =	slt.u32 s9, $0xF7A;
	s5 =	simm.s32 @!p2 $0x0  }
0x1d: {  	s5 =	simm.s32 @p1 $0x1;
	p0 =	seq.s32 s7, s2  }
0x1e: {  	s7 =	smul.u32 @!p0 $0xF7A, s2;
	p2 =	seq.s32 @!p0 s5, $0x0  }
0x1f: {  	s9 =	smul.u32 $0xF7A, s1;
	s8 =	simm.s32 @!p0 $0x1BF5;
	p2 =	por !p2, p0  }
0x20: {  	[sflag:s8] =	ssyncset.s32 @!p0 $0xFFFFF086;
	s6 =	sadd.s32 @!p0 s3, s7;
	s7 =	simm.s32 @!p0 $0x108  }
0x21: {  	s3 =	sadd.s32 s3, s9;
	s6 =	sadd.s32 @!p0 $0x88, s6;
	s7 =	simm.s32 @p2 $0x1082  }
0x22: {  	[simem:s7], [sflag:s8] =	dma.local @!p0 [hbm:s6], $0xF7A  }
0x23: {  	s9 =	sor.u32 $0xD0000000, s2;
	s6 =	simm.s32 $0x108;
	_ =	swait.ge @!p0 [sflag:s8], $0x0  }
0x24: {  	s3 =	sadd.s32 $0x88, s3;
	s6 =	simm.s32 @!p1 $0x1082;
	[sflag:s4] =	ssyncset.s32 $0xFFFFF086  }
0x25: {  	[simem:s6], [sflag:s4] =	dma.local [hbm:s3], $0xF7A  }
0x26: {  	[smem:$0x3F96] =	sst s1;
	(tag) =	ssettag s2;
	_ =	strace s9  }
0x27: {  	s1 =	sld [smem:$0x3FA6]  }
0x28: {  	s2 =	sld [smem:$0x3FA7]  }
0x29: {  	s4 =	sld [smem:$0x3FA9]  }
0x2a: {  	p0 =	seq.s32 s5, $0x0;
	s5 =	sld [smem:$0x3FAA]  }
0x2b: {  	s6 =	sld [smem:$0x3FAB]  }
0x2c: {  	s7 =	sld [smem:$0x3FAC]  }
0x2d: {  	s3 =	simm.s32 $0x108;
	s8 =	sld [smem:$0x3FAD]  }
0x2e: {  	s3 =	simm.s32 @!p0 $0x1082;
	s9 =	sld [smem:$0x3FAE]  }
0x2f: {  	lr =	sadd.s32 s0, s3;
	s0 =	sld [smem:$0x3FA5]  }
0x30: {  	s3 =	sld [smem:$0x3FA8]  }
0x31: {  	[smem:$0x3FB1] =	sst s10  }
0x32: {  	s10 =	sld [smem:$0x3FAF];
	_ =	sdelay $0x3  }
0x33: {  	p0 =	seq.s32 s10, $0x1;
	s10 =	sld [smem:$0x3FB1];
	_ =	sdelay $0x3  }
0x34: {  	[smem:$0x3FB1] =	sst s10  }
0x35: {  	s10 =	sld [smem:$0x3FB0];
	_ =	sdelay $0x3  }
0x36: {  	p1 =	seq.s32 s10, $0x1;
	s10 =	sld [smem:$0x3FB1];
	_ =	sdelay $0x3  }
0x37: {  	[smem:$0x3FB1] =	sst s10  }
0x38: {  	s10 =	sld [smem:$0x3FB2]  }
0x39: {  	_ = 	snop;
	(pc) =	sbr.ind lr, $3  }
0x3a: {  	_ = 	snop  }
0x3b: {  	_ = 	snop  }
0x3c: {  	p2 =	seq.s32 s10, $0x1;
	s10 =	sld [smem:$0x3FB1]  }
0x3d: {  	_ =	shalt  }
0x3e: {  	_ =	shalt  }
0x3f: {  	_ =	shalt  }
0x40: {  	_ =	shalt  }
0x41: {  	_ =	shalt  }
0x42: {  	_ =	shalt  }
0x43: {  	_ =	shalt  }
0x44: {  	_ =	shalt  }
0x45: {  	_ =	shalt  }
0x46: {  	_ =	shalt  }
0x47: {  	_ =	shalt  }
0x48: {  	_ =	shalt  }
0x49: {  	_ =	shalt  }
0x4a: {  	_ =	shalt  }
0x4b: {  	_ =	shalt  }
0x4c: {  	_ =	shalt  }
0x4d: {  	_ =	shalt  }
0x4e: {  	_ =	shalt  }
0x4f: {  	_ =	shalt  }
0x50: {  	_ =	shalt  }
0x51: {  	_ =	shalt  }
0x52: {  	_ =	shalt  }
0x53: {  	_ =	shalt  }
0x54: {  	_ =	shalt  }
0x55: {  	_ =	shalt  }
0x56: {  	_ =	shalt  }
0x57: {  	_ =	shalt  }
0x58: {  	_ =	shalt  }
0x59: {  	_ =	shalt  }
0x5a: {  	_ =	shalt  }
0x5b: {  	_ =	shalt  }
0x5c: {  	_ =	shalt  }
0x5d: {  	_ =	shalt  }
0x5e: {  	_ =	shalt  }
0x5f: {  	_ =	shalt  }
0x60: {  	_ =	shalt  }
0x61: {  	_ =	shalt  }
0x62: {  	_ =	shalt  }
0x63: {  	_ =	shalt  }
0x64: {  	_ =	shalt  }
0x65: {  	_ =	shalt  }
0x66: {  	_ =	shalt  }
0x67: {  	_ =	shalt  }
0x68: {  	_ =	shalt  }
0x69: {  	_ =	shalt  }
0x6a: {  	_ =	shalt  }
0x6b: {  	_ =	shalt  }
0x6c: {  	_ =	shalt  }
0x6d: {  	_ =	shalt  }
0x6e: {  	_ =	shalt  }
0x6f: {  	_ =	shalt  }
0x70: {  	_ =	shalt  }
0x71: {  	_ =	shalt  }
0x72: {  	_ =	shalt  }
0x73: {  	_ =	shalt  }
0x74: {  	_ =	shalt  }
0x75: {  	_ =	shalt  }
0x76: {  	_ =	shalt  }
0x77: {  	_ =	shalt  }
0x78: {  	_ =	shalt  }
0x79: {  	_ =	shalt  }
0x7a: {  	_ =	shalt  }
0x7b: {  	_ =	shalt  }
0x7c: {  	_ =	shalt  }
0x7d: {  	_ =	shalt  }
0x7e: {  	_ =	shalt  }
0x7f: {  	_ =	shalt  }
0x80: {  	_ =	shalt  }
0x81: {  	_ =	shalt  }
0x82: {  	_ =	shalt  }
0x83: {  	_ =	shalt  }
0x84: {  	_ =	shalt  }
0x85: {  	_ =	shalt  }
0x86: {  	_ =	shalt  }
0x87: {  	_ =	shalt  }
.Lfunc_end0:
.L_simem_size_0:
called_computation_lowered:
.L_overlay_start_0:
0x88: {  	s2 =	sld [smem:$0x3FD9]  }
0x89: {  	s3 =	sld [smem:$0x3FFE];
	_ =	sdelay $0x1  }
0x8a: {  	s1 =	srdreg.scid  }
0x8b: {  	s0 =	sand.u32 $0x1, s1  }
0x8c: {  	s17 =	sshll.u32 s0, $0xA;
	s2 =	sadd.s32 s3, s2  }
0x8d: {  	s2 =	sadd.s32 s2, s17  }
0x8e: {  	[smem:$0x3FBD] =	sst s2  }
0x8f: {  	_ = 	snop  }
0x90: {  	s2 =	sld [smem:$0x3FD0];
	(tm) =	ssettm $0x1  }
0x91: {  	s18 =	sld [smem:$0x3FFB];
	_ =	sdelay $0x3  }
0x92: {  	_ =	strace s18  }
0x93: {  	s3 =	sld [smem:$0x3FFC];
	_ =	sdelay $0x3  }
0x94: {  	_ =	strace s3  }
0x95: {  	s3 =	sld [smem:$0x3FFD];
	_ =	sdelay $0x3  }
0x96: {  	_ =	strace s3  }
0x97: {  	_ =	strace $0x8FFFFFFF  }
0x98: {  	s19 =	sld [smem:$0x3FDB];
	_ =	sdelay $0x1  }
0x99: {  	s4 =	simm.s32 $_scs_section_size  }
0x9a: {  	s5 =	simm.s32 $_size__tile_overlayer_lowered;
	s6 =	simm.s32 $_tile_overlayer_lowered  }
0x9b: {  	s22 =	simm.s32 $0x1BFF;
	s21 =	sshll.u32 s6, $0x1;
	s3 =	sadd.s32 s4, s19  }
0x9c: {  	s7 =	simm.s32 $0x0;
	s20 =	sshll.u32 s5, $0x1;
	s5 =	sadd.s32 s21, s3  }
0x9d: {  	[timem:s7], [sflag:s22] =	dma.local [hbm:s5], s20  }
0x9e: {  	_ =	swait.ge [sflag:s22], s20  }
0x9f: {  	s4 =	ssub.s32 $0x0, s20;
	[sflag:s22] =	ssyncset.done $0x0  }
0xa0: {  	[sflag:s22] =	ssyncadd.s32 s4;
	_ =	sdelay $0x1  }
0xa1: {  	s23 =	simm.s32 $0x1B8B  }
0xa2: {  	_ =	swait.ge [sflag:s23], $0x1  }
0xa3: {  	[sflag:s23] =	ssyncset.done $0x0  }
0xa4: {  	s25 =	simm.s32 $0x1B8E;
	s24 =	sld [smem:$0x3FFE];
	[sflag:s23] =	ssyncadd.s32 $0xFFFFFFFF  }
0xa5: {  	s26 =	simm.s32 $execute0_lowered;
	[smem:$0x3FD2] =	sst s25  }
0xa6: {  	s5 =	sshll.u32 s26, $0x1;
	_ =	strace $0x80000046;
	[dreg:$0x1] =	wrdreg $0xFFFFFFFF  }
0xa7: {  	s28 =	simm.s32 $_size_execute0_lowered;
	s3 =	sadd.s32 s3, s5;
	[dreg:$0x0] =	wrdreg $0x0  }
0xa8: {  	s5 =	sshll.u32 s28, $0x1;
	[dreg:$0x2] =	wrdreg s3  }
0xa9: {  	[dreg:$0x3] =	wrdreg s5  }
0xaa: {  	[dreg:$0x4] =	wrdreg $0xC0  }
0xab: {  	_ =	task [dreg:s7], $0x5FFFF  }
0xac: {  	[dreg:$0x1] =	wrdreg $0xFFFFFFFF  }
0xad: {  	[dreg:$0x0] =	wrdreg $0x60  }
0xae: {  	[dreg:$0x2] =	wrdreg s2  }
0xaf: {  	[dreg:$0x3] =	wrdreg s24  }
0xb0: {  	[dreg:$0x4] =	wrdreg $0x53000  }
0xb1: {  	[dreg:$0x5] =	wrdreg $0x9  }
0xb2: {  	_ =	task.clear_ibuf [dreg:s7], $0x6FFFF;
	_ =	strace $0x90000046  }
0xb3: {  	s29 =	simm.s32 $0x9;
	_ =	strace $0x80000048  }
0xb4: {  	_ =	swait.ge [sflag:s29], $0x1  }
0xb5: {  	[sflag:s29] =	ssyncadd.s32 $0xFFFFFFFF  }
0xb6: {  	_ =	strace $0x90000048  }
0xb7: {  	_ =	sfence  }
0xb8: {  	s30 =	sld [smem:$0x0];
	_ =	sdelay $0x2  }
0xb9: {  	s31 =	sshll.u32 s1, $0xD;
	s1 =	sshrl.u32 s1, $0x2  }
0xba: {  	s3 =	sand.u32 $0x4000, s31;
	s1 =	sadd.s32 s1, s30  }
0xbb: {  	s0 =	sor.u32 s3, s0;
	s1 =	sshll.u32 s1, $0x11  }
0xbc: {  	s0 =	sor.u32 s1, s0  }
0xbd: {  	s0 =	sadd.s32 $0x8F2B, s0  }
0xbe: {  	[sflag:s0] =	ssyncadd.remote.s32 $0x1  }
0xbf: {  	_ =	sfence.sel $0xFFFF  }
0xc0: {  	[dreg:$0x0] =	wrdreg $0xFFFFFFFF;
	(pc) =	sbr.abs _section_cstart, $3  }
0xc1: {  	[dreg:$0x1] =	wrdreg $0xFFFFFFFF  }
0xc2: {  	_ =	task.clear_ibuf [dreg:s7], $0x2FFFF;
	_ =	strace $0x9FFFFFFF  }
0xc3: {  	(tm) =	ssettm $0x7FFFFFFF  }
tec
execute0_lowered:
.L_overlay_start_1:
0x0: {  	(tag) =	ssettag $0x1  }
0x1: {  	s5 =	rddreg [dreg:$0x0]  }
0x2: {  	s0 =	srdreg.scid;
	s6 =	rddreg [dreg:$0x1]  }
0x3: {  	s2 =	rddreg [dreg:$0x2];
	s3 =	simm.s32 $0x0;
	s10 =	simm.s32 $0x80  }
0x4: {  	s11 =	simm.s32 $0x5000;
	s12 =	simm.s32 $0x1;
	s4 =	sand.u32 $0x1, s0  }
0x5: {  	s15 =	simm.s32 $0x10;
	s0 =	stileid.u32;
	s1 =	sshll.u32 s4, $0x4  }
0x6: {  	s16 =	simm.s32 $0x0;
	[smem:$0x7FF] =	sst s3;
	s7 =	sor.u32 s0, s1  }
0x7: {  	s9 =	sshll.u32 s0, $0x7;
	s30 =	smul.u32 $0xA00, s0;
	s8 =	sshrl.u32 s7, $0x3  }
0x8: {  	s4 =	ssub.s32 $0x2, s4;
	s13 =	sshll.u32 s0, $0x6;
	s8 =	smul.u32 $0x1400, s8  }
0x9: {  	s1 =	rddreg [dreg:$0x3];
	s9 =	sand.u32 $0x380, s9;
	s7 =	smul.u32 $0xA00, s7  }
0xa: {  	_ =	strace $0x80000047;
	s31 =	sshrl.u32 s4, $0x1;
	s8 =	sor.u32 s9, s8  }
0xb: {  	s13 =	sor.u32 $0x1C02, s13;
	s5 =	sadd.s32 s5, s7;
	s8 =	sshrl.u32 s8, $0x3  }
0xc: {  	s9 =	sshrl.u32 s30, $0x2;
	s6 =	sadd.s32 s8, s6;
	s8 =	ssub.s32 s4, s31  }
0xd: {  	s4 =	sadd.s32 s9, s2;
	s9 =	simm.s32 $0x2;
	s6 =	sadd.s32 $0x16E00, s6  }
0xe: {  	v0 =	vimm.f32 $1.000000000e+00;
	v1 =	vimm.f32 $0.0e+00;
	s7 =	smax.u32 s8, $0x1;
	s8 =	simm.s32 $0x5080;
	s14 =	sshrl.u32 s4, $0x3  }
.LBB2_1:
0xf: {  	[tilespmem:$0x5000] =	vst v0  }
0x10: {  	[tilespmem:$0x5010] =	vst v0  }
0x11: {  	[tilespmem:$0x5020] =	vst v0  }
0x12: {  	[tilespmem:$0x5030] =	vst v0  }
0x13: {  	[tilespmem:$0x5040] =	vst v0  }
0x14: {  	[tilespmem:$0x5050] =	vst v0  }
0x15: {  	[tilespmem:$0x5060] =	vst v0  }
0x16: {  	[tilespmem:$0x5070] =	vst v0  }
0x17: {  	[tilespmem:$0x5080] =	vst v1  }
0x18: {  	[tilespmem:$0x5090] =	vst v1  }
0x19: {  	[tilespmem:$0x50A0] =	vst v1  }
0x1a: {  	[tilespmem:$0x50B0] =	vst v1  }
0x1b: {  	[tilespmem:$0x50C0] =	vst v1  }
0x1c: {  	[tilespmem:$0x50D0] =	vst v1  }
0x1d: {  	[tilespmem:$0x50E0] =	vst v1  }
0x1e: {  	[tilespmem:$0x50F0] =	vst v1  }
0x1f: {  	[tilespmem:$0x5100] =	vst v1  }
0x20: {  	[tilespmem:$0x5110] =	vst v1  }
0x21: {  	[tilespmem:$0x5120] =	vst v1  }
0x22: {  	[tilespmem:$0x5130] =	vst v1  }
0x23: {  	[tilespmem:$0x5140] =	vst v1  }
0x24: {  	[tilespmem:$0x5150] =	vst v1  }
0x25: {  	[tilespmem:$0x5160] =	vst v1  }
0x26: {  	[tilespmem:$0x5170] =	vst v1  }
0x27: {  	[tilespmem:$0x5180] =	vst v1  }
0x28: {  	[tilespmem:$0x5190] =	vst v1  }
0x29: {  	[tilespmem:$0x51A0] =	vst v1  }
0x2a: {  	[tilespmem:$0x51B0] =	vst v1  }
0x2b: {  	[tilespmem:$0x51C0] =	vst v1  }
0x2c: {  	[tilespmem:$0x51D0] =	vst v1  }
0x2d: {  	[tilespmem:$0x51E0] =	vst v1  }
0x2e: {  	[tilespmem:$0x51F0] =	vst v1  }
0x2f: {  	[tilespmem:$0x5200] =	vst v1  }
0x30: {  	[tilespmem:$0x5210] =	vst v1  }
0x31: {  	[tilespmem:$0x5220] =	vst v1  }
0x32: {  	[tilespmem:$0x5230] =	vst v1  }
0x33: {  	[tilespmem:$0x5240] =	vst v1  }
0x34: {  	[tilespmem:$0x5250] =	vst v1  }
0x35: {  	[tilespmem:$0x5260] =	vst v1  }
0x36: {  	[tilespmem:$0x5270] =	vst v1  }
0x37: {  	[tilespmem:$0x5280] =	vst v1  }
0x38: {  	[tilespmem:$0x5290] =	vst v1  }
0x39: {  	[tilespmem:$0x52A0] =	vst v1  }
0x3a: {  	[tilespmem:$0x52B0] =	vst v1  }
0x3b: {  	[tilespmem:$0x52C0] =	vst v1  }
0x3c: {  	[tilespmem:$0x52D0] =	vst v1  }
0x3d: {  	[tilespmem:$0x52E0] =	vst v1  }
0x3e: {  	[tilespmem:$0x52F0] =	vst v1  }
0x3f: {  	[spmem:s4] =	stream.linear.scatter [tilespmem:s8], [sflag:$0x2], $0x280, $0x38;
	[tilespmem:$0x5580] =	vst v63  }
0x40: {  	_ =	swait.ge [sflag:s9], $0x280  }
0x41: {  	[sflag:s9] =	ssyncset.done $0x0  }
0x42: {  	[sflag:s9] =	ssyncadd.s32 $0xFFFFFD80  }
0x43: {  	[tilespmem:s3], [sflag:$0x2] =	stream.linear.gather [hbm4b:s5+s3], $0x5000, $0x38;
	[tilespmem:$0x5580] =	vst v63  }
0x44: {  	_ =	swait.ge [sflag:s9], $0x5000  }
0x45: {  	[sflag:s9] =	ssyncset.done $0x0  }
0x46: {  	[sflag:s9] =	ssyncadd.s32 $0xFFFFB000  }
0x47: {  	s17 =	simm.s32 $0x0;
	[bflag:$0x0] =	sbarrier.arrive $0xFFFF  }
0x48: {  	[spmem:s2] =	stream.indirect.scatter.add.f32 [tilespmem:s11], [sflag:$0x1], $0x1, s17, s10, $0xb8;
	[tilespmem:$0x5580] =	vst v63  }
0x49: {  	s29 =	simm.s32 $0x80  }
0x4a: {  	[spmem:s2] =	stream.indirect.scatter.add.f32 [tilespmem:s11], [sflag:$0x1], $0x1, s29, s10, $0xb8;
	[tilespmem:$0x5580] =	vst v63  }
0x4b: {  	s30 =	simm.s32 $0x100  }
0x4c: {  	[spmem:s2] =	stream.indirect.scatter.add.f32 [tilespmem:s11], [sflag:$0x1], $0x1, s30, s10, $0xb8;
	[tilespmem:$0x5580] =	vst v63  }
0x4d: {  	s31 =	simm.s32 $0x180  }
0x4e: {  	[spmem:s2] =	stream.indirect.scatter.add.f32 [tilespmem:s11], [sflag:$0x1], $0x1, s31, s10, $0xb8;
	[tilespmem:$0x5580] =	vst v63  }
0x4f: {  	_ =	swait.ge [sflag:s12], $0x80  }
0x50: {  	[sflag:s12] =	ssyncset.done $0x0  }
0x51: {  	[sflag:s12] =	ssyncadd.s32 $0xFFFFFF80  }
0x52: {  	_ =	swait.ge [sflag:s12], $0x80  }
0x53: {  	[sflag:s12] =	ssyncset.done $0x0  }
0x54: {  	[sflag:s12] =	ssyncadd.s32 $0xFFFFFF80  }
0x55: {  	_ =	swait.ge [sflag:s12], $0x80  }
0x56: {  	[sflag:s12] =	ssyncset.done $0x0  }
0x57: {  	[sflag:s12] =	ssyncadd.s32 $0xFFFFFF80  }
0x58: {  	_ =	swait.ge [sflag:s12], $0x80  }
0x59: {  	s18 =	simm.s32 $0x1000;
	s17 =	simm.s32 $0x800;
	[sflag:s12] =	ssyncset.done $0x0  }
.LBB2_2:
0x5a: {  	s19 =	sshra.s32 s17, $0x2  }
0x5b: {  	[sflag:s12] =	ssyncadd.s32 $0xFFFFFF80;
	s17 =	smov.u32 s18;
	s20 =	sadd.s32 $0x800, s18  }
0x5c: {  	[spmem:s2] =	stream.indirect.scatter.add.f32 [tilespmem:s11], [sflag:$0x1], $0x1, s19, s10, $0xb8;
	[tilespmem:$0x5580] =	vst v63  }
0x5d: {  	p0 =	sne.s32 s18, $0x13800;
	s18 =	sadd.s32 $0x80, s19  }
0x5e: {  	[spmem:s2] =	stream.indirect.scatter.add.f32 [tilespmem:s11], [sflag:$0x1], $0x1, s18, s10, $0xb8;
	[tilespmem:$0x5580] =	vst v63  }
0x5f: {  	s18 =	sadd.s32 $0x100, s19  }
0x60: {  	[spmem:s2] =	stream.indirect.scatter.add.f32 [tilespmem:s11], [sflag:$0x1], $0x1, s18, s10, $0xb8;
	[tilespmem:$0x5580] =	vst v63  }
0x61: {  	s18 =	sadd.s32 $0x180, s19  }
0x62: {  	[spmem:s2] =	stream.indirect.scatter.add.f32 [tilespmem:s11], [sflag:$0x1], $0x1, s18, s10, $0xb8;
	[tilespmem:$0x5580] =	vst v63  }
0x63: {  	_ =	swait.ge [sflag:s12], $0x80  }
0x64: {  	[sflag:s12] =	ssyncset.done $0x0  }
0x65: {  	[sflag:s12] =	ssyncadd.s32 $0xFFFFFF80  }
0x66: {  	_ =	swait.ge [sflag:s12], $0x80  }
0x67: {  	[sflag:s12] =	ssyncset.done $0x0  }
0x68: {  	[sflag:s12] =	ssyncadd.s32 $0xFFFFFF80  }
.Ltmp0:
0x69: {  	_ =	swait.ge [sflag:s12], $0x80;
	(pc) =	sbr.rel @p0 .LBB2_2-.Ltmp0, $4  }
0x6a: {  	[sflag:s12] =	ssyncset.done $0x0  }
0x6b: {  	[sflag:s12] =	ssyncadd.s32 $0xFFFFFF80  }
0x6c: {  	_ =	swait.ge [sflag:s12], $0x80  }
0x6d: {  	s18 =	smov.u32 s20;
	[sflag:s12] =	ssyncset.done $0x0  }
0x6e: {  	s17 =	sshra.s32 s17, $0x2;
	[sflag:s12] =	ssyncadd.s32 $0xFFFFFF80  }
0x6f: {  	[spmem:s2] =	stream.indirect.scatter.add.f32 [tilespmem:s11], [sflag:$0x1], $0x1, s17, s10, $0xb8;
	[tilespmem:$0x5580] =	vst v63  }
0x70: {  	s18 =	sadd.s32 $0x80, s17  }
0x71: {  	[spmem:s2] =	stream.indirect.scatter.add.f32 [tilespmem:s11], [sflag:$0x1], $0x1, s18, s10, $0xb8;
	[tilespmem:$0x5580] =	vst v63  }
0x72: {  	s31 =	sadd.s32 $0x100, s17  }
0x73: {  	[spmem:s2] =	stream.indirect.scatter.add.f32 [tilespmem:s11], [sflag:$0x1], $0x1, s31, s10, $0xb8;
	[tilespmem:$0x5580] =	vst v63  }
0x74: {  	s17 =	sadd.s32 $0x180, s17  }
0x75: {  	[spmem:s2] =	stream.indirect.scatter.add.f32 [tilespmem:s11], [sflag:$0x1], $0x1, s17, s10, $0xb8;
	[tilespmem:$0x5580] =	vst v63  }
0x76: {  	_ =	swait.ge [sflag:s12], $0x80  }
0x77: {  	[sflag:s12] =	ssyncset.done $0x0  }
0x78: {  	[sflag:s12] =	ssyncadd.s32 $0xFFFFFF80  }
0x79: {  	_ =	swait.ge [sflag:s12], $0x80  }
0x7a: {  	[sflag:s12] =	ssyncset.done $0x0  }
0x7b: {  	[sflag:s12] =	ssyncadd.s32 $0xFFFFFF80  }
0x7c: {  	_ =	swait.ge [sflag:s12], $0x80  }
0x7d: {  	[sflag:s12] =	ssyncset.done $0x0  }
0x7e: {  	[sflag:s12] =	ssyncadd.s32 $0xFFFFFF80  }
0x7f: {  	_ =	swait.ge [sflag:s12], $0x80  }
0x80: {  	s16 =	sadd.s32 $0x1, s16;
	[sflag:s12] =	ssyncset.done $0x0  }
0x81: {  	p0 =	sne.s32 s16, s7;
	[sflag:s12] =	ssyncadd.s32 $0xFFFFFF80  }
.Ltmp1:
0x82: {  	[bflag:$0x0] =	sbarrier.arrive $0xFFFF;
	(pc) =	sbr.rel @p0 .LBB2_1-.Ltmp1, $4  }
0x83: {  	[hbm:s6@s10], [sflag:s13] =	dma.strided [spmem:s14@s15], $0x50, s12, $0x10   }
0x84: {  	_ =	swait.ge [sflag:s9], $0x50  }
0x85: {  	[sflag:s9] =	ssyncset.done $0x0  }
0x86: {  	[sflag:s9] =	ssyncadd.s32 $0xFFFFFFB0  }
0x87: {  	_ =	sfence.sel $0x180000  }
0x88: {  	[bflag:$0x0] =	sbarrier.arrive $0xFFFF  }
0x89: {  	p0 =	sne.s32 s0, $0x0;
	_ =	strace $0x90000047  }
0x8a: {  	s0 =	sadd.s32 @!p0 $0x100000, s1;
	[bflag:$0x2] =	sbarrier.arrive $0xFFFF  }
0x8b: {  	[sflag:s0] =	ssyncadd.tile.s32 @!p0 $0x1;
	_ =	shalt  }
.Lfunc_end2:
_tile_overlayer_lowered:
.L_overlay_start_2:
0x8c: {  	(tag) =	ssettag $0x2  }
0x8d: {  	s0 =	rddreg [dreg:$0x0];
	s2 =	stileid.u32  }
0x8e: {  	s1 =	rddreg [dreg:$0x1];
	p0 =	sne.s32 s2, $0x0  }
0x8f: {  	s3 =	rddreg [dreg:$0x2];
	[bflag:$0x3] =	sbarrier.arrive $0xFFFF;
	s2 =	simm.s32 @!p0 $0x1C02  }
0x90: {  	[timem:s3], [sflag:s2] =	dma.local @!p0 [hbm:s0], s1  }
0x91: {  	s0 =	simm.s32 @!p0 $0x2  }
0x92: {  	_ =	swait.ge @!p0 [sflag:s0], s1  }
0x93: {  	s1 =	ssub.s32 @!p0 $0x0, s1;
	[sflag:s0] =	ssyncset.done @!p0 $0x0  }
0x94: {  	[sflag:s0] =	ssyncadd.s32 @!p0 s1  }
0x95: {  	[bflag:$0x3] =	sbarrier.arrive $0xFFFF  }
0x96: {  	_ =	shalt  }

</sc_bundles>
